<compile_context>
chip_gen: v7x
topology: tpu7x:2x2x1
jax: 0.10.2.dev20260603
libtpu: 0.0.44.dev20260713+nightly
codegen_flags: <defaults>
</compile_context>

<pallas_src>
import functools

import jax
import jax.numpy as jnp
from jax import lax
from jax.experimental import pallas as pl
from jax.experimental.pallas import tpu as pltpu
from jax.experimental.pallas import tpu_sc as plsc

N_NODES = 10000
N_EDGES = 320000
D = 128

NC = 2
NS = 16
NW = NC * NS
NPAD = 10240
ROWS = NPAD // NS
EPT = N_EDGES // NW
K = 80
ITERS = EPT // K

_mesh = plsc.VectorSubcoreMesh(core_axis_name="c", subcore_axis_name="s")


NBUF = 5
DGROUPS = ITERS // NBUF


def _deg_body(dst2, ones_hbm, z128, out_hbm, i0, i1, i2, i3, i4, ones_v, s0,
              s1, s2, s3, s4, shared):
    c = lax.axis_index("c")
    s = lax.axis_index("s")
    w = c * NS + s
    idx = [i0, i1, i2, i3, i4]
    sems = [s0, s1, s2, s3, s4]
    pltpu.sync_copy(ones_hbm, ones_v)
    pltpu.sync_copy(z128, shared.at[pl.ds(s * ROWS, ROWS)])
    plsc.subcore_barrier()

    for b in range(NBUF):
        pltpu.sync_copy(dst2.at[w * ITERS + b], idx[b])
        pltpu.async_copy(ones_v, shared.at[idx[b]], sems[b], add=True)

    def group(gi, carry):
        for b in range(NBUF):
            nxt = gi * NBUF + b + NBUF
            pltpu.make_async_copy(ones_v, shared.at[idx[b]], sems[b]).wait()
            pltpu.sync_copy(dst2.at[w * ITERS + nxt], idx[b])
            pltpu.async_copy(ones_v, shared.at[idx[b]], sems[b], add=True)
        return carry

    lax.fori_loop(0, DGROUPS - 1, group, 0)
    for b in range(NBUF):
        pltpu.make_async_copy(ones_v, shared.at[idx[b]], sems[b]).wait()
    plsc.subcore_barrier()
    pltpu.sync_copy(shared.at[pl.ds(s * ROWS, ROWS)],
                    out_hbm.at[pl.ds(c * NPAD + s * ROWS, ROWS)])


_deg_call = pl.kernel(
    _deg_body,
    out_type=jax.ShapeDtypeStruct((NC * NPAD, D), jnp.float32),
    mesh=_mesh,
    scratch_types=(
        [pltpu.VMEM((K,), jnp.int32)] * NBUF
        + [pltpu.VMEM((K, D), jnp.float32)]
        + [pltpu.SemaphoreType.DMA] * NBUF
        + [pltpu.VMEM_SHARED((NPAD, D), jnp.float32)]
    ),
)


def _edge_body(ei3, y_hbm, z128, out_hbm, x00, x01, x10, x11, r0, r1, g0, g1,
               i00, i01, i10, i11, shared):
    c = lax.axis_index("c")
    s = lax.axis_index("s")
    w = c * NS + s
    base = w * ITERS
    idx = [[x00, x01], [x10, x11]]
    isem = [[i00, i01], [i10, i11]]
    rows = [r0, r1]
    gsem = [g0, g1]
    pltpu.sync_copy(z128, shared.at[pl.ds(s * ROWS, ROWS)])
    plsc.subcore_barrier()

    pltpu.sync_copy(ei3.at[base], idx[0][0])
    pltpu.sync_copy(ei3.at[base + 1], idx[1][0])
    pltpu.async_copy(ei3.at[base + 2], idx[0][1], isem[0][1])
    pltpu.async_copy(ei3.at[base + 3], idx[1][1], isem[1][1])
    for b in range(2):
        pltpu.async_copy(y_hbm.at[idx[b][0].at[0]], rows[b], gsem[b])

    def _step(ci, b, p, gather_next, refill):
        pltpu.make_async_copy(y_hbm.at[idx[b][p].at[0]], rows[b],
                              gsem[b]).wait()
        pltpu.sync_copy(rows[b], shared.at[idx[b][p].at[1]], add=True)
        if gather_next:
            pltpu.make_async_copy(ei3.at[base], idx[b][1 - p],
                                  isem[b][1 - p]).wait()
            pltpu.async_copy(y_hbm.at[idx[b][1 - p].at[0]], rows[b], gsem[b])
        if refill:
            pltpu.async_copy(ei3.at[base + ci + 4], idx[b][p], isem[b][p])

    def group(gi, carry):
        for k in range(4):
            ci = gi * 4 + k
            _step(ci, k % 2, (k // 2) % 2, True, True)
        return carry

    lax.fori_loop(0, (ITERS - 5) // 4, group, 0)
    t = ITERS - 5
    _step(t, 0, 0, True, False)
    pltpu.async_copy(ei3.at[base + ITERS - 1], idx[0][0], isem[0][0])
    _step(t + 1, 1, 0, True, False)
    _step(t + 2, 0, 1, True, False)
    _step(t + 3, 1, 1, False, False)
    _step(t + 4, 0, 0, False, False)

    plsc.subcore_barrier()
    pltpu.sync_copy(shared.at[pl.ds(s * ROWS, ROWS)],
                    out_hbm.at[pl.ds(c * NPAD + s * ROWS, ROWS)])


_edge_call = pl.kernel(
    _edge_body,
    out_type=jax.ShapeDtypeStruct((NC * NPAD, D), jnp.float32),
    mesh=_mesh,
    scratch_types=(
        [pltpu.VMEM((2, K), jnp.int32)] * 4
        + [pltpu.VMEM((K, D), jnp.float32)] * 2
        + [pltpu.SemaphoreType.DMA] * 2
        + [pltpu.SemaphoreType.DMA] * 4
        + [pltpu.VMEM_SHARED((NPAD, D), jnp.float32)]
    ),
)

BM = 1000
GRID = N_NODES // BM


def _dinv(dp_ref):
    return lax.rsqrt(1.0 + dp_ref[0, :, 0] + dp_ref[1, :, 0])


def _mm_scale_body(dp_ref, x_ref, w_ref, o_ref):
    dinv = _dinv(dp_ref)
    o_ref[...] = jnp.dot(x_ref[...], w_ref[...],
                         preferred_element_type=jnp.float32) * dinv[:, None]


def _mid_body(dp_ref, a_ref, y_ref, b_ref, w_ref, o_ref):
    dinv = _dinv(dp_ref)
    h = jnp.maximum(
        (a_ref[0] + a_ref[1] + y_ref[...]) * dinv[:, None] + b_ref[...], 0.0)
    o_ref[...] = jnp.dot(h, w_ref[...],
                         preferred_element_type=jnp.float32) * dinv[:, None]


def _out_body(dp_ref, a_ref, y_ref, b_ref, o_ref):
    dinv = _dinv(dp_ref)
    o_ref[...] = jnp.maximum(
        (a_ref[0] + a_ref[1] + y_ref[...]) * dinv[:, None] + b_ref[...], 0.0)


_dp_spec = pl.BlockSpec((2, BM, D), lambda i: (0, i, 0))
_a_spec = pl.BlockSpec((2, BM, D), lambda i: (0, i, 0))
_row_spec = pl.BlockSpec((BM, D), lambda i: (i, 0))
_w_spec = pl.BlockSpec((D, D), lambda i: (0, 0))
_b_spec = pl.BlockSpec((1, D), lambda i: (0, 0))
_o_shape = jax.ShapeDtypeStruct((N_NODES, D), jnp.float32)

_mm_scale = pl.pallas_call(
    _mm_scale_body, grid=(GRID,),
    in_specs=[_dp_spec, _row_spec, _w_spec],
    out_specs=_row_spec, out_shape=_o_shape)

_mid = pl.pallas_call(
    _mid_body, grid=(GRID,),
    in_specs=[_dp_spec, _a_spec, _row_spec, _b_spec, _w_spec],
    out_specs=_row_spec, out_shape=_o_shape)

_out = pl.pallas_call(
    _out_body, grid=(GRID,),
    in_specs=[_dp_spec, _a_spec, _row_spec, _b_spec],
    out_specs=_row_spec, out_shape=_o_shape)


@jax.jit
def kernel(x, edge_index, W1, b1, W2, b2):
    src2 = edge_index[0].reshape(NW * ITERS, K)
    dst2 = edge_index[1].reshape(NW * ITERS, K)
    ei3 = jnp.stack([src2, dst2], axis=1)
    ones128 = jnp.ones((K, D), jnp.float32)
    z128 = jnp.zeros((ROWS, D), jnp.float32)

    dp = _deg_call(dst2, ones128, z128).reshape(NC, NPAD, D)
    y1 = _mm_scale(dp, x, W1)
    a1 = _edge_call(ei3, y1, z128).reshape(NC, NPAD, D)
    y2 = _mid(dp, a1, y1, b1.reshape(1, D), W2)
    a2 = _edge_call(ei3, y2, z128).reshape(NC, NPAD, D)
    return _out(dp, a2, y2, b2.reshape(1, D))

# --- scband reference (transcript-rebuilt; emitter-appended) ---
"""Pipeline reference for scband-gcnencoder-43258910605759 (READ-ONLY COPY).

The authoritative reference and input builder live on the scoring server;
editing this copy changes nothing except your own understanding.
"""

import jax, jax.numpy as jnp
import numpy as np

N = 10000
E = 320000
D_IN = 128
D_OUT = 128


def setup_inputs(seed: int = 0) -> dict:
    key = jax.random.key(seed)
    ks = jax.random.split(key, 5)
    x = jax.random.normal(ks[0], (N, D_IN), dtype=jnp.float32)
    edge_index = jax.random.randint(ks[1], (2, E), 0, N, dtype=jnp.int32)
    s1 = 1.0 / np.sqrt(D_IN)
    W1 = jax.random.uniform(ks[2], (D_IN, D_OUT), minval=-s1, maxval=s1, dtype=jnp.float32)
    b1 = jnp.zeros((D_OUT,), dtype=jnp.float32)
    s2 = 1.0 / np.sqrt(D_OUT)
    W2 = jax.random.uniform(ks[3], (D_OUT, D_OUT), minval=-s2, maxval=s2, dtype=jnp.float32)
    b2 = jnp.zeros((D_OUT,), dtype=jnp.float32)
    return {"x": x, "edge_index": edge_index, "W1": W1, "b1": b1, "W2": W2, "b2": b2}


def _gcn_conv(x, edge_index, W, b):
    # PyG GCNConv: x' = D^{-1/2} (A + I) D^{-1/2} X W + b, edge_weight=None -> all ones
    n = x.shape[0]
    src = edge_index[0]
    dst = edge_index[1]
    loop = jnp.arange(n, dtype=src.dtype)
    src = jnp.concatenate([src, loop])
    dst = jnp.concatenate([dst, loop])
    ew = jnp.ones(src.shape[0], dtype=x.dtype)
    deg = jax.ops.segment_sum(ew, dst, num_segments=n)
    dinv = jnp.where(deg > 0, jax.lax.rsqrt(deg), 0.0)
    norm = dinv[src] * dinv[dst]
    xw = x @ W
    msg = jnp.take(xw, src, axis=0) * norm[:, None]
    out = jax.ops.segment_sum(msg, dst, num_segments=n)
    return out + b


def reference(x, edge_index, W1, b1, W2, b2):
    h = jax.nn.relu(_gcn_conv(x, edge_index, W1, b1))
    return jax.nn.relu(_gcn_conv(h, edge_index, W2, b2))

if __name__ == "__main__":
    import jax
    _d = setup_inputs()
    print(jax.jit(kernel)(*tuple(_d.values())))

</pallas_src>

<mosaic_0001>
#map = affine_map<(d0, d1) -> (0, 0)>
module attributes {stable_mosaic.version = 14 : i64} {
  func.func @_deg_body(%arg0: i32, %arg1: i32, %arg2: memref<4000x80xi32, #tpu.memory_space<hbm>>, %arg3: memref<80x128xf32, #tpu.memory_space<hbm>>, %arg4: memref<640x128xf32, #tpu.memory_space<hbm>>, %arg5: memref<20480x128xf32, #tpu.memory_space<hbm>>, %arg6: memref<80xi32, #tpu.memory_space<vmem>>, %arg7: memref<80xi32, #tpu.memory_space<vmem>>, %arg8: memref<80xi32, #tpu.memory_space<vmem>>, %arg9: memref<80xi32, #tpu.memory_space<vmem>>, %arg10: memref<80xi32, #tpu.memory_space<vmem>>, %arg11: memref<80x128xf32, #tpu.memory_space<vmem>>, %arg12: memref<!tpu.dma_semaphore, #tpu.memory_space<semaphore_mem>>, %arg13: memref<!tpu.dma_semaphore, #tpu.memory_space<semaphore_mem>>, %arg14: memref<!tpu.dma_semaphore, #tpu.memory_space<semaphore_mem>>, %arg15: memref<!tpu.dma_semaphore, #tpu.memory_space<semaphore_mem>>, %arg16: memref<!tpu.dma_semaphore, #tpu.memory_space<semaphore_mem>>, %arg17: memref<10240x128xf32, #tpu.memory_space<vmem_shared>>) attributes {dimension_semantics = [#tpu.dimension_semantics<core_parallel>, #tpu.dimension_semantics<subcore_parallel>], iteration_bounds = array<i64: 2, 16>, scalar_prefetch = 0 : i64, scratch_operands = 12 : i64, tpu.core_type = #tpu.core_type<sc_vector_subcore>, window_params = [{transform_indices = #map}, {transform_indices = #map}, {transform_indices = #map}, {transform_indices = #map}]} {
    %mul3A = arith.constant 16 : i32
    %mul3A_0 = arith.muli %arg0, %mul3A : i32
    %add3A = arith.addi %mul3A_0, %arg1 : i32
    "tpu.region"() ({
      %run_scoped3A = tpu.sem_alloc : memref<!tpu.dma_semaphore, #tpu.memory_space<semaphore_mem>>
      tpu.enqueue_dma source(%arg3 : memref<80x128xf32, #tpu.memory_space<hbm>>) target(%arg11 : memref<80x128xf32, #tpu.memory_space<vmem>>) target_semaphore(%run_scoped3A : memref<!tpu.dma_semaphore, #tpu.memory_space<semaphore_mem>>)
      tpu.wait_dma2 semaphore(%run_scoped3A : memref<!tpu.dma_semaphore, #tpu.memory_space<semaphore_mem>>) src(%arg3 : memref<80x128xf32, #tpu.memory_space<hbm>>) dst(%arg11 : memref<80x128xf32, #tpu.memory_space<vmem>>)
      tpu.yield
    }) : () -> ()
    %mul3A_1 = arith.constant 640 : i32
    %mul3A_2 = arith.muli %arg1, %mul3A_1 : i32
    "tpu.region"() ({
      %run_scoped3A = tpu.sem_alloc : memref<!tpu.dma_semaphore, #tpu.memory_space<semaphore_mem>>
      %dma_start3A_64 = arith.constant 0 : i32
      %dma_start3A_65 = tpu.memref_slice %arg17[%mul3A_2, %dma_start3A_64] : memref<10240x128xf32, #tpu.memory_space<vmem_shared>> -> memref<640x128xf32, #tpu.memory_space<vmem_shared>>
      tpu.enqueue_dma source(%arg4 : memref<640x128xf32, #tpu.memory_space<hbm>>) target(%dma_start3A_65 : memref<640x128xf32, #tpu.memory_space<vmem_shared>>) target_semaphore(%run_scoped3A : memref<!tpu.dma_semaphore, #tpu.memory_space<semaphore_mem>>)
      %dma_wait3A_66 = arith.constant 0 : i32
      %dma_wait3A_67 = tpu.memref_slice %arg17[%mul3A_2, %dma_wait3A_66] : memref<10240x128xf32, #tpu.memory_space<vmem_shared>> -> memref<640x128xf32, #tpu.memory_space<vmem_shared>>
      tpu.wait_dma2 semaphore(%run_scoped3A : memref<!tpu.dma_semaphore, #tpu.memory_space<semaphore_mem>>) src(%arg4 : memref<640x128xf32, #tpu.memory_space<hbm>>) dst(%dma_wait3A_67 : memref<640x128xf32, #tpu.memory_space<vmem_shared>>)
      tpu.yield
    }) : () -> ()
    %barrier3A = arith.constant 0 : index
    tpu.barrier barrier_id(%barrier3A)
    %mul3A_3 = arith.constant 125 : i32
    %mul3A_4 = arith.muli %add3A, %mul3A_3 : i32
    %add3A_5 = arith.constant 0 : i32
    %add3A_6 = arith.addi %mul3A_4, %add3A_5 : i32
    "tpu.region"() ({
      %run_scoped3A = tpu.sem_alloc : memref<!tpu.dma_semaphore, #tpu.memory_space<semaphore_mem>>
      %dma_start3A_64 = arith.constant 0 : i32
      %dma_start3A_65 = tpu.memref_slice %arg2[%add3A_6, %dma_start3A_64] : memref<4000x80xi32, #tpu.memory_space<hbm>> -> memref<1x80xi32, #tpu.memory_space<hbm>>
      %dma_start3A_66 = tpu.memref_squeeze %dma_start3A_65 : memref<1x80xi32, #tpu.memory_space<hbm>> -> memref<80xi32, #tpu.memory_space<hbm>>
      %dma_start3A_67 = arith.constant 0 : i32
      %dma_start3A_68 = tpu.memref_slice %arg2[%add3A_6, %dma_start3A_67] : memref<4000x80xi32, #tpu.memory_space<hbm>> -> memref<1x80xi32, #tpu.memory_space<hbm>>
      %dma_start3A_69 = tpu.memref_squeeze %dma_start3A_68 : memref<1x80xi32, #tpu.memory_space<hbm>> -> memref<80xi32, #tpu.memory_space<hbm>>
      tpu.enqueue_dma source(%dma_start3A_69 : memref<80xi32, #tpu.memory_space<hbm>>) target(%arg6 : memref<80xi32, #tpu.memory_space<vmem>>) target_semaphore(%run_scoped3A : memref<!tpu.dma_semaphore, #tpu.memory_space<semaphore_mem>>)
      %dma_wait3A_70 = arith.constant 0 : i32
      %dma_wait3A_71 = tpu.memref_slice %arg2[%add3A_6, %dma_wait3A_70] : memref<4000x80xi32, #tpu.memory_space<hbm>> -> memref<1x80xi32, #tpu.memory_space<hbm>>
      %dma_wait3A_72 = tpu.memref_squeeze %dma_wait3A_71 : memref<1x80xi32, #tpu.memory_space<hbm>> -> memref<80xi32, #tpu.memory_space<hbm>>
      %dma_wait3A_73 = arith.constant 0 : i32
      %dma_wait3A_74 = tpu.memref_slice %arg2[%add3A_6, %dma_wait3A_73] : memref<4000x80xi32, #tpu.memory_space<hbm>> -> memref<1x80xi32, #tpu.memory_space<hbm>>
      %dma_wait3A_75 = tpu.memref_squeeze %dma_wait3A_74 : memref<1x80xi32, #tpu.memory_space<hbm>> -> memref<80xi32, #tpu.memory_space<hbm>>
      tpu.wait_dma2 semaphore(%run_scoped3A : memref<!tpu.dma_semaphore, #tpu.memory_space<semaphore_mem>>) src(%dma_wait3A_75 : memref<80xi32, #tpu.memory_space<hbm>>) dst(%arg6 : memref<80xi32, #tpu.memory_space<vmem>>)
      tpu.yield
    }) : () -> ()
    %dma_start3A = arith.constant 0 : i32
    %dma_start3A_7 = arith.constant 0 : i32
    %dma_start3A_8 = tpu.memref_slice %arg17[%dma_start3A, %dma_start3A_7] : memref<10240x128xf32, #tpu.memory_space<vmem_shared>> -> memref<10240x128xf32, #tpu.memory_space<vmem_shared>>
    tpu.enqueue_indirect_dma source(%arg11 : memref<80x128xf32, #tpu.memory_space<vmem>>) target(%dma_start3A_8 : memref<10240x128xf32, #tpu.memory_space<vmem_shared>>) offsets(%arg6 : memref<80xi32, #tpu.memory_space<vmem>>) semaphore(%arg12 : memref<!tpu.dma_semaphore, #tpu.memory_space<semaphore_mem>>) {add = true}
    %mul3A_9 = arith.constant 125 : i32
    %mul3A_10 = arith.muli %add3A, %mul3A_9 : i32
    %add3A_11 = arith.constant 1 : i32
    %add3A_12 = arith.addi %mul3A_10, %add3A_11 : i32
    "tpu.region"() ({
      %run_scoped3A = tpu.sem_alloc : memref<!tpu.dma_semaphore, #tpu.memory_space<semaphore_mem>>
      %dma_start3A_64 = arith.constant 0 : i32
      %dma_start3A_65 = tpu.memref_slice %arg2[%add3A_12, %dma_start3A_64] : memref<4000x80xi32, #tpu.memory_space<hbm>> -> memref<1x80xi32, #tpu.memory_space<hbm>>
      %dma_start3A_66 = tpu.memref_squeeze %dma_start3A_65 : memref<1x80xi32, #tpu.memory_space<hbm>> -> memref<80xi32, #tpu.memory_space<hbm>>
      %dma_start3A_67 = arith.constant 0 : i32
      %dma_start3A_68 = tpu.memref_slice %arg2[%add3A_12, %dma_start3A_67] : memref<4000x80xi32, #tpu.memory_space<hbm>> -> memref<1x80xi32, #tpu.memory_space<hbm>>
      %dma_start3A_69 = tpu.memref_squeeze %dma_start3A_68 : memref<1x80xi32, #tpu.memory_space<hbm>> -> memref<80xi32, #tpu.memory_space<hbm>>
      tpu.enqueue_dma source(%dma_start3A_69 : memref<80xi32, #tpu.memory_space<hbm>>) target(%arg7 : memref<80xi32, #tpu.memory_space<vmem>>) target_semaphore(%run_scoped3A : memref<!tpu.dma_semaphore, #tpu.memory_space<semaphore_mem>>)
      %dma_wait3A_70 = arith.constant 0 : i32
      %dma_wait3A_71 = tpu.memref_slice %arg2[%add3A_12, %dma_wait3A_70] : memref<4000x80xi32, #tpu.memory_space<hbm>> -> memref<1x80xi32, #tpu.memory_space<hbm>>
      %dma_wait3A_72 = tpu.memref_squeeze %dma_wait3A_71 : memref<1x80xi32, #tpu.memory_space<hbm>> -> memref<80xi32, #tpu.memory_space<hbm>>
      %dma_wait3A_73 = arith.constant 0 : i32
      %dma_wait3A_74 = tpu.memref_slice %arg2[%add3A_12, %dma_wait3A_73] : memref<4000x80xi32, #tpu.memory_space<hbm>> -> memref<1x80xi32, #tpu.memory_space<hbm>>
      %dma_wait3A_75 = tpu.memref_squeeze %dma_wait3A_74 : memref<1x80xi32, #tpu.memory_space<hbm>> -> memref<80xi32, #tpu.memory_space<hbm>>
      tpu.wait_dma2 semaphore(%run_scoped3A : memref<!tpu.dma_semaphore, #tpu.memory_space<semaphore_mem>>) src(%dma_wait3A_75 : memref<80xi32, #tpu.memory_space<hbm>>) dst(%arg7 : memref<80xi32, #tpu.memory_space<vmem>>)
      tpu.yield
    }) : () -> ()
    %dma_start3A_13 = arith.constant 0 : i32
    %dma_start3A_14 = arith.constant 0 : i32
    %dma_start3A_15 = tpu.memref_slice %arg17[%dma_start3A_13, %dma_start3A_14] : memref<10240x128xf32, #tpu.memory_space<vmem_shared>> -> memref<10240x128xf32, #tpu.memory_space<vmem_shared>>
    tpu.enqueue_indirect_dma source(%arg11 : memref<80x128xf32, #tpu.memory_space<vmem>>) target(%dma_start3A_15 : memref<10240x128xf32, #tpu.memory_space<vmem_shared>>) offsets(%arg7 : memref<80xi32, #tpu.memory_space<vmem>>) semaphore(%arg13 : memref<!tpu.dma_semaphore, #tpu.memory_space<semaphore_mem>>) {add = true}
    %mul3A_16 = arith.constant 125 : i32
    %mul3A_17 = arith.muli %add3A, %mul3A_16 : i32
    %add3A_18 = arith.constant 2 : i32
    %add3A_19 = arith.addi %mul3A_17, %add3A_18 : i32
    "tpu.region"() ({
      %run_scoped3A = tpu.sem_alloc : memref<!tpu.dma_semaphore, #tpu.memory_space<semaphore_mem>>
      %dma_start3A_64 = arith.constant 0 : i32
      %dma_start3A_65 = tpu.memref_slice %arg2[%add3A_19, %dma_start3A_64] : memref<4000x80xi32, #tpu.memory_space<hbm>> -> memref<1x80xi32, #tpu.memory_space<hbm>>
      %dma_start3A_66 = tpu.memref_squeeze %dma_start3A_65 : memref<1x80xi32, #tpu.memory_space<hbm>> -> memref<80xi32, #tpu.memory_space<hbm>>
      %dma_start3A_67 = arith.constant 0 : i32
      %dma_start3A_68 = tpu.memref_slice %arg2[%add3A_19, %dma_start3A_67] : memref<4000x80xi32, #tpu.memory_space<hbm>> -> memref<1x80xi32, #tpu.memory_space<hbm>>
      %dma_start3A_69 = tpu.memref_squeeze %dma_start3A_68 : memref<1x80xi32, #tpu.memory_space<hbm>> -> memref<80xi32, #tpu.memory_space<hbm>>
      tpu.enqueue_dma source(%dma_start3A_69 : memref<80xi32, #tpu.memory_space<hbm>>) target(%arg8 : memref<80xi32, #tpu.memory_space<vmem>>) target_semaphore(%run_scoped3A : memref<!tpu.dma_semaphore, #tpu.memory_space<semaphore_mem>>)
      %dma_wait3A_70 = arith.constant 0 : i32
      %dma_wait3A_71 = tpu.memref_slice %arg2[%add3A_19, %dma_wait3A_70] : memref<4000x80xi32, #tpu.memory_space<hbm>> -> memref<1x80xi32, #tpu.memory_space<hbm>>
      %dma_wait3A_72 = tpu.memref_squeeze %dma_wait3A_71 : memref<1x80xi32, #tpu.memory_space<hbm>> -> memref<80xi32, #tpu.memory_space<hbm>>
      %dma_wait3A_73 = arith.constant 0 : i32
      %dma_wait3A_74 = tpu.memref_slice %arg2[%add3A_19, %dma_wait3A_73] : memref<4000x80xi32, #tpu.memory_space<hbm>> -> memref<1x80xi32, #tpu.memory_space<hbm>>
      %dma_wait3A_75 = tpu.memref_squeeze %dma_wait3A_74 : memref<1x80xi32, #tpu.memory_space<hbm>> -> memref<80xi32, #tpu.memory_space<hbm>>
      tpu.wait_dma2 semaphore(%run_scoped3A : memref<!tpu.dma_semaphore, #tpu.memory_space<semaphore_mem>>) src(%dma_wait3A_75 : memref<80xi32, #tpu.memory_space<hbm>>) dst(%arg8 : memref<80xi32, #tpu.memory_space<vmem>>)
      tpu.yield
    }) : () -> ()
    %dma_start3A_20 = arith.constant 0 : i32
    %dma_start3A_21 = arith.constant 0 : i32
    %dma_start3A_22 = tpu.memref_slice %arg17[%dma_start3A_20, %dma_start3A_21] : memref<10240x128xf32, #tpu.memory_space<vmem_shared>> -> memref<10240x128xf32, #tpu.memory_space<vmem_shared>>
    tpu.enqueue_indirect_dma source(%arg11 : memref<80x128xf32, #tpu.memory_space<vmem>>) target(%dma_start3A_22 : memref<10240x128xf32, #tpu.memory_space<vmem_shared>>) offsets(%arg8 : memref<80xi32, #tpu.memory_space<vmem>>) semaphore(%arg14 : memref<!tpu.dma_semaphore, #tpu.memory_space<semaphore_mem>>) {add = true}
    %mul3A_23 = arith.constant 125 : i32
    %mul3A_24 = arith.muli %add3A, %mul3A_23 : i32
    %add3A_25 = arith.constant 3 : i32
    %add3A_26 = arith.addi %mul3A_24, %add3A_25 : i32
    "tpu.region"() ({
      %run_scoped3A = tpu.sem_alloc : memref<!tpu.dma_semaphore, #tpu.memory_space<semaphore_mem>>
      %dma_start3A_64 = arith.constant 0 : i32
      %dma_start3A_65 = tpu.memref_slice %arg2[%add3A_26, %dma_start3A_64] : memref<4000x80xi32, #tpu.memory_space<hbm>> -> memref<1x80xi32, #tpu.memory_space<hbm>>
      %dma_start3A_66 = tpu.memref_squeeze %dma_start3A_65 : memref<1x80xi32, #tpu.memory_space<hbm>> -> memref<80xi32, #tpu.memory_space<hbm>>
      %dma_start3A_67 = arith.constant 0 : i32
      %dma_start3A_68 = tpu.memref_slice %arg2[%add3A_26, %dma_start3A_67] : memref<4000x80xi32, #tpu.memory_space<hbm>> -> memref<1x80xi32, #tpu.memory_space<hbm>>
      %dma_start3A_69 = tpu.memref_squeeze %dma_start3A_68 : memref<1x80xi32, #tpu.memory_space<hbm>> -> memref<80xi32, #tpu.memory_space<hbm>>
      tpu.enqueue_dma source(%dma_start3A_69 : memref<80xi32, #tpu.memory_space<hbm>>) target(%arg9 : memref<80xi32, #tpu.memory_space<vmem>>) target_semaphore(%run_scoped3A : memref<!tpu.dma_semaphore, #tpu.memory_space<semaphore_mem>>)
      %dma_wait3A_70 = arith.constant 0 : i32
      %dma_wait3A_71 = tpu.memref_slice %arg2[%add3A_26, %dma_wait3A_70] : memref<4000x80xi32, #tpu.memory_space<hbm>> -> memref<1x80xi32, #tpu.memory_space<hbm>>
      %dma_wait3A_72 = tpu.memref_squeeze %dma_wait3A_71 : memref<1x80xi32, #tpu.memory_space<hbm>> -> memref<80xi32, #tpu.memory_space<hbm>>
      %dma_wait3A_73 = arith.constant 0 : i32
      %dma_wait3A_74 = tpu.memref_slice %arg2[%add3A_26, %dma_wait3A_73] : memref<4000x80xi32, #tpu.memory_space<hbm>> -> memref<1x80xi32, #tpu.memory_space<hbm>>
      %dma_wait3A_75 = tpu.memref_squeeze %dma_wait3A_74 : memref<1x80xi32, #tpu.memory_space<hbm>> -> memref<80xi32, #tpu.memory_space<hbm>>
      tpu.wait_dma2 semaphore(%run_scoped3A : memref<!tpu.dma_semaphore, #tpu.memory_space<semaphore_mem>>) src(%dma_wait3A_75 : memref<80xi32, #tpu.memory_space<hbm>>) dst(%arg9 : memref<80xi32, #tpu.memory_space<vmem>>)
      tpu.yield
    }) : () -> ()
    %dma_start3A_27 = arith.constant 0 : i32
    %dma_start3A_28 = arith.constant 0 : i32
    %dma_start3A_29 = tpu.memref_slice %arg17[%dma_start3A_27, %dma_start3A_28] : memref<10240x128xf32, #tpu.memory_space<vmem_shared>> -> memref<10240x128xf32, #tpu.memory_space<vmem_shared>>
    tpu.enqueue_indirect_dma source(%arg11 : memref<80x128xf32, #tpu.memory_space<vmem>>) target(%dma_start3A_29 : memref<10240x128xf32, #tpu.memory_space<vmem_shared>>) offsets(%arg9 : memref<80xi32, #tpu.memory_space<vmem>>) semaphore(%arg15 : memref<!tpu.dma_semaphore, #tpu.memory_space<semaphore_mem>>) {add = true}
    %mul3A_30 = arith.constant 125 : i32
    %mul3A_31 = arith.muli %add3A, %mul3A_30 : i32
    %add3A_32 = arith.constant 4 : i32
    %add3A_33 = arith.addi %mul3A_31, %add3A_32 : i32
    "tpu.region"() ({
      %run_scoped3A = tpu.sem_alloc : memref<!tpu.dma_semaphore, #tpu.memory_space<semaphore_mem>>
      %dma_start3A_64 = arith.constant 0 : i32
      %dma_start3A_65 = tpu.memref_slice %arg2[%add3A_33, %dma_start3A_64] : memref<4000x80xi32, #tpu.memory_space<hbm>> -> memref<1x80xi32, #tpu.memory_space<hbm>>
      %dma_start3A_66 = tpu.memref_squeeze %dma_start3A_65 : memref<1x80xi32, #tpu.memory_space<hbm>> -> memref<80xi32, #tpu.memory_space<hbm>>
      %dma_start3A_67 = arith.constant 0 : i32
      %dma_start3A_68 = tpu.memref_slice %arg2[%add3A_33, %dma_start3A_67] : memref<4000x80xi32, #tpu.memory_space<hbm>> -> memref<1x80xi32, #tpu.memory_space<hbm>>
      %dma_start3A_69 = tpu.memref_squeeze %dma_start3A_68 : memref<1x80xi32, #tpu.memory_space<hbm>> -> memref<80xi32, #tpu.memory_space<hbm>>
      tpu.enqueue_dma source(%dma_start3A_69 : memref<80xi32, #tpu.memory_space<hbm>>) target(%arg10 : memref<80xi32, #tpu.memory_space<vmem>>) target_semaphore(%run_scoped3A : memref<!tpu.dma_semaphore, #tpu.memory_space<semaphore_mem>>)
      %dma_wait3A_70 = arith.constant 0 : i32
      %dma_wait3A_71 = tpu.memref_slice %arg2[%add3A_33, %dma_wait3A_70] : memref<4000x80xi32, #tpu.memory_space<hbm>> -> memref<1x80xi32, #tpu.memory_space<hbm>>
      %dma_wait3A_72 = tpu.memref_squeeze %dma_wait3A_71 : memref<1x80xi32, #tpu.memory_space<hbm>> -> memref<80xi32, #tpu.memory_space<hbm>>
      %dma_wait3A_73 = arith.constant 0 : i32
      %dma_wait3A_74 = tpu.memref_slice %arg2[%add3A_33, %dma_wait3A_73] : memref<4000x80xi32, #tpu.memory_space<hbm>> -> memref<1x80xi32, #tpu.memory_space<hbm>>
      %dma_wait3A_75 = tpu.memref_squeeze %dma_wait3A_74 : memref<1x80xi32, #tpu.memory_space<hbm>> -> memref<80xi32, #tpu.memory_space<hbm>>
      tpu.wait_dma2 semaphore(%run_scoped3A : memref<!tpu.dma_semaphore, #tpu.memory_space<semaphore_mem>>) src(%dma_wait3A_75 : memref<80xi32, #tpu.memory_space<hbm>>) dst(%arg10 : memref<80xi32, #tpu.memory_space<vmem>>)
      tpu.yield
    }) : () -> ()
    %dma_start3A_34 = arith.constant 0 : i32
    %dma_start3A_35 = arith.constant 0 : i32
    %dma_start3A_36 = tpu.memref_slice %arg17[%dma_start3A_34, %dma_start3A_35] : memref<10240x128xf32, #tpu.memory_space<vmem_shared>> -> memref<10240x128xf32, #tpu.memory_space<vmem_shared>>
    tpu.enqueue_indirect_dma source(%arg11 : memref<80x128xf32, #tpu.memory_space<vmem>>) target(%dma_start3A_36 : memref<10240x128xf32, #tpu.memory_space<vmem_shared>>) offsets(%arg10 : memref<80xi32, #tpu.memory_space<vmem>>) semaphore(%arg16 : memref<!tpu.dma_semaphore, #tpu.memory_space<semaphore_mem>>) {add = true}
    %scan3A = arith.constant 0 : i32
    %scan3A_37 = arith.constant 0 : i32
    %scan3A_38 = arith.constant 24 : i32
    %scan3A_39 = arith.addi %scan3A_37, %scan3A_38 : i32
    %scan3A_40 = arith.constant 1 : i32
    scf.for %scan3A_64 = %scan3A_37 to %scan3A_39 step %scan3A_40  : i32 {
      %mul3A_65 = arith.constant 5 : i32
      %mul3A_66 = arith.muli %scan3A_64, %mul3A_65 : i32
      %add3A_67 = arith.constant 0 : i32
      %add3A_68 = arith.addi %mul3A_66, %add3A_67 : i32
      %add3A_69 = arith.constant 5 : i32
      %add3A_70 = arith.addi %add3A_68, %add3A_69 : i32
      %dma_wait3A_71 = arith.constant 0 : i32
      %dma_wait3A_72 = arith.constant 0 : i32
      %dma_wait3A_73 = tpu.memref_slice %arg17[%dma_wait3A_71, %dma_wait3A_72] : memref<10240x128xf32, #tpu.memory_space<vmem_shared>> -> memref<10240x128xf32, #tpu.memory_space<vmem_shared>>
      tpu.wait_indirect_dma semaphore(%arg12 : memref<!tpu.dma_semaphore, #tpu.memory_space<semaphore_mem>>) src(%arg11 : memref<80x128xf32, #tpu.memory_space<vmem>>) dst(%dma_wait3A_73 : memref<10240x128xf32, #tpu.memory_space<vmem_shared>>)
      %mul3A_74 = arith.constant 125 : i32
      %mul3A_75 = arith.muli %add3A, %mul3A_74 : i32
      %add3A_76 = arith.addi %mul3A_75, %add3A_70 : i32
      "tpu.region"() ({
        %run_scoped3A = tpu.sem_alloc : memref<!tpu.dma_semaphore, #tpu.memory_space<semaphore_mem>>
        %dma_start3A_140 = arith.constant 0 : i32
        %dma_start3A_141 = tpu.memref_slice %arg2[%add3A_76, %dma_start3A_140] : memref<4000x80xi32, #tpu.memory_space<hbm>> -> memref<1x80xi32, #tpu.memory_space<hbm>>
        %dma_start3A_142 = tpu.memref_squeeze %dma_start3A_141 : memref<1x80xi32, #tpu.memory_space<hbm>> -> memref<80xi32, #tpu.memory_space<hbm>>
        %dma_start3A_143 = arith.constant 0 : i32
        %dma_start3A_144 = tpu.memref_slice %arg2[%add3A_76, %dma_start3A_143] : memref<4000x80xi32, #tpu.memory_space<hbm>> -> memref<1x80xi32, #tpu.memory_space<hbm>>
        %dma_start3A_145 = tpu.memref_squeeze %dma_start3A_144 : memref<1x80xi32, #tpu.memory_space<hbm>> -> memref<80xi32, #tpu.memory_space<hbm>>
        tpu.enqueue_dma source(%dma_start3A_145 : memref<80xi32, #tpu.memory_space<hbm>>) target(%arg6 : memref<80xi32, #tpu.memory_space<vmem>>) target_semaphore(%run_scoped3A : memref<!tpu.dma_semaphore, #tpu.memory_space<semaphore_mem>>)
        %dma_wait3A_146 = arith.constant 0 : i32
        %dma_wait3A_147 = tpu.memref_slice %arg2[%add3A_76, %dma_wait3A_146] : memref<4000x80xi32, #tpu.memory_space<hbm>> -> memref<1x80xi32, #tpu.memory_space<hbm>>
        %dma_wait3A_148 = tpu.memref_squeeze %dma_wait3A_147 : memref<1x80xi32, #tpu.memory_space<hbm>> -> memref<80xi32, #tpu.memory_space<hbm>>
        %dma_wait3A_149 = arith.constant 0 : i32
        %dma_wait3A_150 = tpu.memref_slice %arg2[%add3A_76, %dma_wait3A_149] : memref<4000x80xi32, #tpu.memory_space<hbm>> -> memref<1x80xi32, #tpu.memory_space<hbm>>
        %dma_wait3A_151 = tpu.memref_squeeze %dma_wait3A_150 : memref<1x80xi32, #tpu.memory_space<hbm>> -> memref<80xi32, #tpu.memory_space<hbm>>
        tpu.wait_dma2 semaphore(%run_scoped3A : memref<!tpu.dma_semaphore, #tpu.memory_space<semaphore_mem>>) src(%dma_wait3A_151 : memref<80xi32, #tpu.memory_space<hbm>>) dst(%arg6 : memref<80xi32, #tpu.memory_space<vmem>>)
        tpu.yield
      }) : () -> ()
      %dma_start3A_77 = arith.constant 0 : i32
      %dma_start3A_78 = arith.constant 0 : i32
      %dma_start3A_79 = tpu.memref_slice %arg17[%dma_start3A_77, %dma_start3A_78] : memref<10240x128xf32, #tpu.memory_space<vmem_shared>> -> memref<10240x128xf32, #tpu.memory_space<vmem_shared>>
      tpu.enqueue_indirect_dma source(%arg11 : memref<80x128xf32, #tpu.memory_space<vmem>>) target(%dma_start3A_79 : memref<10240x128xf32, #tpu.memory_space<vmem_shared>>) offsets(%arg6 : memref<80xi32, #tpu.memory_space<vmem>>) semaphore(%arg12 : memref<!tpu.dma_semaphore, #tpu.memory_space<semaphore_mem>>) {add = true}
      %mul3A_80 = arith.constant 5 : i32
      %mul3A_81 = arith.muli %scan3A_64, %mul3A_80 : i32
      %add3A_82 = arith.constant 1 : i32
      %add3A_83 = arith.addi %mul3A_81, %add3A_82 : i32
      %add3A_84 = arith.constant 5 : i32
      %add3A_85 = arith.addi %add3A_83, %add3A_84 : i32
      %dma_wait3A_86 = arith.constant 0 : i32
      %dma_wait3A_87 = arith.constant 0 : i32
      %dma_wait3A_88 = tpu.memref_slice %arg17[%dma_wait3A_86, %dma_wait3A_87] : memref<10240x128xf32, #tpu.memory_space<vmem_shared>> -> memref<10240x128xf32, #tpu.memory_space<vmem_shared>>
      tpu.wait_indirect_dma semaphore(%arg13 : memref<!tpu.dma_semaphore, #tpu.memory_space<semaphore_mem>>) src(%arg11 : memref<80x128xf32, #tpu.memory_space<vmem>>) dst(%dma_wait3A_88 : memref<10240x128xf32, #tpu.memory_space<vmem_shared>>)
      %mul3A_89 = arith.constant 125 : i32
      %mul3A_90 = arith.muli %add3A, %mul3A_89 : i32
      %add3A_91 = arith.addi %mul3A_90, %add3A_85 : i32
      "tpu.region"() ({
        %run_scoped3A = tpu.sem_alloc : memref<!tpu.dma_semaphore, #tpu.memory_space<semaphore_mem>>
        %dma_start3A_140 = arith.constant 0 : i32
        %dma_start3A_141 = tpu.memref_slice %arg2[%add3A_91, %dma_start3A_140] : memref<4000x80xi32, #tpu.memory_space<hbm>> -> memref<1x80xi32, #tpu.memory_space<hbm>>
        %dma_start3A_142 = tpu.memref_squeeze %dma_start3A_141 : memref<1x80xi32, #tpu.memory_space<hbm>> -> memref<80xi32, #tpu.memory_space<hbm>>
        %dma_start3A_143 = arith.constant 0 : i32
        %dma_start3A_144 = tpu.memref_slice %arg2[%add3A_91, %dma_start3A_143] : memref<4000x80xi32, #tpu.memory_space<hbm>> -> memref<1x80xi32, #tpu.memory_space<hbm>>
        %dma_start3A_145 = tpu.memref_squeeze %dma_start3A_144 : memref<1x80xi32, #tpu.memory_space<hbm>> -> memref<80xi32, #tpu.memory_space<hbm>>
        tpu.enqueue_dma source(%dma_start3A_145 : memref<80xi32, #tpu.memory_space<hbm>>) target(%arg7 : memref<80xi32, #tpu.memory_space<vmem>>) target_semaphore(%run_scoped3A : memref<!tpu.dma_semaphore, #tpu.memory_space<semaphore_mem>>)
        %dma_wait3A_146 = arith.constant 0 : i32
        %dma_wait3A_147 = tpu.memref_slice %arg2[%add3A_91, %dma_wait3A_146] : memref<4000x80xi32, #tpu.memory_space<hbm>> -> memref<1x80xi32, #tpu.memory_space<hbm>>
        %dma_wait3A_148 = tpu.memref_squeeze %dma_wait3A_147 : memref<1x80xi32, #tpu.memory_space<hbm>> -> memref<80xi32, #tpu.memory_space<hbm>>
        %dma_wait3A_149 = arith.constant 0 : i32
        %dma_wait3A_150 = tpu.memref_slice %arg2[%add3A_91, %dma_wait3A_149] : memref<4000x80xi32, #tpu.memory_space<hbm>> -> memref<1x80xi32, #tpu.memory_space<hbm>>
        %dma_wait3A_151 = tpu.memref_squeeze %dma_wait3A_150 : memref<1x80xi32, #tpu.memory_space<hbm>> -> memref<80xi32, #tpu.memory_space<hbm>>
        tpu.wait_dma2 semaphore(%run_scoped3A : memref<!tpu.dma_semaphore, #tpu.memory_space<semaphore_mem>>) src(%dma_wait3A_151 : memref<80xi32, #tpu.memory_space<hbm>>) dst(%arg7 : memref<80xi32, #tpu.memory_space<vmem>>)
        tpu.yield
      }) : () -> ()
      %dma_start3A_92 = arith.constant 0 : i32
      %dma_start3A_93 = arith.constant 0 : i32
      %dma_start3A_94 = tpu.memref_slice %arg17[%dma_start3A_92, %dma_start3A_93] : memref<10240x128xf32, #tpu.memory_space<vmem_shared>> -> memref<10240x128xf32, #tpu.memory_space<vmem_shared>>
      tpu.enqueue_indirect_dma source(%arg11 : memref<80x128xf32, #tpu.memory_space<vmem>>) target(%dma_start3A_94 : memref<10240x128xf32, #tpu.memory_space<vmem_shared>>) offsets(%arg7 : memref<80xi32, #tpu.memory_space<vmem>>) semaphore(%arg13 : memref<!tpu.dma_semaphore, #tpu.memory_space<semaphore_mem>>) {add = true}
      %mul3A_95 = arith.constant 5 : i32
      %mul3A_96 = arith.muli %scan3A_64, %mul3A_95 : i32
      %add3A_97 = arith.constant 2 : i32
      %add3A_98 = arith.addi %mul3A_96, %add3A_97 : i32
      %add3A_99 = arith.constant 5 : i32
      %add3A_100 = arith.addi %add3A_98, %add3A_99 : i32
      %dma_wait3A_101 = arith.constant 0 : i32
      %dma_wait3A_102 = arith.constant 0 : i32
      %dma_wait3A_103 = tpu.memref_slice %arg17[%dma_wait3A_101, %dma_wait3A_102] : memref<10240x128xf32, #tpu.memory_space<vmem_shared>> -> memref<10240x128xf32, #tpu.memory_space<vmem_shared>>
      tpu.wait_indirect_dma semaphore(%arg14 : memref<!tpu.dma_semaphore, #tpu.memory_space<semaphore_mem>>) src(%arg11 : memref<80x128xf32, #tpu.memory_space<vmem>>) dst(%dma_wait3A_103 : memref<10240x128xf32, #tpu.memory_space<vmem_shared>>)
      %mul3A_104 = arith.constant 125 : i32
      %mul3A_105 = arith.muli %add3A, %mul3A_104 : i32
      %add3A_106 = arith.addi %mul3A_105, %add3A_100 : i32
      "tpu.region"() ({
        %run_scoped3A = tpu.sem_alloc : memref<!tpu.dma_semaphore, #tpu.memory_space<semaphore_mem>>
        %dma_start3A_140 = arith.constant 0 : i32
        %dma_start3A_141 = tpu.memref_slice %arg2[%add3A_106, %dma_start3A_140] : memref<4000x80xi32, #tpu.memory_space<hbm>> -> memref<1x80xi32, #tpu.memory_space<hbm>>
        %dma_start3A_142 = tpu.memref_squeeze %dma_start3A_141 : memref<1x80xi32, #tpu.memory_space<hbm>> -> memref<80xi32, #tpu.memory_space<hbm>>
        %dma_start3A_143 = arith.constant 0 : i32
        %dma_start3A_144 = tpu.memref_slice %arg2[%add3A_106, %dma_start3A_143] : memref<4000x80xi32, #tpu.memory_space<hbm>> -> memref<1x80xi32, #tpu.memory_space<hbm>>
        %dma_start3A_145 = tpu.memref_squeeze %dma_start3A_144 : memref<1x80xi32, #tpu.memory_space<hbm>> -> memref<80xi32, #tpu.memory_space<hbm>>
        tpu.enqueue_dma source(%dma_start3A_145 : memref<80xi32, #tpu.memory_space<hbm>>) target(%arg8 : memref<80xi32, #tpu.memory_space<vmem>>) target_semaphore(%run_scoped3A : memref<!tpu.dma_semaphore, #tpu.memory_space<semaphore_mem>>)
        %dma_wait3A_146 = arith.constant 0 : i32
        %dma_wait3A_147 = tpu.memref_slice %arg2[%add3A_106, %dma_wait3A_146] : memref<4000x80xi32, #tpu.memory_space<hbm>> -> memref<1x80xi32, #tpu.memory_space<hbm>>
        %dma_wait3A_148 = tpu.memref_squeeze %dma_wait3A_147 : memref<1x80xi32, #tpu.memory_space<hbm>> -> memref<80xi32, #tpu.memory_space<hbm>>
        %dma_wait3A_149 = arith.constant 0 : i32
        %dma_wait3A_150 = tpu.memref_slice %arg2[%add3A_106, %dma_wait3A_149] : memref<4000x80xi32, #tpu.memory_space<hbm>> -> memref<1x80xi32, #tpu.memory_space<hbm>>
        %dma_wait3A_151 = tpu.memref_squeeze %dma_wait3A_150 : memref<1x80xi32, #tpu.memory_space<hbm>> -> memref<80xi32, #tpu.memory_space<hbm>>
        tpu.wait_dma2 semaphore(%run_scoped3A : memref<!tpu.dma_semaphore, #tpu.memory_space<semaphore_mem>>) src(%dma_wait3A_151 : memref<80xi32, #tpu.memory_space<hbm>>) dst(%arg8 : memref<80xi32, #tpu.memory_space<vmem>>)
        tpu.yield
      }) : () -> ()
      %dma_start3A_107 = arith.constant 0 : i32
      %dma_start3A_108 = arith.constant 0 : i32
      %dma_start3A_109 = tpu.memref_slice %arg17[%dma_start3A_107, %dma_start3A_108] : memref<10240x128xf32, #tpu.memory_space<vmem_shared>> -> memref<10240x128xf32, #tpu.memory_space<vmem_shared>>
      tpu.enqueue_indirect_dma source(%arg11 : memref<80x128xf32, #tpu.memory_space<vmem>>) target(%dma_start3A_109 : memref<10240x128xf32, #tpu.memory_space<vmem_shared>>) offsets(%arg8 : memref<80xi32, #tpu.memory_space<vmem>>) semaphore(%arg14 : memref<!tpu.dma_semaphore, #tpu.memory_space<semaphore_mem>>) {add = true}
      %mul3A_110 = arith.constant 5 : i32
      %mul3A_111 = arith.muli %scan3A_64, %mul3A_110 : i32
      %add3A_112 = arith.constant 3 : i32
      %add3A_113 = arith.addi %mul3A_111, %add3A_112 : i32
      %add3A_114 = arith.constant 5 : i32
      %add3A_115 = arith.addi %add3A_113, %add3A_114 : i32
      %dma_wait3A_116 = arith.constant 0 : i32
      %dma_wait3A_117 = arith.constant 0 : i32
      %dma_wait3A_118 = tpu.memref_slice %arg17[%dma_wait3A_116, %dma_wait3A_117] : memref<10240x128xf32, #tpu.memory_space<vmem_shared>> -> memref<10240x128xf32, #tpu.memory_space<vmem_shared>>
      tpu.wait_indirect_dma semaphore(%arg15 : memref<!tpu.dma_semaphore, #tpu.memory_space<semaphore_mem>>) src(%arg11 : memref<80x128xf32, #tpu.memory_space<vmem>>) dst(%dma_wait3A_118 : memref<10240x128xf32, #tpu.memory_space<vmem_shared>>)
      %mul3A_119 = arith.constant 125 : i32
      %mul3A_120 = arith.muli %add3A, %mul3A_119 : i32
      %add3A_121 = arith.addi %mul3A_120, %add3A_115 : i32
      "tpu.region"() ({
        %run_scoped3A = tpu.sem_alloc : memref<!tpu.dma_semaphore, #tpu.memory_space<semaphore_mem>>
        %dma_start3A_140 = arith.constant 0 : i32
        %dma_start3A_141 = tpu.memref_slice %arg2[%add3A_121, %dma_start3A_140] : memref<4000x80xi32, #tpu.memory_space<hbm>> -> memref<1x80xi32, #tpu.memory_space<hbm>>
        %dma_start3A_142 = tpu.memref_squeeze %dma_start3A_141 : memref<1x80xi32, #tpu.memory_space<hbm>> -> memref<80xi32, #tpu.memory_space<hbm>>
        %dma_start3A_143 = arith.constant 0 : i32
        %dma_start3A_144 = tpu.memref_slice %arg2[%add3A_121, %dma_start3A_143] : memref<4000x80xi32, #tpu.memory_space<hbm>> -> memref<1x80xi32, #tpu.memory_space<hbm>>
        %dma_start3A_145 = tpu.memref_squeeze %dma_start3A_144 : memref<1x80xi32, #tpu.memory_space<hbm>> -> memref<80xi32, #tpu.memory_space<hbm>>
        tpu.enqueue_dma source(%dma_start3A_145 : memref<80xi32, #tpu.memory_space<hbm>>) target(%arg9 : memref<80xi32, #tpu.memory_space<vmem>>) target_semaphore(%run_scoped3A : memref<!tpu.dma_semaphore, #tpu.memory_space<semaphore_mem>>)
        %dma_wait3A_146 = arith.constant 0 : i32
        %dma_wait3A_147 = tpu.memref_slice %arg2[%add3A_121, %dma_wait3A_146] : memref<4000x80xi32, #tpu.memory_space<hbm>> -> memref<1x80xi32, #tpu.memory_space<hbm>>
        %dma_wait3A_148 = tpu.memref_squeeze %dma_wait3A_147 : memref<1x80xi32, #tpu.memory_space<hbm>> -> memref<80xi32, #tpu.memory_space<hbm>>
        %dma_wait3A_149 = arith.constant 0 : i32
        %dma_wait3A_150 = tpu.memref_slice %arg2[%add3A_121, %dma_wait3A_149] : memref<4000x80xi32, #tpu.memory_space<hbm>> -> memref<1x80xi32, #tpu.memory_space<hbm>>
        %dma_wait3A_151 = tpu.memref_squeeze %dma_wait3A_150 : memref<1x80xi32, #tpu.memory_space<hbm>> -> memref<80xi32, #tpu.memory_space<hbm>>
        tpu.wait_dma2 semaphore(%run_scoped3A : memref<!tpu.dma_semaphore, #tpu.memory_space<semaphore_mem>>) src(%dma_wait3A_151 : memref<80xi32, #tpu.memory_space<hbm>>) dst(%arg9 : memref<80xi32, #tpu.memory_space<vmem>>)
        tpu.yield
      }) : () -> ()
      %dma_start3A_122 = arith.constant 0 : i32
      %dma_start3A_123 = arith.constant 0 : i32
      %dma_start3A_124 = tpu.memref_slice %arg17[%dma_start3A_122, %dma_start3A_123] : memref<10240x128xf32, #tpu.memory_space<vmem_shared>> -> memref<10240x128xf32, #tpu.memory_space<vmem_shared>>
      tpu.enqueue_indirect_dma source(%arg11 : memref<80x128xf32, #tpu.memory_space<vmem>>) target(%dma_start3A_124 : memref<10240x128xf32, #tpu.memory_space<vmem_shared>>) offsets(%arg9 : memref<80xi32, #tpu.memory_space<vmem>>) semaphore(%arg15 : memref<!tpu.dma_semaphore, #tpu.memory_space<semaphore_mem>>) {add = true}
      %mul3A_125 = arith.constant 5 : i32
      %mul3A_126 = arith.muli %scan3A_64, %mul3A_125 : i32
      %add3A_127 = arith.constant 4 : i32
      %add3A_128 = arith.addi %mul3A_126, %add3A_127 : i32
      %add3A_129 = arith.constant 5 : i32
      %add3A_130 = arith.addi %add3A_128, %add3A_129 : i32
      %dma_wait3A_131 = arith.constant 0 : i32
      %dma_wait3A_132 = arith.constant 0 : i32
      %dma_wait3A_133 = tpu.memref_slice %arg17[%dma_wait3A_131, %dma_wait3A_132] : memref<10240x128xf32, #tpu.memory_space<vmem_shared>> -> memref<10240x128xf32, #tpu.memory_space<vmem_shared>>
      tpu.wait_indirect_dma semaphore(%arg16 : memref<!tpu.dma_semaphore, #tpu.memory_space<semaphore_mem>>) src(%arg11 : memref<80x128xf32, #tpu.memory_space<vmem>>) dst(%dma_wait3A_133 : memref<10240x128xf32, #tpu.memory_space<vmem_shared>>)
      %mul3A_134 = arith.constant 125 : i32
      %mul3A_135 = arith.muli %add3A, %mul3A_134 : i32
      %add3A_136 = arith.addi %mul3A_135, %add3A_130 : i32
      "tpu.region"() ({
        %run_scoped3A = tpu.sem_alloc : memref<!tpu.dma_semaphore, #tpu.memory_space<semaphore_mem>>
        %dma_start3A_140 = arith.constant 0 : i32
        %dma_start3A_141 = tpu.memref_slice %arg2[%add3A_136, %dma_start3A_140] : memref<4000x80xi32, #tpu.memory_space<hbm>> -> memref<1x80xi32, #tpu.memory_space<hbm>>
        %dma_start3A_142 = tpu.memref_squeeze %dma_start3A_141 : memref<1x80xi32, #tpu.memory_space<hbm>> -> memref<80xi32, #tpu.memory_space<hbm>>
        %dma_start3A_143 = arith.constant 0 : i32
        %dma_start3A_144 = tpu.memref_slice %arg2[%add3A_136, %dma_start3A_143] : memref<4000x80xi32, #tpu.memory_space<hbm>> -> memref<1x80xi32, #tpu.memory_space<hbm>>
        %dma_start3A_145 = tpu.memref_squeeze %dma_start3A_144 : memref<1x80xi32, #tpu.memory_space<hbm>> -> memref<80xi32, #tpu.memory_space<hbm>>
        tpu.enqueue_dma source(%dma_start3A_145 : memref<80xi32, #tpu.memory_space<hbm>>) target(%arg10 : memref<80xi32, #tpu.memory_space<vmem>>) target_semaphore(%run_scoped3A : memref<!tpu.dma_semaphore, #tpu.memory_space<semaphore_mem>>)
        %dma_wait3A_146 = arith.constant 0 : i32
        %dma_wait3A_147 = tpu.memref_slice %arg2[%add3A_136, %dma_wait3A_146] : memref<4000x80xi32, #tpu.memory_space<hbm>> -> memref<1x80xi32, #tpu.memory_space<hbm>>
        %dma_wait3A_148 = tpu.memref_squeeze %dma_wait3A_147 : memref<1x80xi32, #tpu.memory_space<hbm>> -> memref<80xi32, #tpu.memory_space<hbm>>
        %dma_wait3A_149 = arith.constant 0 : i32
        %dma_wait3A_150 = tpu.memref_slice %arg2[%add3A_136, %dma_wait3A_149] : memref<4000x80xi32, #tpu.memory_space<hbm>> -> memref<1x80xi32, #tpu.memory_space<hbm>>
        %dma_wait3A_151 = tpu.memref_squeeze %dma_wait3A_150 : memref<1x80xi32, #tpu.memory_space<hbm>> -> memref<80xi32, #tpu.memory_space<hbm>>
        tpu.wait_dma2 semaphore(%run_scoped3A : memref<!tpu.dma_semaphore, #tpu.memory_space<semaphore_mem>>) src(%dma_wait3A_151 : memref<80xi32, #tpu.memory_space<hbm>>) dst(%arg10 : memref<80xi32, #tpu.memory_space<vmem>>)
        tpu.yield
      }) : () -> ()
      %dma_start3A_137 = arith.constant 0 : i32
      %dma_start3A_138 = arith.constant 0 : i32
      %dma_start3A_139 = tpu.memref_slice %arg17[%dma_start3A_137, %dma_start3A_138] : memref<10240x128xf32, #tpu.memory_space<vmem_shared>> -> memref<10240x128xf32, #tpu.memory_space<vmem_shared>>
      tpu.enqueue_indirect_dma source(%arg11 : memref<80x128xf32, #tpu.memory_space<vmem>>) target(%dma_start3A_139 : memref<10240x128xf32, #tpu.memory_space<vmem_shared>>) offsets(%arg10 : memref<80xi32, #tpu.memory_space<vmem>>) semaphore(%arg16 : memref<!tpu.dma_semaphore, #tpu.memory_space<semaphore_mem>>) {add = true}
    }
    %scan3A_41 = arith.constant 24 : i32
    %dma_wait3A = arith.constant 0 : i32
    %dma_wait3A_42 = arith.constant 0 : i32
    %dma_wait3A_43 = tpu.memref_slice %arg17[%dma_wait3A, %dma_wait3A_42] : memref<10240x128xf32, #tpu.memory_space<vmem_shared>> -> memref<10240x128xf32, #tpu.memory_space<vmem_shared>>
    tpu.wait_indirect_dma semaphore(%arg12 : memref<!tpu.dma_semaphore, #tpu.memory_space<semaphore_mem>>) src(%arg11 : memref<80x128xf32, #tpu.memory_space<vmem>>) dst(%dma_wait3A_43 : memref<10240x128xf32, #tpu.memory_space<vmem_shared>>)
    %dma_wait3A_44 = arith.constant 0 : i32
    %dma_wait3A_45 = arith.constant 0 : i32
    %dma_wait3A_46 = tpu.memref_slice %arg17[%dma_wait3A_44, %dma_wait3A_45] : memref<10240x128xf32, #tpu.memory_space<vmem_shared>> -> memref<10240x128xf32, #tpu.memory_space<vmem_shared>>
    tpu.wait_indirect_dma semaphore(%arg13 : memref<!tpu.dma_semaphore, #tpu.memory_space<semaphore_mem>>) src(%arg11 : memref<80x128xf32, #tpu.memory_space<vmem>>) dst(%dma_wait3A_46 : memref<10240x128xf32, #tpu.memory_space<vmem_shared>>)
    %dma_wait3A_47 = arith.constant 0 : i32
    %dma_wait3A_48 = arith.constant 0 : i32
    %dma_wait3A_49 = tpu.memref_slice %arg17[%dma_wait3A_47, %dma_wait3A_48] : memref<10240x128xf32, #tpu.memory_space<vmem_shared>> -> memref<10240x128xf32, #tpu.memory_space<vmem_shared>>
    tpu.wait_indirect_dma semaphore(%arg14 : memref<!tpu.dma_semaphore, #tpu.memory_space<semaphore_mem>>) src(%arg11 : memref<80x128xf32, #tpu.memory_space<vmem>>) dst(%dma_wait3A_49 : memref<10240x128xf32, #tpu.memory_space<vmem_shared>>)
    %dma_wait3A_50 = arith.constant 0 : i32
    %dma_wait3A_51 = arith.constant 0 : i32
    %dma_wait3A_52 = tpu.memref_slice %arg17[%dma_wait3A_50, %dma_wait3A_51] : memref<10240x128xf32, #tpu.memory_space<vmem_shared>> -> memref<10240x128xf32, #tpu.memory_space<vmem_shared>>
    tpu.wait_indirect_dma semaphore(%arg15 : memref<!tpu.dma_semaphore, #tpu.memory_space<semaphore_mem>>) src(%arg11 : memref<80x128xf32, #tpu.memory_space<vmem>>) dst(%dma_wait3A_52 : memref<10240x128xf32, #tpu.memory_space<vmem_shared>>)
    %dma_wait3A_53 = arith.constant 0 : i32
    %dma_wait3A_54 = arith.constant 0 : i32
    %dma_wait3A_55 = tpu.memref_slice %arg17[%dma_wait3A_53, %dma_wait3A_54] : memref<10240x128xf32, #tpu.memory_space<vmem_shared>> -> memref<10240x128xf32, #tpu.memory_space<vmem_shared>>
    tpu.wait_indirect_dma semaphore(%arg16 : memref<!tpu.dma_semaphore, #tpu.memory_space<semaphore_mem>>) src(%arg11 : memref<80x128xf32, #tpu.memory_space<vmem>>) dst(%dma_wait3A_55 : memref<10240x128xf32, #tpu.memory_space<vmem_shared>>)
    %barrier3A_56 = arith.constant 0 : index
    tpu.barrier barrier_id(%barrier3A_56)
    %mul3A_57 = arith.constant 640 : i32
    %mul3A_58 = arith.muli %arg1, %mul3A_57 : i32
    %mul3A_59 = arith.constant 10240 : i32
    %mul3A_60 = arith.muli %arg0, %mul3A_59 : i32
    %mul3A_61 = arith.constant 640 : i32
    %mul3A_62 = arith.muli %arg1, %mul3A_61 : i32
    %add3A_63 = arith.addi %mul3A_60, %mul3A_62 : i32
    "tpu.region"() ({
      %run_scoped3A = tpu.sem_alloc : memref<!tpu.dma_semaphore, #tpu.memory_space<semaphore_mem>>
      %dma_start3A_64 = arith.constant 0 : i32
      %dma_start3A_65 = tpu.memref_slice %arg5[%add3A_63, %dma_start3A_64] : memref<20480x128xf32, #tpu.memory_space<hbm>> -> memref<640x128xf32, #tpu.memory_space<hbm>>
      %dma_start3A_66 = arith.constant 0 : i32
      %dma_start3A_67 = tpu.memref_slice %arg17[%mul3A_58, %dma_start3A_66] : memref<10240x128xf32, #tpu.memory_space<vmem_shared>> -> memref<640x128xf32, #tpu.memory_space<vmem_shared>>
      tpu.enqueue_dma source(%dma_start3A_67 : memref<640x128xf32, #tpu.memory_space<vmem_shared>>) target(%dma_start3A_65 : memref<640x128xf32, #tpu.memory_space<hbm>>) target_semaphore(%run_scoped3A : memref<!tpu.dma_semaphore, #tpu.memory_space<semaphore_mem>>)
      %dma_wait3A_68 = arith.constant 0 : i32
      %dma_wait3A_69 = tpu.memref_slice %arg5[%add3A_63, %dma_wait3A_68] : memref<20480x128xf32, #tpu.memory_space<hbm>> -> memref<640x128xf32, #tpu.memory_space<hbm>>
      %dma_wait3A_70 = arith.constant 0 : i32
      %dma_wait3A_71 = tpu.memref_slice %arg17[%mul3A_58, %dma_wait3A_70] : memref<10240x128xf32, #tpu.memory_space<vmem_shared>> -> memref<640x128xf32, #tpu.memory_space<vmem_shared>>
      tpu.wait_dma2 semaphore(%run_scoped3A : memref<!tpu.dma_semaphore, #tpu.memory_space<semaphore_mem>>) src(%dma_wait3A_71 : memref<640x128xf32, #tpu.memory_space<vmem_shared>>) dst(%dma_wait3A_69 : memref<640x128xf32, #tpu.memory_space<hbm>>)
      tpu.yield
    }) : () -> ()
    return
  }
}

#map = affine_map<(d0, d1) -> (0, 0, 0)>
#map1 = affine_map<(d0, d1) -> (0, 0)>
module attributes {stable_mosaic.version = 14 : i64} {
  func.func @_edge_body(%arg0: i32, %arg1: i32, %arg2: memref<4000x2x80xi32, #tpu.memory_space<hbm>>, %arg3: memref<10000x128xf32, #tpu.memory_space<hbm>>, %arg4: memref<640x128xf32, #tpu.memory_space<hbm>>, %arg5: memref<20480x128xf32, #tpu.memory_space<hbm>>, %arg6: memref<2x80xi32, #tpu.memory_space<vmem>>, %arg7: memref<2x80xi32, #tpu.memory_space<vmem>>, %arg8: memref<2x80xi32, #tpu.memory_space<vmem>>, %arg9: memref<2x80xi32, #tpu.memory_space<vmem>>, %arg10: memref<80x128xf32, #tpu.memory_space<vmem>>, %arg11: memref<80x128xf32, #tpu.memory_space<vmem>>, %arg12: memref<!tpu.dma_semaphore, #tpu.memory_space<semaphore_mem>>, %arg13: memref<!tpu.dma_semaphore, #tpu.memory_space<semaphore_mem>>, %arg14: memref<!tpu.dma_semaphore, #tpu.memory_space<semaphore_mem>>, %arg15: memref<!tpu.dma_semaphore, #tpu.memory_space<semaphore_mem>>, %arg16: memref<!tpu.dma_semaphore, #tpu.memory_space<semaphore_mem>>, %arg17: memref<!tpu.dma_semaphore, #tpu.memory_space<semaphore_mem>>, %arg18: memref<10240x128xf32, #tpu.memory_space<vmem_shared>>) attributes {dimension_semantics = [#tpu.dimension_semantics<core_parallel>, #tpu.dimension_semantics<subcore_parallel>], iteration_bounds = array<i64: 2, 16>, scalar_prefetch = 0 : i64, scratch_operands = 13 : i64, tpu.core_type = #tpu.core_type<sc_vector_subcore>, window_params = [{transform_indices = #map}, {transform_indices = #map1}, {transform_indices = #map1}, {transform_indices = #map1}]} {
    %mul3A = arith.constant 16 : i32
    %mul3A_0 = arith.muli %arg0, %mul3A : i32
    %add3A = arith.addi %mul3A_0, %arg1 : i32
    %mul3A_1 = arith.constant 125 : i32
    %mul3A_2 = arith.muli %add3A, %mul3A_1 : i32
    %mul3A_3 = arith.constant 640 : i32
    %mul3A_4 = arith.muli %arg1, %mul3A_3 : i32
    "tpu.region"() ({
      %run_scoped3A_147 = tpu.sem_alloc : memref<!tpu.dma_semaphore, #tpu.memory_space<semaphore_mem>>
      %dma_start3A_148 = arith.constant 0 : i32
      %dma_start3A_149 = tpu.memref_slice %arg18[%mul3A_4, %dma_start3A_148] : memref<10240x128xf32, #tpu.memory_space<vmem_shared>> -> memref<640x128xf32, #tpu.memory_space<vmem_shared>>
      tpu.enqueue_dma source(%arg4 : memref<640x128xf32, #tpu.memory_space<hbm>>) target(%dma_start3A_149 : memref<640x128xf32, #tpu.memory_space<vmem_shared>>) target_semaphore(%run_scoped3A_147 : memref<!tpu.dma_semaphore, #tpu.memory_space<semaphore_mem>>)
      %dma_wait3A_150 = arith.constant 0 : i32
      %dma_wait3A_151 = tpu.memref_slice %arg18[%mul3A_4, %dma_wait3A_150] : memref<10240x128xf32, #tpu.memory_space<vmem_shared>> -> memref<640x128xf32, #tpu.memory_space<vmem_shared>>
      tpu.wait_dma2 semaphore(%run_scoped3A_147 : memref<!tpu.dma_semaphore, #tpu.memory_space<semaphore_mem>>) src(%arg4 : memref<640x128xf32, #tpu.memory_space<hbm>>) dst(%dma_wait3A_151 : memref<640x128xf32, #tpu.memory_space<vmem_shared>>)
      tpu.yield
    }) : () -> ()
    %barrier3A = arith.constant 0 : index
    tpu.barrier barrier_id(%barrier3A)
    "tpu.region"() ({
      %run_scoped3A_147 = tpu.sem_alloc : memref<!tpu.dma_semaphore, #tpu.memory_space<semaphore_mem>>
      %dma_start3A_148 = arith.constant 0 : i32
      %dma_start3A_149 = arith.constant 0 : i32
      %dma_start3A_150 = tpu.memref_slice %arg2[%mul3A_2, %dma_start3A_148, %dma_start3A_149] : memref<4000x2x80xi32, #tpu.memory_space<hbm>> -> memref<1x2x80xi32, #tpu.memory_space<hbm>>
      %dma_start3A_151 = tpu.memref_squeeze %dma_start3A_150 : memref<1x2x80xi32, #tpu.memory_space<hbm>> -> memref<2x80xi32, #tpu.memory_space<hbm>>
      %dma_start3A_152 = arith.constant 0 : i32
      %dma_start3A_153 = arith.constant 0 : i32
      %dma_start3A_154 = tpu.memref_slice %arg2[%mul3A_2, %dma_start3A_152, %dma_start3A_153] : memref<4000x2x80xi32, #tpu.memory_space<hbm>> -> memref<1x2x80xi32, #tpu.memory_space<hbm>>
      %dma_start3A_155 = tpu.memref_squeeze %dma_start3A_154 : memref<1x2x80xi32, #tpu.memory_space<hbm>> -> memref<2x80xi32, #tpu.memory_space<hbm>>
      tpu.enqueue_dma source(%dma_start3A_155 : memref<2x80xi32, #tpu.memory_space<hbm>>) target(%arg6 : memref<2x80xi32, #tpu.memory_space<vmem>>) target_semaphore(%run_scoped3A_147 : memref<!tpu.dma_semaphore, #tpu.memory_space<semaphore_mem>>)
      %dma_wait3A_156 = arith.constant 0 : i32
      %dma_wait3A_157 = arith.constant 0 : i32
      %dma_wait3A_158 = tpu.memref_slice %arg2[%mul3A_2, %dma_wait3A_156, %dma_wait3A_157] : memref<4000x2x80xi32, #tpu.memory_space<hbm>> -> memref<1x2x80xi32, #tpu.memory_space<hbm>>
      %dma_wait3A_159 = tpu.memref_squeeze %dma_wait3A_158 : memref<1x2x80xi32, #tpu.memory_space<hbm>> -> memref<2x80xi32, #tpu.memory_space<hbm>>
      %dma_wait3A_160 = arith.constant 0 : i32
      %dma_wait3A_161 = arith.constant 0 : i32
      %dma_wait3A_162 = tpu.memref_slice %arg2[%mul3A_2, %dma_wait3A_160, %dma_wait3A_161] : memref<4000x2x80xi32, #tpu.memory_space<hbm>> -> memref<1x2x80xi32, #tpu.memory_space<hbm>>
      %dma_wait3A_163 = tpu.memref_squeeze %dma_wait3A_162 : memref<1x2x80xi32, #tpu.memory_space<hbm>> -> memref<2x80xi32, #tpu.memory_space<hbm>>
      tpu.wait_dma2 semaphore(%run_scoped3A_147 : memref<!tpu.dma_semaphore, #tpu.memory_space<semaphore_mem>>) src(%dma_wait3A_163 : memref<2x80xi32, #tpu.memory_space<hbm>>) dst(%arg6 : memref<2x80xi32, #tpu.memory_space<vmem>>)
      tpu.yield
    }) : () -> ()
    %add3A_5 = arith.constant 1 : i32
    %add3A_6 = arith.addi %mul3A_2, %add3A_5 : i32
    "tpu.region"() ({
      %run_scoped3A_147 = tpu.sem_alloc : memref<!tpu.dma_semaphore, #tpu.memory_space<semaphore_mem>>
      %dma_start3A_148 = arith.constant 0 : i32
      %dma_start3A_149 = arith.constant 0 : i32
      %dma_start3A_150 = tpu.memref_slice %arg2[%add3A_6, %dma_start3A_148, %dma_start3A_149] : memref<4000x2x80xi32, #tpu.memory_space<hbm>> -> memref<1x2x80xi32, #tpu.memory_space<hbm>>
      %dma_start3A_151 = tpu.memref_squeeze %dma_start3A_150 : memref<1x2x80xi32, #tpu.memory_space<hbm>> -> memref<2x80xi32, #tpu.memory_space<hbm>>
      %dma_start3A_152 = arith.constant 0 : i32
      %dma_start3A_153 = arith.constant 0 : i32
      %dma_start3A_154 = tpu.memref_slice %arg2[%add3A_6, %dma_start3A_152, %dma_start3A_153] : memref<4000x2x80xi32, #tpu.memory_space<hbm>> -> memref<1x2x80xi32, #tpu.memory_space<hbm>>
      %dma_start3A_155 = tpu.memref_squeeze %dma_start3A_154 : memref<1x2x80xi32, #tpu.memory_space<hbm>> -> memref<2x80xi32, #tpu.memory_space<hbm>>
      tpu.enqueue_dma source(%dma_start3A_155 : memref<2x80xi32, #tpu.memory_space<hbm>>) target(%arg8 : memref<2x80xi32, #tpu.memory_space<vmem>>) target_semaphore(%run_scoped3A_147 : memref<!tpu.dma_semaphore, #tpu.memory_space<semaphore_mem>>)
      %dma_wait3A_156 = arith.constant 0 : i32
      %dma_wait3A_157 = arith.constant 0 : i32
      %dma_wait3A_158 = tpu.memref_slice %arg2[%add3A_6, %dma_wait3A_156, %dma_wait3A_157] : memref<4000x2x80xi32, #tpu.memory_space<hbm>> -> memref<1x2x80xi32, #tpu.memory_space<hbm>>
      %dma_wait3A_159 = tpu.memref_squeeze %dma_wait3A_158 : memref<1x2x80xi32, #tpu.memory_space<hbm>> -> memref<2x80xi32, #tpu.memory_space<hbm>>
      %dma_wait3A_160 = arith.constant 0 : i32
      %dma_wait3A_161 = arith.constant 0 : i32
      %dma_wait3A_162 = tpu.memref_slice %arg2[%add3A_6, %dma_wait3A_160, %dma_wait3A_161] : memref<4000x2x80xi32, #tpu.memory_space<hbm>> -> memref<1x2x80xi32, #tpu.memory_space<hbm>>
      %dma_wait3A_163 = tpu.memref_squeeze %dma_wait3A_162 : memref<1x2x80xi32, #tpu.memory_space<hbm>> -> memref<2x80xi32, #tpu.memory_space<hbm>>
      tpu.wait_dma2 semaphore(%run_scoped3A_147 : memref<!tpu.dma_semaphore, #tpu.memory_space<semaphore_mem>>) src(%dma_wait3A_163 : memref<2x80xi32, #tpu.memory_space<hbm>>) dst(%arg8 : memref<2x80xi32, #tpu.memory_space<vmem>>)
      tpu.yield
    }) : () -> ()
    %add3A_7 = arith.constant 2 : i32
    %add3A_8 = arith.addi %mul3A_2, %add3A_7 : i32
    %dma_start3A = arith.constant 0 : i32
    %dma_start3A_9 = arith.constant 0 : i32
    %dma_start3A_10 = tpu.memref_slice %arg2[%add3A_8, %dma_start3A, %dma_start3A_9] : memref<4000x2x80xi32, #tpu.memory_space<hbm>> -> memref<1x2x80xi32, #tpu.memory_space<hbm>>
    %dma_start3A_11 = tpu.memref_squeeze %dma_start3A_10 : memref<1x2x80xi32, #tpu.memory_space<hbm>> -> memref<2x80xi32, #tpu.memory_space<hbm>>
    %dma_start3A_12 = arith.constant 0 : i32
    %dma_start3A_13 = arith.constant 0 : i32
    %dma_start3A_14 = tpu.memref_slice %arg2[%add3A_8, %dma_start3A_12, %dma_start3A_13] : memref<4000x2x80xi32, #tpu.memory_space<hbm>> -> memref<1x2x80xi32, #tpu.memory_space<hbm>>
    %dma_start3A_15 = tpu.memref_squeeze %dma_start3A_14 : memref<1x2x80xi32, #tpu.memory_space<hbm>> -> memref<2x80xi32, #tpu.memory_space<hbm>>
    tpu.enqueue_dma source(%dma_start3A_15 : memref<2x80xi32, #tpu.memory_space<hbm>>) target(%arg7 : memref<2x80xi32, #tpu.memory_space<vmem>>) target_semaphore(%arg15 : memref<!tpu.dma_semaphore, #tpu.memory_space<semaphore_mem>>)
    %add3A_16 = arith.constant 3 : i32
    %add3A_17 = arith.addi %mul3A_2, %add3A_16 : i32
    %dma_start3A_18 = arith.constant 0 : i32
    %dma_start3A_19 = arith.constant 0 : i32
    %dma_start3A_20 = tpu.memref_slice %arg2[%add3A_17, %dma_start3A_18, %dma_start3A_19] : memref<4000x2x80xi32, #tpu.memory_space<hbm>> -> memref<1x2x80xi32, #tpu.memory_space<hbm>>
    %dma_start3A_21 = tpu.memref_squeeze %dma_start3A_20 : memref<1x2x80xi32, #tpu.memory_space<hbm>> -> memref<2x80xi32, #tpu.memory_space<hbm>>
    %dma_start3A_22 = arith.constant 0 : i32
    %dma_start3A_23 = arith.constant 0 : i32
    %dma_start3A_24 = tpu.memref_slice %arg2[%add3A_17, %dma_start3A_22, %dma_start3A_23] : memref<4000x2x80xi32, #tpu.memory_space<hbm>> -> memref<1x2x80xi32, #tpu.memory_space<hbm>>
    %dma_start3A_25 = tpu.memref_squeeze %dma_start3A_24 : memref<1x2x80xi32, #tpu.memory_space<hbm>> -> memref<2x80xi32, #tpu.memory_space<hbm>>
    tpu.enqueue_dma source(%dma_start3A_25 : memref<2x80xi32, #tpu.memory_space<hbm>>) target(%arg9 : memref<2x80xi32, #tpu.memory_space<vmem>>) target_semaphore(%arg17 : memref<!tpu.dma_semaphore, #tpu.memory_space<semaphore_mem>>)
    %dma_start3A_26 = arith.constant 0 : i32
    %dma_start3A_27 = arith.constant 0 : i32
    %dma_start3A_28 = tpu.memref_slice %arg6[%dma_start3A_26, %dma_start3A_27] : memref<2x80xi32, #tpu.memory_space<vmem>> -> memref<1x80xi32, #tpu.memory_space<vmem>>
    %dma_start3A_29 = tpu.memref_squeeze %dma_start3A_28 : memref<1x80xi32, #tpu.memory_space<vmem>> -> memref<80xi32, #tpu.memory_space<vmem>>
    %dma_start3A_30 = arith.constant 0 : i32
    %dma_start3A_31 = arith.constant 0 : i32
    %dma_start3A_32 = tpu.memref_slice %arg3[%dma_start3A_30, %dma_start3A_31] : memref<10000x128xf32, #tpu.memory_space<hbm>> -> memref<10000x128xf32, #tpu.memory_space<hbm>>
    tpu.enqueue_indirect_dma source(%dma_start3A_32 : memref<10000x128xf32, #tpu.memory_space<hbm>>) target(%arg10 : memref<80x128xf32, #tpu.memory_space<vmem>>) offsets(%dma_start3A_29 : memref<80xi32, #tpu.memory_space<vmem>>) semaphore(%arg12 : memref<!tpu.dma_semaphore, #tpu.memory_space<semaphore_mem>>)
    %dma_start3A_33 = arith.constant 0 : i32
    %dma_start3A_34 = arith.constant 0 : i32
    %dma_start3A_35 = tpu.memref_slice %arg8[%dma_start3A_33, %dma_start3A_34] : memref<2x80xi32, #tpu.memory_space<vmem>> -> memref<1x80xi32, #tpu.memory_space<vmem>>
    %dma_start3A_36 = tpu.memref_squeeze %dma_start3A_35 : memref<1x80xi32, #tpu.memory_space<vmem>> -> memref<80xi32, #tpu.memory_space<vmem>>
    %dma_start3A_37 = arith.constant 0 : i32
    %dma_start3A_38 = arith.constant 0 : i32
    %dma_start3A_39 = tpu.memref_slice %arg3[%dma_start3A_37, %dma_start3A_38] : memref<10000x128xf32, #tpu.memory_space<hbm>> -> memref<10000x128xf32, #tpu.memory_space<hbm>>
    tpu.enqueue_indirect_dma source(%dma_start3A_39 : memref<10000x128xf32, #tpu.memory_space<hbm>>) target(%arg11 : memref<80x128xf32, #tpu.memory_space<vmem>>) offsets(%dma_start3A_36 : memref<80xi32, #tpu.memory_space<vmem>>) semaphore(%arg13 : memref<!tpu.dma_semaphore, #tpu.memory_space<semaphore_mem>>)
    %scan3A = arith.constant 0 : i32
    %scan3A_40 = arith.constant 0 : i32
    %scan3A_41 = arith.constant 30 : i32
    %scan3A_42 = arith.addi %scan3A_40, %scan3A_41 : i32
    %scan3A_43 = arith.constant 1 : i32
    scf.for %scan3A_147 = %scan3A_40 to %scan3A_42 step %scan3A_43  : i32 {
      %mul3A_148 = arith.constant 4 : i32
      %mul3A_149 = arith.muli %scan3A_147, %mul3A_148 : i32
      %add3A_150 = arith.constant 0 : i32
      %add3A_151 = arith.addi %mul3A_149, %add3A_150 : i32
      %dma_wait3A_152 = arith.constant 0 : i32
      %dma_wait3A_153 = arith.constant 0 : i32
      %dma_wait3A_154 = tpu.memref_slice %arg6[%dma_wait3A_152, %dma_wait3A_153] : memref<2x80xi32, #tpu.memory_space<vmem>> -> memref<1x80xi32, #tpu.memory_space<vmem>>
      %dma_wait3A_155 = tpu.memref_squeeze %dma_wait3A_154 : memref<1x80xi32, #tpu.memory_space<vmem>> -> memref<80xi32, #tpu.memory_space<vmem>>
      %dma_wait3A_156 = arith.constant 0 : i32
      %dma_wait3A_157 = arith.constant 0 : i32
      %dma_wait3A_158 = tpu.memref_slice %arg3[%dma_wait3A_156, %dma_wait3A_157] : memref<10000x128xf32, #tpu.memory_space<hbm>> -> memref<10000x128xf32, #tpu.memory_space<hbm>>
      tpu.wait_indirect_dma semaphore(%arg12 : memref<!tpu.dma_semaphore, #tpu.memory_space<semaphore_mem>>) src(%dma_wait3A_158 : memref<10000x128xf32, #tpu.memory_space<hbm>>) dst(%arg10 : memref<80x128xf32, #tpu.memory_space<vmem>>)
      %run_scoped3A_159 = arith.constant 1 : i32
      "tpu.region"() ({
        %run_scoped3A_300 = tpu.sem_alloc : memref<!tpu.dma_semaphore, #tpu.memory_space<semaphore_mem>>
        %dma_start3A_301 = arith.constant 0 : i32
        %dma_start3A_302 = tpu.memref_slice %arg6[%run_scoped3A_159, %dma_start3A_301] : memref<2x80xi32, #tpu.memory_space<vmem>> -> memref<1x80xi32, #tpu.memory_space<vmem>>
        %dma_start3A_303 = tpu.memref_squeeze %dma_start3A_302 : memref<1x80xi32, #tpu.memory_space<vmem>> -> memref<80xi32, #tpu.memory_space<vmem>>
        %dma_start3A_304 = arith.constant 0 : i32
        %dma_start3A_305 = arith.constant 0 : i32
        %dma_start3A_306 = tpu.memref_slice %arg18[%dma_start3A_304, %dma_start3A_305] : memref<10240x128xf32, #tpu.memory_space<vmem_shared>> -> memref<10240x128xf32, #tpu.memory_space<vmem_shared>>
        tpu.enqueue_indirect_dma source(%arg10 : memref<80x128xf32, #tpu.memory_space<vmem>>) target(%dma_start3A_306 : memref<10240x128xf32, #tpu.memory_space<vmem_shared>>) offsets(%dma_start3A_303 : memref<80xi32, #tpu.memory_space<vmem>>) semaphore(%run_scoped3A_300 : memref<!tpu.dma_semaphore, #tpu.memory_space<semaphore_mem>>) {add = true}
        %dma_wait3A_307 = arith.constant 0 : i32
        %dma_wait3A_308 = tpu.memref_slice %arg6[%run_scoped3A_159, %dma_wait3A_307] : memref<2x80xi32, #tpu.memory_space<vmem>> -> memref<1x80xi32, #tpu.memory_space<vmem>>
        %dma_wait3A_309 = tpu.memref_squeeze %dma_wait3A_308 : memref<1x80xi32, #tpu.memory_space<vmem>> -> memref<80xi32, #tpu.memory_space<vmem>>
        %dma_wait3A_310 = arith.constant 0 : i32
        %dma_wait3A_311 = arith.constant 0 : i32
        %dma_wait3A_312 = tpu.memref_slice %arg18[%dma_wait3A_310, %dma_wait3A_311] : memref<10240x128xf32, #tpu.memory_space<vmem_shared>> -> memref<10240x128xf32, #tpu.memory_space<vmem_shared>>
        tpu.wait_indirect_dma semaphore(%run_scoped3A_300 : memref<!tpu.dma_semaphore, #tpu.memory_space<semaphore_mem>>) src(%arg10 : memref<80x128xf32, #tpu.memory_space<vmem>>) dst(%dma_wait3A_312 : memref<10240x128xf32, #tpu.memory_space<vmem_shared>>)
        tpu.yield
      }) : () -> ()
      %dma_wait3A_160 = arith.constant 0 : i32
      %dma_wait3A_161 = arith.constant 0 : i32
      %dma_wait3A_162 = tpu.memref_slice %arg2[%mul3A_2, %dma_wait3A_160, %dma_wait3A_161] : memref<4000x2x80xi32, #tpu.memory_space<hbm>> -> memref<1x2x80xi32, #tpu.memory_space<hbm>>
      %dma_wait3A_163 = tpu.memref_squeeze %dma_wait3A_162 : memref<1x2x80xi32, #tpu.memory_space<hbm>> -> memref<2x80xi32, #tpu.memory_space<hbm>>
      %dma_wait3A_164 = arith.constant 0 : i32
      %dma_wait3A_165 = arith.constant 0 : i32
      %dma_wait3A_166 = tpu.memref_slice %arg2[%mul3A_2, %dma_wait3A_164, %dma_wait3A_165] : memref<4000x2x80xi32, #tpu.memory_space<hbm>> -> memref<1x2x80xi32, #tpu.memory_space<hbm>>
      %dma_wait3A_167 = tpu.memref_squeeze %dma_wait3A_166 : memref<1x2x80xi32, #tpu.memory_space<hbm>> -> memref<2x80xi32, #tpu.memory_space<hbm>>
      tpu.wait_dma2 semaphore(%arg15 : memref<!tpu.dma_semaphore, #tpu.memory_space<semaphore_mem>>) src(%dma_wait3A_167 : memref<2x80xi32, #tpu.memory_space<hbm>>) dst(%arg7 : memref<2x80xi32, #tpu.memory_space<vmem>>)
      %dma_start3A_168 = arith.constant 0 : i32
      %dma_start3A_169 = arith.constant 0 : i32
      %dma_start3A_170 = tpu.memref_slice %arg7[%dma_start3A_168, %dma_start3A_169] : memref<2x80xi32, #tpu.memory_space<vmem>> -> memref<1x80xi32, #tpu.memory_space<vmem>>
      %dma_start3A_171 = tpu.memref_squeeze %dma_start3A_170 : memref<1x80xi32, #tpu.memory_space<vmem>> -> memref<80xi32, #tpu.memory_space<vmem>>
      %dma_start3A_172 = arith.constant 0 : i32
      %dma_start3A_173 = arith.constant 0 : i32
      %dma_start3A_174 = tpu.memref_slice %arg3[%dma_start3A_172, %dma_start3A_173] : memref<10000x128xf32, #tpu.memory_space<hbm>> -> memref<10000x128xf32, #tpu.memory_space<hbm>>
      tpu.enqueue_indirect_dma source(%dma_start3A_174 : memref<10000x128xf32, #tpu.memory_space<hbm>>) target(%arg10 : memref<80x128xf32, #tpu.memory_space<vmem>>) offsets(%dma_start3A_171 : memref<80xi32, #tpu.memory_space<vmem>>) semaphore(%arg12 : memref<!tpu.dma_semaphore, #tpu.memory_space<semaphore_mem>>)
      %add3A_175 = arith.addi %mul3A_2, %add3A_151 : i32
      %add3A_176 = arith.constant 4 : i32
      %add3A_177 = arith.addi %add3A_175, %add3A_176 : i32
      %dma_start3A_178 = arith.constant 0 : i32
      %dma_start3A_179 = arith.constant 0 : i32
      %dma_start3A_180 = tpu.memref_slice %arg2[%add3A_177, %dma_start3A_178, %dma_start3A_179] : memref<4000x2x80xi32, #tpu.memory_space<hbm>> -> memref<1x2x80xi32, #tpu.memory_space<hbm>>
      %dma_start3A_181 = tpu.memref_squeeze %dma_start3A_180 : memref<1x2x80xi32, #tpu.memory_space<hbm>> -> memref<2x80xi32, #tpu.memory_space<hbm>>
      %dma_start3A_182 = arith.constant 0 : i32
      %dma_start3A_183 = arith.constant 0 : i32
      %dma_start3A_184 = tpu.memref_slice %arg2[%add3A_177, %dma_start3A_182, %dma_start3A_183] : memref<4000x2x80xi32, #tpu.memory_space<hbm>> -> memref<1x2x80xi32, #tpu.memory_space<hbm>>
      %dma_start3A_185 = tpu.memref_squeeze %dma_start3A_184 : memref<1x2x80xi32, #tpu.memory_space<hbm>> -> memref<2x80xi32, #tpu.memory_space<hbm>>
      tpu.enqueue_dma source(%dma_start3A_185 : memref<2x80xi32, #tpu.memory_space<hbm>>) target(%arg6 : memref<2x80xi32, #tpu.memory_space<vmem>>) target_semaphore(%arg14 : memref<!tpu.dma_semaphore, #tpu.memory_space<semaphore_mem>>)
      %mul3A_186 = arith.constant 4 : i32
      %mul3A_187 = arith.muli %scan3A_147, %mul3A_186 : i32
      %add3A_188 = arith.constant 1 : i32
      %add3A_189 = arith.addi %mul3A_187, %add3A_188 : i32
      %dma_wait3A_190 = arith.constant 0 : i32
      %dma_wait3A_191 = arith.constant 0 : i32
      %dma_wait3A_192 = tpu.memref_slice %arg8[%dma_wait3A_190, %dma_wait3A_191] : memref<2x80xi32, #tpu.memory_space<vmem>> -> memref<1x80xi32, #tpu.memory_space<vmem>>
      %dma_wait3A_193 = tpu.memref_squeeze %dma_wait3A_192 : memref<1x80xi32, #tpu.memory_space<vmem>> -> memref<80xi32, #tpu.memory_space<vmem>>
      %dma_wait3A_194 = arith.constant 0 : i32
      %dma_wait3A_195 = arith.constant 0 : i32
      %dma_wait3A_196 = tpu.memref_slice %arg3[%dma_wait3A_194, %dma_wait3A_195] : memref<10000x128xf32, #tpu.memory_space<hbm>> -> memref<10000x128xf32, #tpu.memory_space<hbm>>
      tpu.wait_indirect_dma semaphore(%arg13 : memref<!tpu.dma_semaphore, #tpu.memory_space<semaphore_mem>>) src(%dma_wait3A_196 : memref<10000x128xf32, #tpu.memory_space<hbm>>) dst(%arg11 : memref<80x128xf32, #tpu.memory_space<vmem>>)
      %run_scoped3A_197 = arith.constant 1 : i32
      "tpu.region"() ({
        %run_scoped3A_300 = tpu.sem_alloc : memref<!tpu.dma_semaphore, #tpu.memory_space<semaphore_mem>>
        %dma_start3A_301 = arith.constant 0 : i32
        %dma_start3A_302 = tpu.memref_slice %arg8[%run_scoped3A_197, %dma_start3A_301] : memref<2x80xi32, #tpu.memory_space<vmem>> -> memref<1x80xi32, #tpu.memory_space<vmem>>
        %dma_start3A_303 = tpu.memref_squeeze %dma_start3A_302 : memref<1x80xi32, #tpu.memory_space<vmem>> -> memref<80xi32, #tpu.memory_space<vmem>>
        %dma_start3A_304 = arith.constant 0 : i32
        %dma_start3A_305 = arith.constant 0 : i32
        %dma_start3A_306 = tpu.memref_slice %arg18[%dma_start3A_304, %dma_start3A_305] : memref<10240x128xf32, #tpu.memory_space<vmem_shared>> -> memref<10240x128xf32, #tpu.memory_space<vmem_shared>>
        tpu.enqueue_indirect_dma source(%arg11 : memref<80x128xf32, #tpu.memory_space<vmem>>) target(%dma_start3A_306 : memref<10240x128xf32, #tpu.memory_space<vmem_shared>>) offsets(%dma_start3A_303 : memref<80xi32, #tpu.memory_space<vmem>>) semaphore(%run_scoped3A_300 : memref<!tpu.dma_semaphore, #tpu.memory_space<semaphore_mem>>) {add = true}
        %dma_wait3A_307 = arith.constant 0 : i32
        %dma_wait3A_308 = tpu.memref_slice %arg8[%run_scoped3A_197, %dma_wait3A_307] : memref<2x80xi32, #tpu.memory_space<vmem>> -> memref<1x80xi32, #tpu.memory_space<vmem>>
        %dma_wait3A_309 = tpu.memref_squeeze %dma_wait3A_308 : memref<1x80xi32, #tpu.memory_space<vmem>> -> memref<80xi32, #tpu.memory_space<vmem>>
        %dma_wait3A_310 = arith.constant 0 : i32
        %dma_wait3A_311 = arith.constant 0 : i32
        %dma_wait3A_312 = tpu.memref_slice %arg18[%dma_wait3A_310, %dma_wait3A_311] : memref<10240x128xf32, #tpu.memory_space<vmem_shared>> -> memref<10240x128xf32, #tpu.memory_space<vmem_shared>>
        tpu.wait_indirect_dma semaphore(%run_scoped3A_300 : memref<!tpu.dma_semaphore, #tpu.memory_space<semaphore_mem>>) src(%arg11 : memref<80x128xf32, #tpu.memory_space<vmem>>) dst(%dma_wait3A_312 : memref<10240x128xf32, #tpu.memory_space<vmem_shared>>)
        tpu.yield
      }) : () -> ()
      %dma_wait3A_198 = arith.constant 0 : i32
      %dma_wait3A_199 = arith.constant 0 : i32
      %dma_wait3A_200 = tpu.memref_slice %arg2[%mul3A_2, %dma_wait3A_198, %dma_wait3A_199] : memref<4000x2x80xi32, #tpu.memory_space<hbm>> -> memref<1x2x80xi32, #tpu.memory_space<hbm>>
      %dma_wait3A_201 = tpu.memref_squeeze %dma_wait3A_200 : memref<1x2x80xi32, #tpu.memory_space<hbm>> -> memref<2x80xi32, #tpu.memory_space<hbm>>
      %dma_wait3A_202 = arith.constant 0 : i32
      %dma_wait3A_203 = arith.constant 0 : i32
      %dma_wait3A_204 = tpu.memref_slice %arg2[%mul3A_2, %dma_wait3A_202, %dma_wait3A_203] : memref<4000x2x80xi32, #tpu.memory_space<hbm>> -> memref<1x2x80xi32, #tpu.memory_space<hbm>>
      %dma_wait3A_205 = tpu.memref_squeeze %dma_wait3A_204 : memref<1x2x80xi32, #tpu.memory_space<hbm>> -> memref<2x80xi32, #tpu.memory_space<hbm>>
      tpu.wait_dma2 semaphore(%arg17 : memref<!tpu.dma_semaphore, #tpu.memory_space<semaphore_mem>>) src(%dma_wait3A_205 : memref<2x80xi32, #tpu.memory_space<hbm>>) dst(%arg9 : memref<2x80xi32, #tpu.memory_space<vmem>>)
      %dma_start3A_206 = arith.constant 0 : i32
      %dma_start3A_207 = arith.constant 0 : i32
      %dma_start3A_208 = tpu.memref_slice %arg9[%dma_start3A_206, %dma_start3A_207] : memref<2x80xi32, #tpu.memory_space<vmem>> -> memref<1x80xi32, #tpu.memory_space<vmem>>
      %dma_start3A_209 = tpu.memref_squeeze %dma_start3A_208 : memref<1x80xi32, #tpu.memory_space<vmem>> -> memref<80xi32, #tpu.memory_space<vmem>>
      %dma_start3A_210 = arith.constant 0 : i32
      %dma_start3A_211 = arith.constant 0 : i32
      %dma_start3A_212 = tpu.memref_slice %arg3[%dma_start3A_210, %dma_start3A_211] : memref<10000x128xf32, #tpu.memory_space<hbm>> -> memref<10000x128xf32, #tpu.memory_space<hbm>>
      tpu.enqueue_indirect_dma source(%dma_start3A_212 : memref<10000x128xf32, #tpu.memory_space<hbm>>) target(%arg11 : memref<80x128xf32, #tpu.memory_space<vmem>>) offsets(%dma_start3A_209 : memref<80xi32, #tpu.memory_space<vmem>>) semaphore(%arg13 : memref<!tpu.dma_semaphore, #tpu.memory_space<semaphore_mem>>)
      %add3A_213 = arith.addi %mul3A_2, %add3A_189 : i32
      %add3A_214 = arith.constant 4 : i32
      %add3A_215 = arith.addi %add3A_213, %add3A_214 : i32
      %dma_start3A_216 = arith.constant 0 : i32
      %dma_start3A_217 = arith.constant 0 : i32
      %dma_start3A_218 = tpu.memref_slice %arg2[%add3A_215, %dma_start3A_216, %dma_start3A_217] : memref<4000x2x80xi32, #tpu.memory_space<hbm>> -> memref<1x2x80xi32, #tpu.memory_space<hbm>>
      %dma_start3A_219 = tpu.memref_squeeze %dma_start3A_218 : memref<1x2x80xi32, #tpu.memory_space<hbm>> -> memref<2x80xi32, #tpu.memory_space<hbm>>
      %dma_start3A_220 = arith.constant 0 : i32
      %dma_start3A_221 = arith.constant 0 : i32
      %dma_start3A_222 = tpu.memref_slice %arg2[%add3A_215, %dma_start3A_220, %dma_start3A_221] : memref<4000x2x80xi32, #tpu.memory_space<hbm>> -> memref<1x2x80xi32, #tpu.memory_space<hbm>>
      %dma_start3A_223 = tpu.memref_squeeze %dma_start3A_222 : memref<1x2x80xi32, #tpu.memory_space<hbm>> -> memref<2x80xi32, #tpu.memory_space<hbm>>
      tpu.enqueue_dma source(%dma_start3A_223 : memref<2x80xi32, #tpu.memory_space<hbm>>) target(%arg8 : memref<2x80xi32, #tpu.memory_space<vmem>>) target_semaphore(%arg16 : memref<!tpu.dma_semaphore, #tpu.memory_space<semaphore_mem>>)
      %mul3A_224 = arith.constant 4 : i32
      %mul3A_225 = arith.muli %scan3A_147, %mul3A_224 : i32
      %add3A_226 = arith.constant 2 : i32
      %add3A_227 = arith.addi %mul3A_225, %add3A_226 : i32
      %dma_wait3A_228 = arith.constant 0 : i32
      %dma_wait3A_229 = arith.constant 0 : i32
      %dma_wait3A_230 = tpu.memref_slice %arg7[%dma_wait3A_228, %dma_wait3A_229] : memref<2x80xi32, #tpu.memory_space<vmem>> -> memref<1x80xi32, #tpu.memory_space<vmem>>
      %dma_wait3A_231 = tpu.memref_squeeze %dma_wait3A_230 : memref<1x80xi32, #tpu.memory_space<vmem>> -> memref<80xi32, #tpu.memory_space<vmem>>
      %dma_wait3A_232 = arith.constant 0 : i32
      %dma_wait3A_233 = arith.constant 0 : i32
      %dma_wait3A_234 = tpu.memref_slice %arg3[%dma_wait3A_232, %dma_wait3A_233] : memref<10000x128xf32, #tpu.memory_space<hbm>> -> memref<10000x128xf32, #tpu.memory_space<hbm>>
      tpu.wait_indirect_dma semaphore(%arg12 : memref<!tpu.dma_semaphore, #tpu.memory_space<semaphore_mem>>) src(%dma_wait3A_234 : memref<10000x128xf32, #tpu.memory_space<hbm>>) dst(%arg10 : memref<80x128xf32, #tpu.memory_space<vmem>>)
      %run_scoped3A_235 = arith.constant 1 : i32
      "tpu.region"() ({
        %run_scoped3A_300 = tpu.sem_alloc : memref<!tpu.dma_semaphore, #tpu.memory_space<semaphore_mem>>
        %dma_start3A_301 = arith.constant 0 : i32
        %dma_start3A_302 = tpu.memref_slice %arg7[%run_scoped3A_235, %dma_start3A_301] : memref<2x80xi32, #tpu.memory_space<vmem>> -> memref<1x80xi32, #tpu.memory_space<vmem>>
        %dma_start3A_303 = tpu.memref_squeeze %dma_start3A_302 : memref<1x80xi32, #tpu.memory_space<vmem>> -> memref<80xi32, #tpu.memory_space<vmem>>
        %dma_start3A_304 = arith.constant 0 : i32
        %dma_start3A_305 = arith.constant 0 : i32
        %dma_start3A_306 = tpu.memref_slice %arg18[%dma_start3A_304, %dma_start3A_305] : memref<10240x128xf32, #tpu.memory_space<vmem_shared>> -> memref<10240x128xf32, #tpu.memory_space<vmem_shared>>
        tpu.enqueue_indirect_dma source(%arg10 : memref<80x128xf32, #tpu.memory_space<vmem>>) target(%dma_start3A_306 : memref<10240x128xf32, #tpu.memory_space<vmem_shared>>) offsets(%dma_start3A_303 : memref<80xi32, #tpu.memory_space<vmem>>) semaphore(%run_scoped3A_300 : memref<!tpu.dma_semaphore, #tpu.memory_space<semaphore_mem>>) {add = true}
        %dma_wait3A_307 = arith.constant 0 : i32
        %dma_wait3A_308 = tpu.memref_slice %arg7[%run_scoped3A_235, %dma_wait3A_307] : memref<2x80xi32, #tpu.memory_space<vmem>> -> memref<1x80xi32, #tpu.memory_space<vmem>>
        %dma_wait3A_309 = tpu.memref_squeeze %dma_wait3A_308 : memref<1x80xi32, #tpu.memory_space<vmem>> -> memref<80xi32, #tpu.memory_space<vmem>>
        %dma_wait3A_310 = arith.constant 0 : i32
        %dma_wait3A_311 = arith.constant 0 : i32
        %dma_wait3A_312 = tpu.memref_slice %arg18[%dma_wait3A_310, %dma_wait3A_311] : memref<10240x128xf32, #tpu.memory_space<vmem_shared>> -> memref<10240x128xf32, #tpu.memory_space<vmem_shared>>
        tpu.wait_indirect_dma semaphore(%run_scoped3A_300 : memref<!tpu.dma_semaphore, #tpu.memory_space<semaphore_mem>>) src(%arg10 : memref<80x128xf32, #tpu.memory_space<vmem>>) dst(%dma_wait3A_312 : memref<10240x128xf32, #tpu.memory_space<vmem_shared>>)
        tpu.yield
      }) : () -> ()
      %dma_wait3A_236 = arith.constant 0 : i32
      %dma_wait3A_237 = arith.constant 0 : i32
      %dma_wait3A_238 = tpu.memref_slice %arg2[%mul3A_2, %dma_wait3A_236, %dma_wait3A_237] : memref<4000x2x80xi32, #tpu.memory_space<hbm>> -> memref<1x2x80xi32, #tpu.memory_space<hbm>>
      %dma_wait3A_239 = tpu.memref_squeeze %dma_wait3A_238 : memref<1x2x80xi32, #tpu.memory_space<hbm>> -> memref<2x80xi32, #tpu.memory_space<hbm>>
      %dma_wait3A_240 = arith.constant 0 : i32
      %dma_wait3A_241 = arith.constant 0 : i32
      %dma_wait3A_242 = tpu.memref_slice %arg2[%mul3A_2, %dma_wait3A_240, %dma_wait3A_241] : memref<4000x2x80xi32, #tpu.memory_space<hbm>> -> memref<1x2x80xi32, #tpu.memory_space<hbm>>
      %dma_wait3A_243 = tpu.memref_squeeze %dma_wait3A_242 : memref<1x2x80xi32, #tpu.memory_space<hbm>> -> memref<2x80xi32, #tpu.memory_space<hbm>>
      tpu.wait_dma2 semaphore(%arg14 : memref<!tpu.dma_semaphore, #tpu.memory_space<semaphore_mem>>) src(%dma_wait3A_243 : memref<2x80xi32, #tpu.memory_space<hbm>>) dst(%arg6 : memref<2x80xi32, #tpu.memory_space<vmem>>)
      %dma_start3A_244 = arith.constant 0 : i32
      %dma_start3A_245 = arith.constant 0 : i32
      %dma_start3A_246 = tpu.memref_slice %arg6[%dma_start3A_244, %dma_start3A_245] : memref<2x80xi32, #tpu.memory_space<vmem>> -> memref<1x80xi32, #tpu.memory_space<vmem>>
      %dma_start3A_247 = tpu.memref_squeeze %dma_start3A_246 : memref<1x80xi32, #tpu.memory_space<vmem>> -> memref<80xi32, #tpu.memory_space<vmem>>
      %dma_start3A_248 = arith.constant 0 : i32
      %dma_start3A_249 = arith.constant 0 : i32
      %dma_start3A_250 = tpu.memref_slice %arg3[%dma_start3A_248, %dma_start3A_249] : memref<10000x128xf32, #tpu.memory_space<hbm>> -> memref<10000x128xf32, #tpu.memory_space<hbm>>
      tpu.enqueue_indirect_dma source(%dma_start3A_250 : memref<10000x128xf32, #tpu.memory_space<hbm>>) target(%arg10 : memref<80x128xf32, #tpu.memory_space<vmem>>) offsets(%dma_start3A_247 : memref<80xi32, #tpu.memory_space<vmem>>) semaphore(%arg12 : memref<!tpu.dma_semaphore, #tpu.memory_space<semaphore_mem>>)
      %add3A_251 = arith.addi %mul3A_2, %add3A_227 : i32
      %add3A_252 = arith.constant 4 : i32
      %add3A_253 = arith.addi %add3A_251, %add3A_252 : i32
      %dma_start3A_254 = arith.constant 0 : i32
      %dma_start3A_255 = arith.constant 0 : i32
      %dma_start3A_256 = tpu.memref_slice %arg2[%add3A_253, %dma_start3A_254, %dma_start3A_255] : memref<4000x2x80xi32, #tpu.memory_space<hbm>> -> memref<1x2x80xi32, #tpu.memory_space<hbm>>
      %dma_start3A_257 = tpu.memref_squeeze %dma_start3A_256 : memref<1x2x80xi32, #tpu.memory_space<hbm>> -> memref<2x80xi32, #tpu.memory_space<hbm>>
      %dma_start3A_258 = arith.constant 0 : i32
      %dma_start3A_259 = arith.constant 0 : i32
      %dma_start3A_260 = tpu.memref_slice %arg2[%add3A_253, %dma_start3A_258, %dma_start3A_259] : memref<4000x2x80xi32, #tpu.memory_space<hbm>> -> memref<1x2x80xi32, #tpu.memory_space<hbm>>
      %dma_start3A_261 = tpu.memref_squeeze %dma_start3A_260 : memref<1x2x80xi32, #tpu.memory_space<hbm>> -> memref<2x80xi32, #tpu.memory_space<hbm>>
      tpu.enqueue_dma source(%dma_start3A_261 : memref<2x80xi32, #tpu.memory_space<hbm>>) target(%arg7 : memref<2x80xi32, #tpu.memory_space<vmem>>) target_semaphore(%arg15 : memref<!tpu.dma_semaphore, #tpu.memory_space<semaphore_mem>>)
      %mul3A_262 = arith.constant 4 : i32
      %mul3A_263 = arith.muli %scan3A_147, %mul3A_262 : i32
      %add3A_264 = arith.constant 3 : i32
      %add3A_265 = arith.addi %mul3A_263, %add3A_264 : i32
      %dma_wait3A_266 = arith.constant 0 : i32
      %dma_wait3A_267 = arith.constant 0 : i32
      %dma_wait3A_268 = tpu.memref_slice %arg9[%dma_wait3A_266, %dma_wait3A_267] : memref<2x80xi32, #tpu.memory_space<vmem>> -> memref<1x80xi32, #tpu.memory_space<vmem>>
      %dma_wait3A_269 = tpu.memref_squeeze %dma_wait3A_268 : memref<1x80xi32, #tpu.memory_space<vmem>> -> memref<80xi32, #tpu.memory_space<vmem>>
      %dma_wait3A_270 = arith.constant 0 : i32
      %dma_wait3A_271 = arith.constant 0 : i32
      %dma_wait3A_272 = tpu.memref_slice %arg3[%dma_wait3A_270, %dma_wait3A_271] : memref<10000x128xf32, #tpu.memory_space<hbm>> -> memref<10000x128xf32, #tpu.memory_space<hbm>>
      tpu.wait_indirect_dma semaphore(%arg13 : memref<!tpu.dma_semaphore, #tpu.memory_space<semaphore_mem>>) src(%dma_wait3A_272 : memref<10000x128xf32, #tpu.memory_space<hbm>>) dst(%arg11 : memref<80x128xf32, #tpu.memory_space<vmem>>)
      %run_scoped3A_273 = arith.constant 1 : i32
      "tpu.region"() ({
        %run_scoped3A_300 = tpu.sem_alloc : memref<!tpu.dma_semaphore, #tpu.memory_space<semaphore_mem>>
        %dma_start3A_301 = arith.constant 0 : i32
        %dma_start3A_302 = tpu.memref_slice %arg9[%run_scoped3A_273, %dma_start3A_301] : memref<2x80xi32, #tpu.memory_space<vmem>> -> memref<1x80xi32, #tpu.memory_space<vmem>>
        %dma_start3A_303 = tpu.memref_squeeze %dma_start3A_302 : memref<1x80xi32, #tpu.memory_space<vmem>> -> memref<80xi32, #tpu.memory_space<vmem>>
        %dma_start3A_304 = arith.constant 0 : i32
        %dma_start3A_305 = arith.constant 0 : i32
        %dma_start3A_306 = tpu.memref_slice %arg18[%dma_start3A_304, %dma_start3A_305] : memref<10240x128xf32, #tpu.memory_space<vmem_shared>> -> memref<10240x128xf32, #tpu.memory_space<vmem_shared>>
        tpu.enqueue_indirect_dma source(%arg11 : memref<80x128xf32, #tpu.memory_space<vmem>>) target(%dma_start3A_306 : memref<10240x128xf32, #tpu.memory_space<vmem_shared>>) offsets(%dma_start3A_303 : memref<80xi32, #tpu.memory_space<vmem>>) semaphore(%run_scoped3A_300 : memref<!tpu.dma_semaphore, #tpu.memory_space<semaphore_mem>>) {add = true}
        %dma_wait3A_307 = arith.constant 0 : i32
        %dma_wait3A_308 = tpu.memref_slice %arg9[%run_scoped3A_273, %dma_wait3A_307] : memref<2x80xi32, #tpu.memory_space<vmem>> -> memref<1x80xi32, #tpu.memory_space<vmem>>
        %dma_wait3A_309 = tpu.memref_squeeze %dma_wait3A_308 : memref<1x80xi32, #tpu.memory_space<vmem>> -> memref<80xi32, #tpu.memory_space<vmem>>
        %dma_wait3A_310 = arith.constant 0 : i32
        %dma_wait3A_311 = arith.constant 0 : i32
        %dma_wait3A_312 = tpu.memref_slice %arg18[%dma_wait3A_310, %dma_wait3A_311] : memref<10240x128xf32, #tpu.memory_space<vmem_shared>> -> memref<10240x128xf32, #tpu.memory_space<vmem_shared>>
        tpu.wait_indirect_dma semaphore(%run_scoped3A_300 : memref<!tpu.dma_semaphore, #tpu.memory_space<semaphore_mem>>) src(%arg11 : memref<80x128xf32, #tpu.memory_space<vmem>>) dst(%dma_wait3A_312 : memref<10240x128xf32, #tpu.memory_space<vmem_shared>>)
        tpu.yield
      }) : () -> ()
      %dma_wait3A_274 = arith.constant 0 : i32
      %dma_wait3A_275 = arith.constant 0 : i32
      %dma_wait3A_276 = tpu.memref_slice %arg2[%mul3A_2, %dma_wait3A_274, %dma_wait3A_275] : memref<4000x2x80xi32, #tpu.memory_space<hbm>> -> memref<1x2x80xi32, #tpu.memory_space<hbm>>
      %dma_wait3A_277 = tpu.memref_squeeze %dma_wait3A_276 : memref<1x2x80xi32, #tpu.memory_space<hbm>> -> memref<2x80xi32, #tpu.memory_space<hbm>>
      %dma_wait3A_278 = arith.constant 0 : i32
      %dma_wait3A_279 = arith.constant 0 : i32
      %dma_wait3A_280 = tpu.memref_slice %arg2[%mul3A_2, %dma_wait3A_278, %dma_wait3A_279] : memref<4000x2x80xi32, #tpu.memory_space<hbm>> -> memref<1x2x80xi32, #tpu.memory_space<hbm>>
      %dma_wait3A_281 = tpu.memref_squeeze %dma_wait3A_280 : memref<1x2x80xi32, #tpu.memory_space<hbm>> -> memref<2x80xi32, #tpu.memory_space<hbm>>
      tpu.wait_dma2 semaphore(%arg16 : memref<!tpu.dma_semaphore, #tpu.memory_space<semaphore_mem>>) src(%dma_wait3A_281 : memref<2x80xi32, #tpu.memory_space<hbm>>) dst(%arg8 : memref<2x80xi32, #tpu.memory_space<vmem>>)
      %dma_start3A_282 = arith.constant 0 : i32
      %dma_start3A_283 = arith.constant 0 : i32
      %dma_start3A_284 = tpu.memref_slice %arg8[%dma_start3A_282, %dma_start3A_283] : memref<2x80xi32, #tpu.memory_space<vmem>> -> memref<1x80xi32, #tpu.memory_space<vmem>>
      %dma_start3A_285 = tpu.memref_squeeze %dma_start3A_284 : memref<1x80xi32, #tpu.memory_space<vmem>> -> memref<80xi32, #tpu.memory_space<vmem>>
      %dma_start3A_286 = arith.constant 0 : i32
      %dma_start3A_287 = arith.constant 0 : i32
      %dma_start3A_288 = tpu.memref_slice %arg3[%dma_start3A_286, %dma_start3A_287] : memref<10000x128xf32, #tpu.memory_space<hbm>> -> memref<10000x128xf32, #tpu.memory_space<hbm>>
      tpu.enqueue_indirect_dma source(%dma_start3A_288 : memref<10000x128xf32, #tpu.memory_space<hbm>>) target(%arg11 : memref<80x128xf32, #tpu.memory_space<vmem>>) offsets(%dma_start3A_285 : memref<80xi32, #tpu.memory_space<vmem>>) semaphore(%arg13 : memref<!tpu.dma_semaphore, #tpu.memory_space<semaphore_mem>>)
      %add3A_289 = arith.addi %mul3A_2, %add3A_265 : i32
      %add3A_290 = arith.constant 4 : i32
      %add3A_291 = arith.addi %add3A_289, %add3A_290 : i32
      %dma_start3A_292 = arith.constant 0 : i32
      %dma_start3A_293 = arith.constant 0 : i32
      %dma_start3A_294 = tpu.memref_slice %arg2[%add3A_291, %dma_start3A_292, %dma_start3A_293] : memref<4000x2x80xi32, #tpu.memory_space<hbm>> -> memref<1x2x80xi32, #tpu.memory_space<hbm>>
      %dma_start3A_295 = tpu.memref_squeeze %dma_start3A_294 : memref<1x2x80xi32, #tpu.memory_space<hbm>> -> memref<2x80xi32, #tpu.memory_space<hbm>>
      %dma_start3A_296 = arith.constant 0 : i32
      %dma_start3A_297 = arith.constant 0 : i32
      %dma_start3A_298 = tpu.memref_slice %arg2[%add3A_291, %dma_start3A_296, %dma_start3A_297] : memref<4000x2x80xi32, #tpu.memory_space<hbm>> -> memref<1x2x80xi32, #tpu.memory_space<hbm>>
      %dma_start3A_299 = tpu.memref_squeeze %dma_start3A_298 : memref<1x2x80xi32, #tpu.memory_space<hbm>> -> memref<2x80xi32, #tpu.memory_space<hbm>>
      tpu.enqueue_dma source(%dma_start3A_299 : memref<2x80xi32, #tpu.memory_space<hbm>>) target(%arg9 : memref<2x80xi32, #tpu.memory_space<vmem>>) target_semaphore(%arg17 : memref<!tpu.dma_semaphore, #tpu.memory_space<semaphore_mem>>)
    }
    %scan3A_44 = arith.constant 30 : i32
    %dma_wait3A = arith.constant 0 : i32
    %dma_wait3A_45 = arith.constant 0 : i32
    %dma_wait3A_46 = tpu.memref_slice %arg6[%dma_wait3A, %dma_wait3A_45] : memref<2x80xi32, #tpu.memory_space<vmem>> -> memref<1x80xi32, #tpu.memory_space<vmem>>
    %dma_wait3A_47 = tpu.memref_squeeze %dma_wait3A_46 : memref<1x80xi32, #tpu.memory_space<vmem>> -> memref<80xi32, #tpu.memory_space<vmem>>
    %dma_wait3A_48 = arith.constant 0 : i32
    %dma_wait3A_49 = arith.constant 0 : i32
    %dma_wait3A_50 = tpu.memref_slice %arg3[%dma_wait3A_48, %dma_wait3A_49] : memref<10000x128xf32, #tpu.memory_space<hbm>> -> memref<10000x128xf32, #tpu.memory_space<hbm>>
    tpu.wait_indirect_dma semaphore(%arg12 : memref<!tpu.dma_semaphore, #tpu.memory_space<semaphore_mem>>) src(%dma_wait3A_50 : memref<10000x128xf32, #tpu.memory_space<hbm>>) dst(%arg10 : memref<80x128xf32, #tpu.memory_space<vmem>>)
    %run_scoped3A = arith.constant 1 : i32
    "tpu.region"() ({
      %run_scoped3A_147 = tpu.sem_alloc : memref<!tpu.dma_semaphore, #tpu.memory_space<semaphore_mem>>
      %dma_start3A_148 = arith.constant 0 : i32
      %dma_start3A_149 = tpu.memref_slice %arg6[%run_scoped3A, %dma_start3A_148] : memref<2x80xi32, #tpu.memory_space<vmem>> -> memref<1x80xi32, #tpu.memory_space<vmem>>
      %dma_start3A_150 = tpu.memref_squeeze %dma_start3A_149 : memref<1x80xi32, #tpu.memory_space<vmem>> -> memref<80xi32, #tpu.memory_space<vmem>>
      %dma_start3A_151 = arith.constant 0 : i32
      %dma_start3A_152 = arith.constant 0 : i32
      %dma_start3A_153 = tpu.memref_slice %arg18[%dma_start3A_151, %dma_start3A_152] : memref<10240x128xf32, #tpu.memory_space<vmem_shared>> -> memref<10240x128xf32, #tpu.memory_space<vmem_shared>>
      tpu.enqueue_indirect_dma source(%arg10 : memref<80x128xf32, #tpu.memory_space<vmem>>) target(%dma_start3A_153 : memref<10240x128xf32, #tpu.memory_space<vmem_shared>>) offsets(%dma_start3A_150 : memref<80xi32, #tpu.memory_space<vmem>>) semaphore(%run_scoped3A_147 : memref<!tpu.dma_semaphore, #tpu.memory_space<semaphore_mem>>) {add = true}
      %dma_wait3A_154 = arith.constant 0 : i32
      %dma_wait3A_155 = tpu.memref_slice %arg6[%run_scoped3A, %dma_wait3A_154] : memref<2x80xi32, #tpu.memory_space<vmem>> -> memref<1x80xi32, #tpu.memory_space<vmem>>
      %dma_wait3A_156 = tpu.memref_squeeze %dma_wait3A_155 : memref<1x80xi32, #tpu.memory_space<vmem>> -> memref<80xi32, #tpu.memory_space<vmem>>
      %dma_wait3A_157 = arith.constant 0 : i32
      %dma_wait3A_158 = arith.constant 0 : i32
      %dma_wait3A_159 = tpu.memref_slice %arg18[%dma_wait3A_157, %dma_wait3A_158] : memref<10240x128xf32, #tpu.memory_space<vmem_shared>> -> memref<10240x128xf32, #tpu.memory_space<vmem_shared>>
      tpu.wait_indirect_dma semaphore(%run_scoped3A_147 : memref<!tpu.dma_semaphore, #tpu.memory_space<semaphore_mem>>) src(%arg10 : memref<80x128xf32, #tpu.memory_space<vmem>>) dst(%dma_wait3A_159 : memref<10240x128xf32, #tpu.memory_space<vmem_shared>>)
      tpu.yield
    }) : () -> ()
    %dma_wait3A_51 = arith.constant 0 : i32
    %dma_wait3A_52 = arith.constant 0 : i32
    %dma_wait3A_53 = tpu.memref_slice %arg2[%mul3A_2, %dma_wait3A_51, %dma_wait3A_52] : memref<4000x2x80xi32, #tpu.memory_space<hbm>> -> memref<1x2x80xi32, #tpu.memory_space<hbm>>
    %dma_wait3A_54 = tpu.memref_squeeze %dma_wait3A_53 : memref<1x2x80xi32, #tpu.memory_space<hbm>> -> memref<2x80xi32, #tpu.memory_space<hbm>>
    %dma_wait3A_55 = arith.constant 0 : i32
    %dma_wait3A_56 = arith.constant 0 : i32
    %dma_wait3A_57 = tpu.memref_slice %arg2[%mul3A_2, %dma_wait3A_55, %dma_wait3A_56] : memref<4000x2x80xi32, #tpu.memory_space<hbm>> -> memref<1x2x80xi32, #tpu.memory_space<hbm>>
    %dma_wait3A_58 = tpu.memref_squeeze %dma_wait3A_57 : memref<1x2x80xi32, #tpu.memory_space<hbm>> -> memref<2x80xi32, #tpu.memory_space<hbm>>
    tpu.wait_dma2 semaphore(%arg15 : memref<!tpu.dma_semaphore, #tpu.memory_space<semaphore_mem>>) src(%dma_wait3A_58 : memref<2x80xi32, #tpu.memory_space<hbm>>) dst(%arg7 : memref<2x80xi32, #tpu.memory_space<vmem>>)
    %dma_start3A_59 = arith.constant 0 : i32
    %dma_start3A_60 = arith.constant 0 : i32
    %dma_start3A_61 = tpu.memref_slice %arg7[%dma_start3A_59, %dma_start3A_60] : memref<2x80xi32, #tpu.memory_space<vmem>> -> memref<1x80xi32, #tpu.memory_space<vmem>>
    %dma_start3A_62 = tpu.memref_squeeze %dma_start3A_61 : memref<1x80xi32, #tpu.memory_space<vmem>> -> memref<80xi32, #tpu.memory_space<vmem>>
    %dma_start3A_63 = arith.constant 0 : i32
    %dma_start3A_64 = arith.constant 0 : i32
    %dma_start3A_65 = tpu.memref_slice %arg3[%dma_start3A_63, %dma_start3A_64] : memref<10000x128xf32, #tpu.memory_space<hbm>> -> memref<10000x128xf32, #tpu.memory_space<hbm>>
    tpu.enqueue_indirect_dma source(%dma_start3A_65 : memref<10000x128xf32, #tpu.memory_space<hbm>>) target(%arg10 : memref<80x128xf32, #tpu.memory_space<vmem>>) offsets(%dma_start3A_62 : memref<80xi32, #tpu.memory_space<vmem>>) semaphore(%arg12 : memref<!tpu.dma_semaphore, #tpu.memory_space<semaphore_mem>>)
    %add3A_66 = arith.constant 125 : i32
    %add3A_67 = arith.addi %mul3A_2, %add3A_66 : i32
    %sub3A = arith.constant 1 : i32
    %sub3A_68 = arith.subi %add3A_67, %sub3A : i32
    %dma_start3A_69 = arith.constant 0 : i32
    %dma_start3A_70 = arith.constant 0 : i32
    %dma_start3A_71 = tpu.memref_slice %arg2[%sub3A_68, %dma_start3A_69, %dma_start3A_70] : memref<4000x2x80xi32, #tpu.memory_space<hbm>> -> memref<1x2x80xi32, #tpu.memory_space<hbm>>
    %dma_start3A_72 = tpu.memref_squeeze %dma_start3A_71 : memref<1x2x80xi32, #tpu.memory_space<hbm>> -> memref<2x80xi32, #tpu.memory_space<hbm>>
    %dma_start3A_73 = arith.constant 0 : i32
    %dma_start3A_74 = arith.constant 0 : i32
    %dma_start3A_75 = tpu.memref_slice %arg2[%sub3A_68, %dma_start3A_73, %dma_start3A_74] : memref<4000x2x80xi32, #tpu.memory_space<hbm>> -> memref<1x2x80xi32, #tpu.memory_space<hbm>>
    %dma_start3A_76 = tpu.memref_squeeze %dma_start3A_75 : memref<1x2x80xi32, #tpu.memory_space<hbm>> -> memref<2x80xi32, #tpu.memory_space<hbm>>
    tpu.enqueue_dma source(%dma_start3A_76 : memref<2x80xi32, #tpu.memory_space<hbm>>) target(%arg6 : memref<2x80xi32, #tpu.memory_space<vmem>>) target_semaphore(%arg14 : memref<!tpu.dma_semaphore, #tpu.memory_space<semaphore_mem>>)
    %dma_wait3A_77 = arith.constant 0 : i32
    %dma_wait3A_78 = arith.constant 0 : i32
    %dma_wait3A_79 = tpu.memref_slice %arg8[%dma_wait3A_77, %dma_wait3A_78] : memref<2x80xi32, #tpu.memory_space<vmem>> -> memref<1x80xi32, #tpu.memory_space<vmem>>
    %dma_wait3A_80 = tpu.memref_squeeze %dma_wait3A_79 : memref<1x80xi32, #tpu.memory_space<vmem>> -> memref<80xi32, #tpu.memory_space<vmem>>
    %dma_wait3A_81 = arith.constant 0 : i32
    %dma_wait3A_82 = arith.constant 0 : i32
    %dma_wait3A_83 = tpu.memref_slice %arg3[%dma_wait3A_81, %dma_wait3A_82] : memref<10000x128xf32, #tpu.memory_space<hbm>> -> memref<10000x128xf32, #tpu.memory_space<hbm>>
    tpu.wait_indirect_dma semaphore(%arg13 : memref<!tpu.dma_semaphore, #tpu.memory_space<semaphore_mem>>) src(%dma_wait3A_83 : memref<10000x128xf32, #tpu.memory_space<hbm>>) dst(%arg11 : memref<80x128xf32, #tpu.memory_space<vmem>>)
    %run_scoped3A_84 = arith.constant 1 : i32
    "tpu.region"() ({
      %run_scoped3A_147 = tpu.sem_alloc : memref<!tpu.dma_semaphore, #tpu.memory_space<semaphore_mem>>
      %dma_start3A_148 = arith.constant 0 : i32
      %dma_start3A_149 = tpu.memref_slice %arg8[%run_scoped3A_84, %dma_start3A_148] : memref<2x80xi32, #tpu.memory_space<vmem>> -> memref<1x80xi32, #tpu.memory_space<vmem>>
      %dma_start3A_150 = tpu.memref_squeeze %dma_start3A_149 : memref<1x80xi32, #tpu.memory_space<vmem>> -> memref<80xi32, #tpu.memory_space<vmem>>
      %dma_start3A_151 = arith.constant 0 : i32
      %dma_start3A_152 = arith.constant 0 : i32
      %dma_start3A_153 = tpu.memref_slice %arg18[%dma_start3A_151, %dma_start3A_152] : memref<10240x128xf32, #tpu.memory_space<vmem_shared>> -> memref<10240x128xf32, #tpu.memory_space<vmem_shared>>
      tpu.enqueue_indirect_dma source(%arg11 : memref<80x128xf32, #tpu.memory_space<vmem>>) target(%dma_start3A_153 : memref<10240x128xf32, #tpu.memory_space<vmem_shared>>) offsets(%dma_start3A_150 : memref<80xi32, #tpu.memory_space<vmem>>) semaphore(%run_scoped3A_147 : memref<!tpu.dma_semaphore, #tpu.memory_space<semaphore_mem>>) {add = true}
      %dma_wait3A_154 = arith.constant 0 : i32
      %dma_wait3A_155 = tpu.memref_slice %arg8[%run_scoped3A_84, %dma_wait3A_154] : memref<2x80xi32, #tpu.memory_space<vmem>> -> memref<1x80xi32, #tpu.memory_space<vmem>>
      %dma_wait3A_156 = tpu.memref_squeeze %dma_wait3A_155 : memref<1x80xi32, #tpu.memory_space<vmem>> -> memref<80xi32, #tpu.memory_space<vmem>>
      %dma_wait3A_157 = arith.constant 0 : i32
      %dma_wait3A_158 = arith.constant 0 : i32
      %dma_wait3A_159 = tpu.memref_slice %arg18[%dma_wait3A_157, %dma_wait3A_158] : memref<10240x128xf32, #tpu.memory_space<vmem_shared>> -> memref<10240x128xf32, #tpu.memory_space<vmem_shared>>
      tpu.wait_indirect_dma semaphore(%run_scoped3A_147 : memref<!tpu.dma_semaphore, #tpu.memory_space<semaphore_mem>>) src(%arg11 : memref<80x128xf32, #tpu.memory_space<vmem>>) dst(%dma_wait3A_159 : memref<10240x128xf32, #tpu.memory_space<vmem_shared>>)
      tpu.yield
    }) : () -> ()
    %dma_wait3A_85 = arith.constant 0 : i32
    %dma_wait3A_86 = arith.constant 0 : i32
    %dma_wait3A_87 = tpu.memref_slice %arg2[%mul3A_2, %dma_wait3A_85, %dma_wait3A_86] : memref<4000x2x80xi32, #tpu.memory_space<hbm>> -> memref<1x2x80xi32, #tpu.memory_space<hbm>>
    %dma_wait3A_88 = tpu.memref_squeeze %dma_wait3A_87 : memref<1x2x80xi32, #tpu.memory_space<hbm>> -> memref<2x80xi32, #tpu.memory_space<hbm>>
    %dma_wait3A_89 = arith.constant 0 : i32
    %dma_wait3A_90 = arith.constant 0 : i32
    %dma_wait3A_91 = tpu.memref_slice %arg2[%mul3A_2, %dma_wait3A_89, %dma_wait3A_90] : memref<4000x2x80xi32, #tpu.memory_space<hbm>> -> memref<1x2x80xi32, #tpu.memory_space<hbm>>
    %dma_wait3A_92 = tpu.memref_squeeze %dma_wait3A_91 : memref<1x2x80xi32, #tpu.memory_space<hbm>> -> memref<2x80xi32, #tpu.memory_space<hbm>>
    tpu.wait_dma2 semaphore(%arg17 : memref<!tpu.dma_semaphore, #tpu.memory_space<semaphore_mem>>) src(%dma_wait3A_92 : memref<2x80xi32, #tpu.memory_space<hbm>>) dst(%arg9 : memref<2x80xi32, #tpu.memory_space<vmem>>)
    %dma_start3A_93 = arith.constant 0 : i32
    %dma_start3A_94 = arith.constant 0 : i32
    %dma_start3A_95 = tpu.memref_slice %arg9[%dma_start3A_93, %dma_start3A_94] : memref<2x80xi32, #tpu.memory_space<vmem>> -> memref<1x80xi32, #tpu.memory_space<vmem>>
    %dma_start3A_96 = tpu.memref_squeeze %dma_start3A_95 : memref<1x80xi32, #tpu.memory_space<vmem>> -> memref<80xi32, #tpu.memory_space<vmem>>
    %dma_start3A_97 = arith.constant 0 : i32
    %dma_start3A_98 = arith.constant 0 : i32
    %dma_start3A_99 = tpu.memref_slice %arg3[%dma_start3A_97, %dma_start3A_98] : memref<10000x128xf32, #tpu.memory_space<hbm>> -> memref<10000x128xf32, #tpu.memory_space<hbm>>
    tpu.enqueue_indirect_dma source(%dma_start3A_99 : memref<10000x128xf32, #tpu.memory_space<hbm>>) target(%arg11 : memref<80x128xf32, #tpu.memory_space<vmem>>) offsets(%dma_start3A_96 : memref<80xi32, #tpu.memory_space<vmem>>) semaphore(%arg13 : memref<!tpu.dma_semaphore, #tpu.memory_space<semaphore_mem>>)
    %dma_wait3A_100 = arith.constant 0 : i32
    %dma_wait3A_101 = arith.constant 0 : i32
    %dma_wait3A_102 = tpu.memref_slice %arg7[%dma_wait3A_100, %dma_wait3A_101] : memref<2x80xi32, #tpu.memory_space<vmem>> -> memref<1x80xi32, #tpu.memory_space<vmem>>
    %dma_wait3A_103 = tpu.memref_squeeze %dma_wait3A_102 : memref<1x80xi32, #tpu.memory_space<vmem>> -> memref<80xi32, #tpu.memory_space<vmem>>
    %dma_wait3A_104 = arith.constant 0 : i32
    %dma_wait3A_105 = arith.constant 0 : i32
    %dma_wait3A_106 = tpu.memref_slice %arg3[%dma_wait3A_104, %dma_wait3A_105] : memref<10000x128xf32, #tpu.memory_space<hbm>> -> memref<10000x128xf32, #tpu.memory_space<hbm>>
    tpu.wait_indirect_dma semaphore(%arg12 : memref<!tpu.dma_semaphore, #tpu.memory_space<semaphore_mem>>) src(%dma_wait3A_106 : memref<10000x128xf32, #tpu.memory_space<hbm>>) dst(%arg10 : memref<80x128xf32, #tpu.memory_space<vmem>>)
    %run_scoped3A_107 = arith.constant 1 : i32
    "tpu.region"() ({
      %run_scoped3A_147 = tpu.sem_alloc : memref<!tpu.dma_semaphore, #tpu.memory_space<semaphore_mem>>
      %dma_start3A_148 = arith.constant 0 : i32
      %dma_start3A_149 = tpu.memref_slice %arg7[%run_scoped3A_107, %dma_start3A_148] : memref<2x80xi32, #tpu.memory_space<vmem>> -> memref<1x80xi32, #tpu.memory_space<vmem>>
      %dma_start3A_150 = tpu.memref_squeeze %dma_start3A_149 : memref<1x80xi32, #tpu.memory_space<vmem>> -> memref<80xi32, #tpu.memory_space<vmem>>
      %dma_start3A_151 = arith.constant 0 : i32
      %dma_start3A_152 = arith.constant 0 : i32
      %dma_start3A_153 = tpu.memref_slice %arg18[%dma_start3A_151, %dma_start3A_152] : memref<10240x128xf32, #tpu.memory_space<vmem_shared>> -> memref<10240x128xf32, #tpu.memory_space<vmem_shared>>
      tpu.enqueue_indirect_dma source(%arg10 : memref<80x128xf32, #tpu.memory_space<vmem>>) target(%dma_start3A_153 : memref<10240x128xf32, #tpu.memory_space<vmem_shared>>) offsets(%dma_start3A_150 : memref<80xi32, #tpu.memory_space<vmem>>) semaphore(%run_scoped3A_147 : memref<!tpu.dma_semaphore, #tpu.memory_space<semaphore_mem>>) {add = true}
      %dma_wait3A_154 = arith.constant 0 : i32
      %dma_wait3A_155 = tpu.memref_slice %arg7[%run_scoped3A_107, %dma_wait3A_154] : memref<2x80xi32, #tpu.memory_space<vmem>> -> memref<1x80xi32, #tpu.memory_space<vmem>>
      %dma_wait3A_156 = tpu.memref_squeeze %dma_wait3A_155 : memref<1x80xi32, #tpu.memory_space<vmem>> -> memref<80xi32, #tpu.memory_space<vmem>>
      %dma_wait3A_157 = arith.constant 0 : i32
      %dma_wait3A_158 = arith.constant 0 : i32
      %dma_wait3A_159 = tpu.memref_slice %arg18[%dma_wait3A_157, %dma_wait3A_158] : memref<10240x128xf32, #tpu.memory_space<vmem_shared>> -> memref<10240x128xf32, #tpu.memory_space<vmem_shared>>
      tpu.wait_indirect_dma semaphore(%run_scoped3A_147 : memref<!tpu.dma_semaphore, #tpu.memory_space<semaphore_mem>>) src(%arg10 : memref<80x128xf32, #tpu.memory_space<vmem>>) dst(%dma_wait3A_159 : memref<10240x128xf32, #tpu.memory_space<vmem_shared>>)
      tpu.yield
    }) : () -> ()
    %dma_wait3A_108 = arith.constant 0 : i32
    %dma_wait3A_109 = arith.constant 0 : i32
    %dma_wait3A_110 = tpu.memref_slice %arg2[%mul3A_2, %dma_wait3A_108, %dma_wait3A_109] : memref<4000x2x80xi32, #tpu.memory_space<hbm>> -> memref<1x2x80xi32, #tpu.memory_space<hbm>>
    %dma_wait3A_111 = tpu.memref_squeeze %dma_wait3A_110 : memref<1x2x80xi32, #tpu.memory_space<hbm>> -> memref<2x80xi32, #tpu.memory_space<hbm>>
    %dma_wait3A_112 = arith.constant 0 : i32
    %dma_wait3A_113 = arith.constant 0 : i32
    %dma_wait3A_114 = tpu.memref_slice %arg2[%mul3A_2, %dma_wait3A_112, %dma_wait3A_113] : memref<4000x2x80xi32, #tpu.memory_space<hbm>> -> memref<1x2x80xi32, #tpu.memory_space<hbm>>
    %dma_wait3A_115 = tpu.memref_squeeze %dma_wait3A_114 : memref<1x2x80xi32, #tpu.memory_space<hbm>> -> memref<2x80xi32, #tpu.memory_space<hbm>>
    tpu.wait_dma2 semaphore(%arg14 : memref<!tpu.dma_semaphore, #tpu.memory_space<semaphore_mem>>) src(%dma_wait3A_115 : memref<2x80xi32, #tpu.memory_space<hbm>>) dst(%arg6 : memref<2x80xi32, #tpu.memory_space<vmem>>)
    %dma_start3A_116 = arith.constant 0 : i32
    %dma_start3A_117 = arith.constant 0 : i32
    %dma_start3A_118 = tpu.memref_slice %arg6[%dma_start3A_116, %dma_start3A_117] : memref<2x80xi32, #tpu.memory_space<vmem>> -> memref<1x80xi32, #tpu.memory_space<vmem>>
    %dma_start3A_119 = tpu.memref_squeeze %dma_start3A_118 : memref<1x80xi32, #tpu.memory_space<vmem>> -> memref<80xi32, #tpu.memory_space<vmem>>
    %dma_start3A_120 = arith.constant 0 : i32
    %dma_start3A_121 = arith.constant 0 : i32
    %dma_start3A_122 = tpu.memref_slice %arg3[%dma_start3A_120, %dma_start3A_121] : memref<10000x128xf32, #tpu.memory_space<hbm>> -> memref<10000x128xf32, #tpu.memory_space<hbm>>
    tpu.enqueue_indirect_dma source(%dma_start3A_122 : memref<10000x128xf32, #tpu.memory_space<hbm>>) target(%arg10 : memref<80x128xf32, #tpu.memory_space<vmem>>) offsets(%dma_start3A_119 : memref<80xi32, #tpu.memory_space<vmem>>) semaphore(%arg12 : memref<!tpu.dma_semaphore, #tpu.memory_space<semaphore_mem>>)
    %dma_wait3A_123 = arith.constant 0 : i32
    %dma_wait3A_124 = arith.constant 0 : i32
    %dma_wait3A_125 = tpu.memref_slice %arg9[%dma_wait3A_123, %dma_wait3A_124] : memref<2x80xi32, #tpu.memory_space<vmem>> -> memref<1x80xi32, #tpu.memory_space<vmem>>
    %dma_wait3A_126 = tpu.memref_squeeze %dma_wait3A_125 : memref<1x80xi32, #tpu.memory_space<vmem>> -> memref<80xi32, #tpu.memory_space<vmem>>
    %dma_wait3A_127 = arith.constant 0 : i32
    %dma_wait3A_128 = arith.constant 0 : i32
    %dma_wait3A_129 = tpu.memref_slice %arg3[%dma_wait3A_127, %dma_wait3A_128] : memref<10000x128xf32, #tpu.memory_space<hbm>> -> memref<10000x128xf32, #tpu.memory_space<hbm>>
    tpu.wait_indirect_dma semaphore(%arg13 : memref<!tpu.dma_semaphore, #tpu.memory_space<semaphore_mem>>) src(%dma_wait3A_129 : memref<10000x128xf32, #tpu.memory_space<hbm>>) dst(%arg11 : memref<80x128xf32, #tpu.memory_space<vmem>>)
    %run_scoped3A_130 = arith.constant 1 : i32
    "tpu.region"() ({
      %run_scoped3A_147 = tpu.sem_alloc : memref<!tpu.dma_semaphore, #tpu.memory_space<semaphore_mem>>
      %dma_start3A_148 = arith.constant 0 : i32
      %dma_start3A_149 = tpu.memref_slice %arg9[%run_scoped3A_130, %dma_start3A_148] : memref<2x80xi32, #tpu.memory_space<vmem>> -> memref<1x80xi32, #tpu.memory_space<vmem>>
      %dma_start3A_150 = tpu.memref_squeeze %dma_start3A_149 : memref<1x80xi32, #tpu.memory_space<vmem>> -> memref<80xi32, #tpu.memory_space<vmem>>
      %dma_start3A_151 = arith.constant 0 : i32
      %dma_start3A_152 = arith.constant 0 : i32
      %dma_start3A_153 = tpu.memref_slice %arg18[%dma_start3A_151, %dma_start3A_152] : memref<10240x128xf32, #tpu.memory_space<vmem_shared>> -> memref<10240x128xf32, #tpu.memory_space<vmem_shared>>
      tpu.enqueue_indirect_dma source(%arg11 : memref<80x128xf32, #tpu.memory_space<vmem>>) target(%dma_start3A_153 : memref<10240x128xf32, #tpu.memory_space<vmem_shared>>) offsets(%dma_start3A_150 : memref<80xi32, #tpu.memory_space<vmem>>) semaphore(%run_scoped3A_147 : memref<!tpu.dma_semaphore, #tpu.memory_space<semaphore_mem>>) {add = true}
      %dma_wait3A_154 = arith.constant 0 : i32
      %dma_wait3A_155 = tpu.memref_slice %arg9[%run_scoped3A_130, %dma_wait3A_154] : memref<2x80xi32, #tpu.memory_space<vmem>> -> memref<1x80xi32, #tpu.memory_space<vmem>>
      %dma_wait3A_156 = tpu.memref_squeeze %dma_wait3A_155 : memref<1x80xi32, #tpu.memory_space<vmem>> -> memref<80xi32, #tpu.memory_space<vmem>>
      %dma_wait3A_157 = arith.constant 0 : i32
      %dma_wait3A_158 = arith.constant 0 : i32
      %dma_wait3A_159 = tpu.memref_slice %arg18[%dma_wait3A_157, %dma_wait3A_158] : memref<10240x128xf32, #tpu.memory_space<vmem_shared>> -> memref<10240x128xf32, #tpu.memory_space<vmem_shared>>
      tpu.wait_indirect_dma semaphore(%run_scoped3A_147 : memref<!tpu.dma_semaphore, #tpu.memory_space<semaphore_mem>>) src(%arg11 : memref<80x128xf32, #tpu.memory_space<vmem>>) dst(%dma_wait3A_159 : memref<10240x128xf32, #tpu.memory_space<vmem_shared>>)
      tpu.yield
    }) : () -> ()
    %dma_wait3A_131 = arith.constant 0 : i32
    %dma_wait3A_132 = arith.constant 0 : i32
    %dma_wait3A_133 = tpu.memref_slice %arg6[%dma_wait3A_131, %dma_wait3A_132] : memref<2x80xi32, #tpu.memory_space<vmem>> -> memref<1x80xi32, #tpu.memory_space<vmem>>
    %dma_wait3A_134 = tpu.memref_squeeze %dma_wait3A_133 : memref<1x80xi32, #tpu.memory_space<vmem>> -> memref<80xi32, #tpu.memory_space<vmem>>
    %dma_wait3A_135 = arith.constant 0 : i32
    %dma_wait3A_136 = arith.constant 0 : i32
    %dma_wait3A_137 = tpu.memref_slice %arg3[%dma_wait3A_135, %dma_wait3A_136] : memref<10000x128xf32, #tpu.memory_space<hbm>> -> memref<10000x128xf32, #tpu.memory_space<hbm>>
    tpu.wait_indirect_dma semaphore(%arg12 : memref<!tpu.dma_semaphore, #tpu.memory_space<semaphore_mem>>) src(%dma_wait3A_137 : memref<10000x128xf32, #tpu.memory_space<hbm>>) dst(%arg10 : memref<80x128xf32, #tpu.memory_space<vmem>>)
    %run_scoped3A_138 = arith.constant 1 : i32
    "tpu.region"() ({
      %run_scoped3A_147 = tpu.sem_alloc : memref<!tpu.dma_semaphore, #tpu.memory_space<semaphore_mem>>
      %dma_start3A_148 = arith.constant 0 : i32
      %dma_start3A_149 = tpu.memref_slice %arg6[%run_scoped3A_138, %dma_start3A_148] : memref<2x80xi32, #tpu.memory_space<vmem>> -> memref<1x80xi32, #tpu.memory_space<vmem>>
      %dma_start3A_150 = tpu.memref_squeeze %dma_start3A_149 : memref<1x80xi32, #tpu.memory_space<vmem>> -> memref<80xi32, #tpu.memory_space<vmem>>
      %dma_start3A_151 = arith.constant 0 : i32
      %dma_start3A_152 = arith.constant 0 : i32
      %dma_start3A_153 = tpu.memref_slice %arg18[%dma_start3A_151, %dma_start3A_152] : memref<10240x128xf32, #tpu.memory_space<vmem_shared>> -> memref<10240x128xf32, #tpu.memory_space<vmem_shared>>
      tpu.enqueue_indirect_dma source(%arg10 : memref<80x128xf32, #tpu.memory_space<vmem>>) target(%dma_start3A_153 : memref<10240x128xf32, #tpu.memory_space<vmem_shared>>) offsets(%dma_start3A_150 : memref<80xi32, #tpu.memory_space<vmem>>) semaphore(%run_scoped3A_147 : memref<!tpu.dma_semaphore, #tpu.memory_space<semaphore_mem>>) {add = true}
      %dma_wait3A_154 = arith.constant 0 : i32
      %dma_wait3A_155 = tpu.memref_slice %arg6[%run_scoped3A_138, %dma_wait3A_154] : memref<2x80xi32, #tpu.memory_space<vmem>> -> memref<1x80xi32, #tpu.memory_space<vmem>>
      %dma_wait3A_156 = tpu.memref_squeeze %dma_wait3A_155 : memref<1x80xi32, #tpu.memory_space<vmem>> -> memref<80xi32, #tpu.memory_space<vmem>>
      %dma_wait3A_157 = arith.constant 0 : i32
      %dma_wait3A_158 = arith.constant 0 : i32
      %dma_wait3A_159 = tpu.memref_slice %arg18[%dma_wait3A_157, %dma_wait3A_158] : memref<10240x128xf32, #tpu.memory_space<vmem_shared>> -> memref<10240x128xf32, #tpu.memory_space<vmem_shared>>
      tpu.wait_indirect_dma semaphore(%run_scoped3A_147 : memref<!tpu.dma_semaphore, #tpu.memory_space<semaphore_mem>>) src(%arg10 : memref<80x128xf32, #tpu.memory_space<vmem>>) dst(%dma_wait3A_159 : memref<10240x128xf32, #tpu.memory_space<vmem_shared>>)
      tpu.yield
    }) : () -> ()
    %barrier3A_139 = arith.constant 0 : index
    tpu.barrier barrier_id(%barrier3A_139)
    %mul3A_140 = arith.constant 640 : i32
    %mul3A_141 = arith.muli %arg1, %mul3A_140 : i32
    %mul3A_142 = arith.constant 10240 : i32
    %mul3A_143 = arith.muli %arg0, %mul3A_142 : i32
    %mul3A_144 = arith.constant 640 : i32
    %mul3A_145 = arith.muli %arg1, %mul3A_144 : i32
    %add3A_146 = arith.addi %mul3A_143, %mul3A_145 : i32
    "tpu.region"() ({
      %run_scoped3A_147 = tpu.sem_alloc : memref<!tpu.dma_semaphore, #tpu.memory_space<semaphore_mem>>
      %dma_start3A_148 = arith.constant 0 : i32
      %dma_start3A_149 = tpu.memref_slice %arg5[%add3A_146, %dma_start3A_148] : memref<20480x128xf32, #tpu.memory_space<hbm>> -> memref<640x128xf32, #tpu.memory_space<hbm>>
      %dma_start3A_150 = arith.constant 0 : i32
      %dma_start3A_151 = tpu.memref_slice %arg18[%mul3A_141, %dma_start3A_150] : memref<10240x128xf32, #tpu.memory_space<vmem_shared>> -> memref<640x128xf32, #tpu.memory_space<vmem_shared>>
      tpu.enqueue_dma source(%dma_start3A_151 : memref<640x128xf32, #tpu.memory_space<vmem_shared>>) target(%dma_start3A_149 : memref<640x128xf32, #tpu.memory_space<hbm>>) target_semaphore(%run_scoped3A_147 : memref<!tpu.dma_semaphore, #tpu.memory_space<semaphore_mem>>)
      %dma_wait3A_152 = arith.constant 0 : i32
      %dma_wait3A_153 = tpu.memref_slice %arg5[%add3A_146, %dma_wait3A_152] : memref<20480x128xf32, #tpu.memory_space<hbm>> -> memref<640x128xf32, #tpu.memory_space<hbm>>
      %dma_wait3A_154 = arith.constant 0 : i32
      %dma_wait3A_155 = tpu.memref_slice %arg18[%mul3A_141, %dma_wait3A_154] : memref<10240x128xf32, #tpu.memory_space<vmem_shared>> -> memref<640x128xf32, #tpu.memory_space<vmem_shared>>
      tpu.wait_dma2 semaphore(%run_scoped3A_147 : memref<!tpu.dma_semaphore, #tpu.memory_space<semaphore_mem>>) src(%dma_wait3A_155 : memref<640x128xf32, #tpu.memory_space<vmem_shared>>) dst(%dma_wait3A_153 : memref<640x128xf32, #tpu.memory_space<hbm>>)
      tpu.yield
    }) : () -> ()
    return
  }
}

#map = affine_map<(d0, d1) -> (0, 0, 0)>
#map1 = affine_map<(d0, d1) -> (0, 0)>
module attributes {stable_mosaic.version = 14 : i64} {
  func.func @_edge_body(%arg0: i32, %arg1: i32, %arg2: memref<4000x2x80xi32, #tpu.memory_space<hbm>>, %arg3: memref<10000x128xf32, #tpu.memory_space<hbm>>, %arg4: memref<640x128xf32, #tpu.memory_space<hbm>>, %arg5: memref<20480x128xf32, #tpu.memory_space<hbm>>, %arg6: memref<2x80xi32, #tpu.memory_space<vmem>>, %arg7: memref<2x80xi32, #tpu.memory_space<vmem>>, %arg8: memref<2x80xi32, #tpu.memory_space<vmem>>, %arg9: memref<2x80xi32, #tpu.memory_space<vmem>>, %arg10: memref<80x128xf32, #tpu.memory_space<vmem>>, %arg11: memref<80x128xf32, #tpu.memory_space<vmem>>, %arg12: memref<!tpu.dma_semaphore, #tpu.memory_space<semaphore_mem>>, %arg13: memref<!tpu.dma_semaphore, #tpu.memory_space<semaphore_mem>>, %arg14: memref<!tpu.dma_semaphore, #tpu.memory_space<semaphore_mem>>, %arg15: memref<!tpu.dma_semaphore, #tpu.memory_space<semaphore_mem>>, %arg16: memref<!tpu.dma_semaphore, #tpu.memory_space<semaphore_mem>>, %arg17: memref<!tpu.dma_semaphore, #tpu.memory_space<semaphore_mem>>, %arg18: memref<10240x128xf32, #tpu.memory_space<vmem_shared>>) attributes {dimension_semantics = [#tpu.dimension_semantics<core_parallel>, #tpu.dimension_semantics<subcore_parallel>], iteration_bounds = array<i64: 2, 16>, scalar_prefetch = 0 : i64, scratch_operands = 13 : i64, tpu.core_type = #tpu.core_type<sc_vector_subcore>, window_params = [{transform_indices = #map}, {transform_indices = #map1}, {transform_indices = #map1}, {transform_indices = #map1}]} {
    %mul3A = arith.constant 16 : i32
    %mul3A_0 = arith.muli %arg0, %mul3A : i32
    %add3A = arith.addi %mul3A_0, %arg1 : i32
    %mul3A_1 = arith.constant 125 : i32
    %mul3A_2 = arith.muli %add3A, %mul3A_1 : i32
    %mul3A_3 = arith.constant 640 : i32
    %mul3A_4 = arith.muli %arg1, %mul3A_3 : i32
    "tpu.region"() ({
      %run_scoped3A_147 = tpu.sem_alloc : memref<!tpu.dma_semaphore, #tpu.memory_space<semaphore_mem>>
      %dma_start3A_148 = arith.constant 0 : i32
      %dma_start3A_149 = tpu.memref_slice %arg18[%mul3A_4, %dma_start3A_148] : memref<10240x128xf32, #tpu.memory_space<vmem_shared>> -> memref<640x128xf32, #tpu.memory_space<vmem_shared>>
      tpu.enqueue_dma source(%arg4 : memref<640x128xf32, #tpu.memory_space<hbm>>) target(%dma_start3A_149 : memref<640x128xf32, #tpu.memory_space<vmem_shared>>) target_semaphore(%run_scoped3A_147 : memref<!tpu.dma_semaphore, #tpu.memory_space<semaphore_mem>>)
      %dma_wait3A_150 = arith.constant 0 : i32
      %dma_wait3A_151 = tpu.memref_slice %arg18[%mul3A_4, %dma_wait3A_150] : memref<10240x128xf32, #tpu.memory_space<vmem_shared>> -> memref<640x128xf32, #tpu.memory_space<vmem_shared>>
      tpu.wait_dma2 semaphore(%run_scoped3A_147 : memref<!tpu.dma_semaphore, #tpu.memory_space<semaphore_mem>>) src(%arg4 : memref<640x128xf32, #tpu.memory_space<hbm>>) dst(%dma_wait3A_151 : memref<640x128xf32, #tpu.memory_space<vmem_shared>>)
      tpu.yield
    }) : () -> ()
    %barrier3A = arith.constant 0 : index
    tpu.barrier barrier_id(%barrier3A)
    "tpu.region"() ({
      %run_scoped3A_147 = tpu.sem_alloc : memref<!tpu.dma_semaphore, #tpu.memory_space<semaphore_mem>>
      %dma_start3A_148 = arith.constant 0 : i32
      %dma_start3A_149 = arith.constant 0 : i32
      %dma_start3A_150 = tpu.memref_slice %arg2[%mul3A_2, %dma_start3A_148, %dma_start3A_149] : memref<4000x2x80xi32, #tpu.memory_space<hbm>> -> memref<1x2x80xi32, #tpu.memory_space<hbm>>
      %dma_start3A_151 = tpu.memref_squeeze %dma_start3A_150 : memref<1x2x80xi32, #tpu.memory_space<hbm>> -> memref<2x80xi32, #tpu.memory_space<hbm>>
      %dma_start3A_152 = arith.constant 0 : i32
      %dma_start3A_153 = arith.constant 0 : i32
      %dma_start3A_154 = tpu.memref_slice %arg2[%mul3A_2, %dma_start3A_152, %dma_start3A_153] : memref<4000x2x80xi32, #tpu.memory_space<hbm>> -> memref<1x2x80xi32, #tpu.memory_space<hbm>>
      %dma_start3A_155 = tpu.memref_squeeze %dma_start3A_154 : memref<1x2x80xi32, #tpu.memory_space<hbm>> -> memref<2x80xi32, #tpu.memory_space<hbm>>
      tpu.enqueue_dma source(%dma_start3A_155 : memref<2x80xi32, #tpu.memory_space<hbm>>) target(%arg6 : memref<2x80xi32, #tpu.memory_space<vmem>>) target_semaphore(%run_scoped3A_147 : memref<!tpu.dma_semaphore, #tpu.memory_space<semaphore_mem>>)
      %dma_wait3A_156 = arith.constant 0 : i32
      %dma_wait3A_157 = arith.constant 0 : i32
      %dma_wait3A_158 = tpu.memref_slice %arg2[%mul3A_2, %dma_wait3A_156, %dma_wait3A_157] : memref<4000x2x80xi32, #tpu.memory_space<hbm>> -> memref<1x2x80xi32, #tpu.memory_space<hbm>>
      %dma_wait3A_159 = tpu.memref_squeeze %dma_wait3A_158 : memref<1x2x80xi32, #tpu.memory_space<hbm>> -> memref<2x80xi32, #tpu.memory_space<hbm>>
      %dma_wait3A_160 = arith.constant 0 : i32
      %dma_wait3A_161 = arith.constant 0 : i32
      %dma_wait3A_162 = tpu.memref_slice %arg2[%mul3A_2, %dma_wait3A_160, %dma_wait3A_161] : memref<4000x2x80xi32, #tpu.memory_space<hbm>> -> memref<1x2x80xi32, #tpu.memory_space<hbm>>
      %dma_wait3A_163 = tpu.memref_squeeze %dma_wait3A_162 : memref<1x2x80xi32, #tpu.memory_space<hbm>> -> memref<2x80xi32, #tpu.memory_space<hbm>>
      tpu.wait_dma2 semaphore(%run_scoped3A_147 : memref<!tpu.dma_semaphore, #tpu.memory_space<semaphore_mem>>) src(%dma_wait3A_163 : memref<2x80xi32, #tpu.memory_space<hbm>>) dst(%arg6 : memref<2x80xi32, #tpu.memory_space<vmem>>)
      tpu.yield
    }) : () -> ()
    %add3A_5 = arith.constant 1 : i32
    %add3A_6 = arith.addi %mul3A_2, %add3A_5 : i32
    "tpu.region"() ({
      %run_scoped3A_147 = tpu.sem_alloc : memref<!tpu.dma_semaphore, #tpu.memory_space<semaphore_mem>>
      %dma_start3A_148 = arith.constant 0 : i32
      %dma_start3A_149 = arith.constant 0 : i32
      %dma_start3A_150 = tpu.memref_slice %arg2[%add3A_6, %dma_start3A_148, %dma_start3A_149] : memref<4000x2x80xi32, #tpu.memory_space<hbm>> -> memref<1x2x80xi32, #tpu.memory_space<hbm>>
      %dma_start3A_151 = tpu.memref_squeeze %dma_start3A_150 : memref<1x2x80xi32, #tpu.memory_space<hbm>> -> memref<2x80xi32, #tpu.memory_space<hbm>>
      %dma_start3A_152 = arith.constant 0 : i32
      %dma_start3A_153 = arith.constant 0 : i32
      %dma_start3A_154 = tpu.memref_slice %arg2[%add3A_6, %dma_start3A_152, %dma_start3A_153] : memref<4000x2x80xi32, #tpu.memory_space<hbm>> -> memref<1x2x80xi32, #tpu.memory_space<hbm>>
      %dma_start3A_155 = tpu.memref_squeeze %dma_start3A_154 : memref<1x2x80xi32, #tpu.memory_space<hbm>> -> memref<2x80xi32, #tpu.memory_space<hbm>>
      tpu.enqueue_dma source(%dma_start3A_155 : memref<2x80xi32, #tpu.memory_space<hbm>>) target(%arg8 : memref<2x80xi32, #tpu.memory_space<vmem>>) target_semaphore(%run_scoped3A_147 : memref<!tpu.dma_semaphore, #tpu.memory_space<semaphore_mem>>)
      %dma_wait3A_156 = arith.constant 0 : i32
      %dma_wait3A_157 = arith.constant 0 : i32
      %dma_wait3A_158 = tpu.memref_slice %arg2[%add3A_6, %dma_wait3A_156, %dma_wait3A_157] : memref<4000x2x80xi32, #tpu.memory_space<hbm>> -> memref<1x2x80xi32, #tpu.memory_space<hbm>>
      %dma_wait3A_159 = tpu.memref_squeeze %dma_wait3A_158 : memref<1x2x80xi32, #tpu.memory_space<hbm>> -> memref<2x80xi32, #tpu.memory_space<hbm>>
      %dma_wait3A_160 = arith.constant 0 : i32
      %dma_wait3A_161 = arith.constant 0 : i32
      %dma_wait3A_162 = tpu.memref_slice %arg2[%add3A_6, %dma_wait3A_160, %dma_wait3A_161] : memref<4000x2x80xi32, #tpu.memory_space<hbm>> -> memref<1x2x80xi32, #tpu.memory_space<hbm>>
      %dma_wait3A_163 = tpu.memref_squeeze %dma_wait3A_162 : memref<1x2x80xi32, #tpu.memory_space<hbm>> -> memref<2x80xi32, #tpu.memory_space<hbm>>
      tpu.wait_dma2 semaphore(%run_scoped3A_147 : memref<!tpu.dma_semaphore, #tpu.memory_space<semaphore_mem>>) src(%dma_wait3A_163 : memref<2x80xi32, #tpu.memory_space<hbm>>) dst(%arg8 : memref<2x80xi32, #tpu.memory_space<vmem>>)
      tpu.yield
    }) : () -> ()
    %add3A_7 = arith.constant 2 : i32
    %add3A_8 = arith.addi %mul3A_2, %add3A_7 : i32
    %dma_start3A = arith.constant 0 : i32
    %dma_start3A_9 = arith.constant 0 : i32
    %dma_start3A_10 = tpu.memref_slice %arg2[%add3A_8, %dma_start3A, %dma_start3A_9] : memref<4000x2x80xi32, #tpu.memory_space<hbm>> -> memref<1x2x80xi32, #tpu.memory_space<hbm>>
    %dma_start3A_11 = tpu.memref_squeeze %dma_start3A_10 : memref<1x2x80xi32, #tpu.memory_space<hbm>> -> memref<2x80xi32, #tpu.memory_space<hbm>>
    %dma_start3A_12 = arith.constant 0 : i32
    %dma_start3A_13 = arith.constant 0 : i32
    %dma_start3A_14 = tpu.memref_slice %arg2[%add3A_8, %dma_start3A_12, %dma_start3A_13] : memref<4000x2x80xi32, #tpu.memory_space<hbm>> -> memref<1x2x80xi32, #tpu.memory_space<hbm>>
    %dma_start3A_15 = tpu.memref_squeeze %dma_start3A_14 : memref<1x2x80xi32, #tpu.memory_space<hbm>> -> memref<2x80xi32, #tpu.memory_space<hbm>>
    tpu.enqueue_dma source(%dma_start3A_15 : memref<2x80xi32, #tpu.memory_space<hbm>>) target(%arg7 : memref<2x80xi32, #tpu.memory_space<vmem>>) target_semaphore(%arg15 : memref<!tpu.dma_semaphore, #tpu.memory_space<semaphore_mem>>)
    %add3A_16 = arith.constant 3 : i32
    %add3A_17 = arith.addi %mul3A_2, %add3A_16 : i32
    %dma_start3A_18 = arith.constant 0 : i32
    %dma_start3A_19 = arith.constant 0 : i32
    %dma_start3A_20 = tpu.memref_slice %arg2[%add3A_17, %dma_start3A_18, %dma_start3A_19] : memref<4000x2x80xi32, #tpu.memory_space<hbm>> -> memref<1x2x80xi32, #tpu.memory_space<hbm>>
    %dma_start3A_21 = tpu.memref_squeeze %dma_start3A_20 : memref<1x2x80xi32, #tpu.memory_space<hbm>> -> memref<2x80xi32, #tpu.memory_space<hbm>>
    %dma_start3A_22 = arith.constant 0 : i32
    %dma_start3A_23 = arith.constant 0 : i32
    %dma_start3A_24 = tpu.memref_slice %arg2[%add3A_17, %dma_start3A_22, %dma_start3A_23] : memref<4000x2x80xi32, #tpu.memory_space<hbm>> -> memref<1x2x80xi32, #tpu.memory_space<hbm>>
    %dma_start3A_25 = tpu.memref_squeeze %dma_start3A_24 : memref<1x2x80xi32, #tpu.memory_space<hbm>> -> memref<2x80xi32, #tpu.memory_space<hbm>>
    tpu.enqueue_dma source(%dma_start3A_25 : memref<2x80xi32, #tpu.memory_space<hbm>>) target(%arg9 : memref<2x80xi32, #tpu.memory_space<vmem>>) target_semaphore(%arg17 : memref<!tpu.dma_semaphore, #tpu.memory_space<semaphore_mem>>)
    %dma_start3A_26 = arith.constant 0 : i32
    %dma_start3A_27 = arith.constant 0 : i32
    %dma_start3A_28 = tpu.memref_slice %arg6[%dma_start3A_26, %dma_start3A_27] : memref<2x80xi32, #tpu.memory_space<vmem>> -> memref<1x80xi32, #tpu.memory_space<vmem>>
    %dma_start3A_29 = tpu.memref_squeeze %dma_start3A_28 : memref<1x80xi32, #tpu.memory_space<vmem>> -> memref<80xi32, #tpu.memory_space<vmem>>
    %dma_start3A_30 = arith.constant 0 : i32
    %dma_start3A_31 = arith.constant 0 : i32
    %dma_start3A_32 = tpu.memref_slice %arg3[%dma_start3A_30, %dma_start3A_31] : memref<10000x128xf32, #tpu.memory_space<hbm>> -> memref<10000x128xf32, #tpu.memory_space<hbm>>
    tpu.enqueue_indirect_dma source(%dma_start3A_32 : memref<10000x128xf32, #tpu.memory_space<hbm>>) target(%arg10 : memref<80x128xf32, #tpu.memory_space<vmem>>) offsets(%dma_start3A_29 : memref<80xi32, #tpu.memory_space<vmem>>) semaphore(%arg12 : memref<!tpu.dma_semaphore, #tpu.memory_space<semaphore_mem>>)
    %dma_start3A_33 = arith.constant 0 : i32
    %dma_start3A_34 = arith.constant 0 : i32
    %dma_start3A_35 = tpu.memref_slice %arg8[%dma_start3A_33, %dma_start3A_34] : memref<2x80xi32, #tpu.memory_space<vmem>> -> memref<1x80xi32, #tpu.memory_space<vmem>>
    %dma_start3A_36 = tpu.memref_squeeze %dma_start3A_35 : memref<1x80xi32, #tpu.memory_space<vmem>> -> memref<80xi32, #tpu.memory_space<vmem>>
    %dma_start3A_37 = arith.constant 0 : i32
    %dma_start3A_38 = arith.constant 0 : i32
    %dma_start3A_39 = tpu.memref_slice %arg3[%dma_start3A_37, %dma_start3A_38] : memref<10000x128xf32, #tpu.memory_space<hbm>> -> memref<10000x128xf32, #tpu.memory_space<hbm>>
    tpu.enqueue_indirect_dma source(%dma_start3A_39 : memref<10000x128xf32, #tpu.memory_space<hbm>>) target(%arg11 : memref<80x128xf32, #tpu.memory_space<vmem>>) offsets(%dma_start3A_36 : memref<80xi32, #tpu.memory_space<vmem>>) semaphore(%arg13 : memref<!tpu.dma_semaphore, #tpu.memory_space<semaphore_mem>>)
    %scan3A = arith.constant 0 : i32
    %scan3A_40 = arith.constant 0 : i32
    %scan3A_41 = arith.constant 30 : i32
    %scan3A_42 = arith.addi %scan3A_40, %scan3A_41 : i32
    %scan3A_43 = arith.constant 1 : i32
    scf.for %scan3A_147 = %scan3A_40 to %scan3A_42 step %scan3A_43  : i32 {
      %mul3A_148 = arith.constant 4 : i32
      %mul3A_149 = arith.muli %scan3A_147, %mul3A_148 : i32
      %add3A_150 = arith.constant 0 : i32
      %add3A_151 = arith.addi %mul3A_149, %add3A_150 : i32
      %dma_wait3A_152 = arith.constant 0 : i32
      %dma_wait3A_153 = arith.constant 0 : i32
      %dma_wait3A_154 = tpu.memref_slice %arg6[%dma_wait3A_152, %dma_wait3A_153] : memref<2x80xi32, #tpu.memory_space<vmem>> -> memref<1x80xi32, #tpu.memory_space<vmem>>
      %dma_wait3A_155 = tpu.memref_squeeze %dma_wait3A_154 : memref<1x80xi32, #tpu.memory_space<vmem>> -> memref<80xi32, #tpu.memory_space<vmem>>
      %dma_wait3A_156 = arith.constant 0 : i32
      %dma_wait3A_157 = arith.constant 0 : i32
      %dma_wait3A_158 = tpu.memref_slice %arg3[%dma_wait3A_156, %dma_wait3A_157] : memref<10000x128xf32, #tpu.memory_space<hbm>> -> memref<10000x128xf32, #tpu.memory_space<hbm>>
      tpu.wait_indirect_dma semaphore(%arg12 : memref<!tpu.dma_semaphore, #tpu.memory_space<semaphore_mem>>) src(%dma_wait3A_158 : memref<10000x128xf32, #tpu.memory_space<hbm>>) dst(%arg10 : memref<80x128xf32, #tpu.memory_space<vmem>>)
      %run_scoped3A_159 = arith.constant 1 : i32
      "tpu.region"() ({
        %run_scoped3A_300 = tpu.sem_alloc : memref<!tpu.dma_semaphore, #tpu.memory_space<semaphore_mem>>
        %dma_start3A_301 = arith.constant 0 : i32
        %dma_start3A_302 = tpu.memref_slice %arg6[%run_scoped3A_159, %dma_start3A_301] : memref<2x80xi32, #tpu.memory_space<vmem>> -> memref<1x80xi32, #tpu.memory_space<vmem>>
        %dma_start3A_303 = tpu.memref_squeeze %dma_start3A_302 : memref<1x80xi32, #tpu.memory_space<vmem>> -> memref<80xi32, #tpu.memory_space<vmem>>
        %dma_start3A_304 = arith.constant 0 : i32
        %dma_start3A_305 = arith.constant 0 : i32
        %dma_start3A_306 = tpu.memref_slice %arg18[%dma_start3A_304, %dma_start3A_305] : memref<10240x128xf32, #tpu.memory_space<vmem_shared>> -> memref<10240x128xf32, #tpu.memory_space<vmem_shared>>
        tpu.enqueue_indirect_dma source(%arg10 : memref<80x128xf32, #tpu.memory_space<vmem>>) target(%dma_start3A_306 : memref<10240x128xf32, #tpu.memory_space<vmem_shared>>) offsets(%dma_start3A_303 : memref<80xi32, #tpu.memory_space<vmem>>) semaphore(%run_scoped3A_300 : memref<!tpu.dma_semaphore, #tpu.memory_space<semaphore_mem>>) {add = true}
        %dma_wait3A_307 = arith.constant 0 : i32
        %dma_wait3A_308 = tpu.memref_slice %arg6[%run_scoped3A_159, %dma_wait3A_307] : memref<2x80xi32, #tpu.memory_space<vmem>> -> memref<1x80xi32, #tpu.memory_space<vmem>>
        %dma_wait3A_309 = tpu.memref_squeeze %dma_wait3A_308 : memref<1x80xi32, #tpu.memory_space<vmem>> -> memref<80xi32, #tpu.memory_space<vmem>>
        %dma_wait3A_310 = arith.constant 0 : i32
        %dma_wait3A_311 = arith.constant 0 : i32
        %dma_wait3A_312 = tpu.memref_slice %arg18[%dma_wait3A_310, %dma_wait3A_311] : memref<10240x128xf32, #tpu.memory_space<vmem_shared>> -> memref<10240x128xf32, #tpu.memory_space<vmem_shared>>
        tpu.wait_indirect_dma semaphore(%run_scoped3A_300 : memref<!tpu.dma_semaphore, #tpu.memory_space<semaphore_mem>>) src(%arg10 : memref<80x128xf32, #tpu.memory_space<vmem>>) dst(%dma_wait3A_312 : memref<10240x128xf32, #tpu.memory_space<vmem_shared>>)
        tpu.yield
      }) : () -> ()
      %dma_wait3A_160 = arith.constant 0 : i32
      %dma_wait3A_161 = arith.constant 0 : i32
      %dma_wait3A_162 = tpu.memref_slice %arg2[%mul3A_2, %dma_wait3A_160, %dma_wait3A_161] : memref<4000x2x80xi32, #tpu.memory_space<hbm>> -> memref<1x2x80xi32, #tpu.memory_space<hbm>>
      %dma_wait3A_163 = tpu.memref_squeeze %dma_wait3A_162 : memref<1x2x80xi32, #tpu.memory_space<hbm>> -> memref<2x80xi32, #tpu.memory_space<hbm>>
      %dma_wait3A_164 = arith.constant 0 : i32
      %dma_wait3A_165 = arith.constant 0 : i32
      %dma_wait3A_166 = tpu.memref_slice %arg2[%mul3A_2, %dma_wait3A_164, %dma_wait3A_165] : memref<4000x2x80xi32, #tpu.memory_space<hbm>> -> memref<1x2x80xi32, #tpu.memory_space<hbm>>
      %dma_wait3A_167 = tpu.memref_squeeze %dma_wait3A_166 : memref<1x2x80xi32, #tpu.memory_space<hbm>> -> memref<2x80xi32, #tpu.memory_space<hbm>>
      tpu.wait_dma2 semaphore(%arg15 : memref<!tpu.dma_semaphore, #tpu.memory_space<semaphore_mem>>) src(%dma_wait3A_167 : memref<2x80xi32, #tpu.memory_space<hbm>>) dst(%arg7 : memref<2x80xi32, #tpu.memory_space<vmem>>)
      %dma_start3A_168 = arith.constant 0 : i32
      %dma_start3A_169 = arith.constant 0 : i32
      %dma_start3A_170 = tpu.memref_slice %arg7[%dma_start3A_168, %dma_start3A_169] : memref<2x80xi32, #tpu.memory_space<vmem>> -> memref<1x80xi32, #tpu.memory_space<vmem>>
      %dma_start3A_171 = tpu.memref_squeeze %dma_start3A_170 : memref<1x80xi32, #tpu.memory_space<vmem>> -> memref<80xi32, #tpu.memory_space<vmem>>
      %dma_start3A_172 = arith.constant 0 : i32
      %dma_start3A_173 = arith.constant 0 : i32
      %dma_start3A_174 = tpu.memref_slice %arg3[%dma_start3A_172, %dma_start3A_173] : memref<10000x128xf32, #tpu.memory_space<hbm>> -> memref<10000x128xf32, #tpu.memory_space<hbm>>
      tpu.enqueue_indirect_dma source(%dma_start3A_174 : memref<10000x128xf32, #tpu.memory_space<hbm>>) target(%arg10 : memref<80x128xf32, #tpu.memory_space<vmem>>) offsets(%dma_start3A_171 : memref<80xi32, #tpu.memory_space<vmem>>) semaphore(%arg12 : memref<!tpu.dma_semaphore, #tpu.memory_space<semaphore_mem>>)
      %add3A_175 = arith.addi %mul3A_2, %add3A_151 : i32
      %add3A_176 = arith.constant 4 : i32
      %add3A_177 = arith.addi %add3A_175, %add3A_176 : i32
      %dma_start3A_178 = arith.constant 0 : i32
      %dma_start3A_179 = arith.constant 0 : i32
      %dma_start3A_180 = tpu.memref_slice %arg2[%add3A_177, %dma_start3A_178, %dma_start3A_179] : memref<4000x2x80xi32, #tpu.memory_space<hbm>> -> memref<1x2x80xi32, #tpu.memory_space<hbm>>
      %dma_start3A_181 = tpu.memref_squeeze %dma_start3A_180 : memref<1x2x80xi32, #tpu.memory_space<hbm>> -> memref<2x80xi32, #tpu.memory_space<hbm>>
      %dma_start3A_182 = arith.constant 0 : i32
      %dma_start3A_183 = arith.constant 0 : i32
      %dma_start3A_184 = tpu.memref_slice %arg2[%add3A_177, %dma_start3A_182, %dma_start3A_183] : memref<4000x2x80xi32, #tpu.memory_space<hbm>> -> memref<1x2x80xi32, #tpu.memory_space<hbm>>
      %dma_start3A_185 = tpu.memref_squeeze %dma_start3A_184 : memref<1x2x80xi32, #tpu.memory_space<hbm>> -> memref<2x80xi32, #tpu.memory_space<hbm>>
      tpu.enqueue_dma source(%dma_start3A_185 : memref<2x80xi32, #tpu.memory_space<hbm>>) target(%arg6 : memref<2x80xi32, #tpu.memory_space<vmem>>) target_semaphore(%arg14 : memref<!tpu.dma_semaphore, #tpu.memory_space<semaphore_mem>>)
      %mul3A_186 = arith.constant 4 : i32
      %mul3A_187 = arith.muli %scan3A_147, %mul3A_186 : i32
      %add3A_188 = arith.constant 1 : i32
      %add3A_189 = arith.addi %mul3A_187, %add3A_188 : i32
      %dma_wait3A_190 = arith.constant 0 : i32
      %dma_wait3A_191 = arith.constant 0 : i32
      %dma_wait3A_192 = tpu.memref_slice %arg8[%dma_wait3A_190, %dma_wait3A_191] : memref<2x80xi32, #tpu.memory_space<vmem>> -> memref<1x80xi32, #tpu.memory_space<vmem>>
      %dma_wait3A_193 = tpu.memref_squeeze %dma_wait3A_192 : memref<1x80xi32, #tpu.memory_space<vmem>> -> memref<80xi32, #tpu.memory_space<vmem>>
      %dma_wait3A_194 = arith.constant 0 : i32
      %dma_wait3A_195 = arith.constant 0 : i32
      %dma_wait3A_196 = tpu.memref_slice %arg3[%dma_wait3A_194, %dma_wait3A_195] : memref<10000x128xf32, #tpu.memory_space<hbm>> -> memref<10000x128xf32, #tpu.memory_space<hbm>>
      tpu.wait_indirect_dma semaphore(%arg13 : memref<!tpu.dma_semaphore, #tpu.memory_space<semaphore_mem>>) src(%dma_wait3A_196 : memref<10000x128xf32, #tpu.memory_space<hbm>>) dst(%arg11 : memref<80x128xf32, #tpu.memory_space<vmem>>)
      %run_scoped3A_197 = arith.constant 1 : i32
      "tpu.region"() ({
        %run_scoped3A_300 = tpu.sem_alloc : memref<!tpu.dma_semaphore, #tpu.memory_space<semaphore_mem>>
        %dma_start3A_301 = arith.constant 0 : i32
        %dma_start3A_302 = tpu.memref_slice %arg8[%run_scoped3A_197, %dma_start3A_301] : memref<2x80xi32, #tpu.memory_space<vmem>> -> memref<1x80xi32, #tpu.memory_space<vmem>>
        %dma_start3A_303 = tpu.memref_squeeze %dma_start3A_302 : memref<1x80xi32, #tpu.memory_space<vmem>> -> memref<80xi32, #tpu.memory_space<vmem>>
        %dma_start3A_304 = arith.constant 0 : i32
        %dma_start3A_305 = arith.constant 0 : i32
        %dma_start3A_306 = tpu.memref_slice %arg18[%dma_start3A_304, %dma_start3A_305] : memref<10240x128xf32, #tpu.memory_space<vmem_shared>> -> memref<10240x128xf32, #tpu.memory_space<vmem_shared>>
        tpu.enqueue_indirect_dma source(%arg11 : memref<80x128xf32, #tpu.memory_space<vmem>>) target(%dma_start3A_306 : memref<10240x128xf32, #tpu.memory_space<vmem_shared>>) offsets(%dma_start3A_303 : memref<80xi32, #tpu.memory_space<vmem>>) semaphore(%run_scoped3A_300 : memref<!tpu.dma_semaphore, #tpu.memory_space<semaphore_mem>>) {add = true}
        %dma_wait3A_307 = arith.constant 0 : i32
        %dma_wait3A_308 = tpu.memref_slice %arg8[%run_scoped3A_197, %dma_wait3A_307] : memref<2x80xi32, #tpu.memory_space<vmem>> -> memref<1x80xi32, #tpu.memory_space<vmem>>
        %dma_wait3A_309 = tpu.memref_squeeze %dma_wait3A_308 : memref<1x80xi32, #tpu.memory_space<vmem>> -> memref<80xi32, #tpu.memory_space<vmem>>
        %dma_wait3A_310 = arith.constant 0 : i32
        %dma_wait3A_311 = arith.constant 0 : i32
        %dma_wait3A_312 = tpu.memref_slice %arg18[%dma_wait3A_310, %dma_wait3A_311] : memref<10240x128xf32, #tpu.memory_space<vmem_shared>> -> memref<10240x128xf32, #tpu.memory_space<vmem_shared>>
        tpu.wait_indirect_dma semaphore(%run_scoped3A_300 : memref<!tpu.dma_semaphore, #tpu.memory_space<semaphore_mem>>) src(%arg11 : memref<80x128xf32, #tpu.memory_space<vmem>>) dst(%dma_wait3A_312 : memref<10240x128xf32, #tpu.memory_space<vmem_shared>>)
        tpu.yield
      }) : () -> ()
      %dma_wait3A_198 = arith.constant 0 : i32
      %dma_wait3A_199 = arith.constant 0 : i32
      %dma_wait3A_200 = tpu.memref_slice %arg2[%mul3A_2, %dma_wait3A_198, %dma_wait3A_199] : memref<4000x2x80xi32, #tpu.memory_space<hbm>> -> memref<1x2x80xi32, #tpu.memory_space<hbm>>
      %dma_wait3A_201 = tpu.memref_squeeze %dma_wait3A_200 : memref<1x2x80xi32, #tpu.memory_space<hbm>> -> memref<2x80xi32, #tpu.memory_space<hbm>>
      %dma_wait3A_202 = arith.constant 0 : i32
      %dma_wait3A_203 = arith.constant 0 : i32
      %dma_wait3A_204 = tpu.memref_slice %arg2[%mul3A_2, %dma_wait3A_202, %dma_wait3A_203] : memref<4000x2x80xi32, #tpu.memory_space<hbm>> -> memref<1x2x80xi32, #tpu.memory_space<hbm>>
      %dma_wait3A_205 = tpu.memref_squeeze %dma_wait3A_204 : memref<1x2x80xi32, #tpu.memory_space<hbm>> -> memref<2x80xi32, #tpu.memory_space<hbm>>
      tpu.wait_dma2 semaphore(%arg17 : memref<!tpu.dma_semaphore, #tpu.memory_space<semaphore_mem>>) src(%dma_wait3A_205 : memref<2x80xi32, #tpu.memory_space<hbm>>) dst(%arg9 : memref<2x80xi32, #tpu.memory_space<vmem>>)
      %dma_start3A_206 = arith.constant 0 : i32
      %dma_start3A_207 = arith.constant 0 : i32
      %dma_start3A_208 = tpu.memref_slice %arg9[%dma_start3A_206, %dma_start3A_207] : memref<2x80xi32, #tpu.memory_space<vmem>> -> memref<1x80xi32, #tpu.memory_space<vmem>>
      %dma_start3A_209 = tpu.memref_squeeze %dma_start3A_208 : memref<1x80xi32, #tpu.memory_space<vmem>> -> memref<80xi32, #tpu.memory_space<vmem>>
      %dma_start3A_210 = arith.constant 0 : i32
      %dma_start3A_211 = arith.constant 0 : i32
      %dma_start3A_212 = tpu.memref_slice %arg3[%dma_start3A_210, %dma_start3A_211] : memref<10000x128xf32, #tpu.memory_space<hbm>> -> memref<10000x128xf32, #tpu.memory_space<hbm>>
      tpu.enqueue_indirect_dma source(%dma_start3A_212 : memref<10000x128xf32, #tpu.memory_space<hbm>>) target(%arg11 : memref<80x128xf32, #tpu.memory_space<vmem>>) offsets(%dma_start3A_209 : memref<80xi32, #tpu.memory_space<vmem>>) semaphore(%arg13 : memref<!tpu.dma_semaphore, #tpu.memory_space<semaphore_mem>>)
      %add3A_213 = arith.addi %mul3A_2, %add3A_189 : i32
      %add3A_214 = arith.constant 4 : i32
      %add3A_215 = arith.addi %add3A_213, %add3A_214 : i32
      %dma_start3A_216 = arith.constant 0 : i32
      %dma_start3A_217 = arith.constant 0 : i32
      %dma_start3A_218 = tpu.memref_slice %arg2[%add3A_215, %dma_start3A_216, %dma_start3A_217] : memref<4000x2x80xi32, #tpu.memory_space<hbm>> -> memref<1x2x80xi32, #tpu.memory_space<hbm>>
      %dma_start3A_219 = tpu.memref_squeeze %dma_start3A_218 : memref<1x2x80xi32, #tpu.memory_space<hbm>> -> memref<2x80xi32, #tpu.memory_space<hbm>>
      %dma_start3A_220 = arith.constant 0 : i32
      %dma_start3A_221 = arith.constant 0 : i32
      %dma_start3A_222 = tpu.memref_slice %arg2[%add3A_215, %dma_start3A_220, %dma_start3A_221] : memref<4000x2x80xi32, #tpu.memory_space<hbm>> -> memref<1x2x80xi32, #tpu.memory_space<hbm>>
      %dma_start3A_223 = tpu.memref_squeeze %dma_start3A_222 : memref<1x2x80xi32, #tpu.memory_space<hbm>> -> memref<2x80xi32, #tpu.memory_space<hbm>>
      tpu.enqueue_dma source(%dma_start3A_223 : memref<2x80xi32, #tpu.memory_space<hbm>>) target(%arg8 : memref<2x80xi32, #tpu.memory_space<vmem>>) target_semaphore(%arg16 : memref<!tpu.dma_semaphore, #tpu.memory_space<semaphore_mem>>)
      %mul3A_224 = arith.constant 4 : i32
      %mul3A_225 = arith.muli %scan3A_147, %mul3A_224 : i32
      %add3A_226 = arith.constant 2 : i32
      %add3A_227 = arith.addi %mul3A_225, %add3A_226 : i32
      %dma_wait3A_228 = arith.constant 0 : i32
      %dma_wait3A_229 = arith.constant 0 : i32
      %dma_wait3A_230 = tpu.memref_slice %arg7[%dma_wait3A_228, %dma_wait3A_229] : memref<2x80xi32, #tpu.memory_space<vmem>> -> memref<1x80xi32, #tpu.memory_space<vmem>>
      %dma_wait3A_231 = tpu.memref_squeeze %dma_wait3A_230 : memref<1x80xi32, #tpu.memory_space<vmem>> -> memref<80xi32, #tpu.memory_space<vmem>>
      %dma_wait3A_232 = arith.constant 0 : i32
      %dma_wait3A_233 = arith.constant 0 : i32
      %dma_wait3A_234 = tpu.memref_slice %arg3[%dma_wait3A_232, %dma_wait3A_233] : memref<10000x128xf32, #tpu.memory_space<hbm>> -> memref<10000x128xf32, #tpu.memory_space<hbm>>
      tpu.wait_indirect_dma semaphore(%arg12 : memref<!tpu.dma_semaphore, #tpu.memory_space<semaphore_mem>>) src(%dma_wait3A_234 : memref<10000x128xf32, #tpu.memory_space<hbm>>) dst(%arg10 : memref<80x128xf32, #tpu.memory_space<vmem>>)
      %run_scoped3A_235 = arith.constant 1 : i32
      "tpu.region"() ({
        %run_scoped3A_300 = tpu.sem_alloc : memref<!tpu.dma_semaphore, #tpu.memory_space<semaphore_mem>>
        %dma_start3A_301 = arith.constant 0 : i32
        %dma_start3A_302 = tpu.memref_slice %arg7[%run_scoped3A_235, %dma_start3A_301] : memref<2x80xi32, #tpu.memory_space<vmem>> -> memref<1x80xi32, #tpu.memory_space<vmem>>
        %dma_start3A_303 = tpu.memref_squeeze %dma_start3A_302 : memref<1x80xi32, #tpu.memory_space<vmem>> -> memref<80xi32, #tpu.memory_space<vmem>>
        %dma_start3A_304 = arith.constant 0 : i32
        %dma_start3A_305 = arith.constant 0 : i32
        %dma_start3A_306 = tpu.memref_slice %arg18[%dma_start3A_304, %dma_start3A_305] : memref<10240x128xf32, #tpu.memory_space<vmem_shared>> -> memref<10240x128xf32, #tpu.memory_space<vmem_shared>>
        tpu.enqueue_indirect_dma source(%arg10 : memref<80x128xf32, #tpu.memory_space<vmem>>) target(%dma_start3A_306 : memref<10240x128xf32, #tpu.memory_space<vmem_shared>>) offsets(%dma_start3A_303 : memref<80xi32, #tpu.memory_space<vmem>>) semaphore(%run_scoped3A_300 : memref<!tpu.dma_semaphore, #tpu.memory_space<semaphore_mem>>) {add = true}
        %dma_wait3A_307 = arith.constant 0 : i32
        %dma_wait3A_308 = tpu.memref_slice %arg7[%run_scoped3A_235, %dma_wait3A_307] : memref<2x80xi32, #tpu.memory_space<vmem>> -> memref<1x80xi32, #tpu.memory_space<vmem>>
        %dma_wait3A_309 = tpu.memref_squeeze %dma_wait3A_308 : memref<1x80xi32, #tpu.memory_space<vmem>> -> memref<80xi32, #tpu.memory_space<vmem>>
        %dma_wait3A_310 = arith.constant 0 : i32
        %dma_wait3A_311 = arith.constant 0 : i32
        %dma_wait3A_312 = tpu.memref_slice %arg18[%dma_wait3A_310, %dma_wait3A_311] : memref<10240x128xf32, #tpu.memory_space<vmem_shared>> -> memref<10240x128xf32, #tpu.memory_space<vmem_shared>>
        tpu.wait_indirect_dma semaphore(%run_scoped3A_300 : memref<!tpu.dma_semaphore, #tpu.memory_space<semaphore_mem>>) src(%arg10 : memref<80x128xf32, #tpu.memory_space<vmem>>) dst(%dma_wait3A_312 : memref<10240x128xf32, #tpu.memory_space<vmem_shared>>)
        tpu.yield
      }) : () -> ()
      %dma_wait3A_236 = arith.constant 0 : i32
      %dma_wait3A_237 = arith.constant 0 : i32
      %dma_wait3A_238 = tpu.memref_slice %arg2[%mul3A_2, %dma_wait3A_236, %dma_wait3A_237] : memref<4000x2x80xi32, #tpu.memory_space<hbm>> -> memref<1x2x80xi32, #tpu.memory_space<hbm>>
      %dma_wait3A_239 = tpu.memref_squeeze %dma_wait3A_238 : memref<1x2x80xi32, #tpu.memory_space<hbm>> -> memref<2x80xi32, #tpu.memory_space<hbm>>
      %dma_wait3A_240 = arith.constant 0 : i32
      %dma_wait3A_241 = arith.constant 0 : i32
      %dma_wait3A_242 = tpu.memref_slice %arg2[%mul3A_2, %dma_wait3A_240, %dma_wait3A_241] : memref<4000x2x80xi32, #tpu.memory_space<hbm>> -> memref<1x2x80xi32, #tpu.memory_space<hbm>>
      %dma_wait3A_243 = tpu.memref_squeeze %dma_wait3A_242 : memref<1x2x80xi32, #tpu.memory_space<hbm>> -> memref<2x80xi32, #tpu.memory_space<hbm>>
      tpu.wait_dma2 semaphore(%arg14 : memref<!tpu.dma_semaphore, #tpu.memory_space<semaphore_mem>>) src(%dma_wait3A_243 : memref<2x80xi32, #tpu.memory_space<hbm>>) dst(%arg6 : memref<2x80xi32, #tpu.memory_space<vmem>>)
      %dma_start3A_244 = arith.constant 0 : i32
      %dma_start3A_245 = arith.constant 0 : i32
      %dma_start3A_246 = tpu.memref_slice %arg6[%dma_start3A_244, %dma_start3A_245] : memref<2x80xi32, #tpu.memory_space<vmem>> -> memref<1x80xi32, #tpu.memory_space<vmem>>
      %dma_start3A_247 = tpu.memref_squeeze %dma_start3A_246 : memref<1x80xi32, #tpu.memory_space<vmem>> -> memref<80xi32, #tpu.memory_space<vmem>>
      %dma_start3A_248 = arith.constant 0 : i32
      %dma_start3A_249 = arith.constant 0 : i32
      %dma_start3A_250 = tpu.memref_slice %arg3[%dma_start3A_248, %dma_start3A_249] : memref<10000x128xf32, #tpu.memory_space<hbm>> -> memref<10000x128xf32, #tpu.memory_space<hbm>>
      tpu.enqueue_indirect_dma source(%dma_start3A_250 : memref<10000x128xf32, #tpu.memory_space<hbm>>) target(%arg10 : memref<80x128xf32, #tpu.memory_space<vmem>>) offsets(%dma_start3A_247 : memref<80xi32, #tpu.memory_space<vmem>>) semaphore(%arg12 : memref<!tpu.dma_semaphore, #tpu.memory_space<semaphore_mem>>)
      %add3A_251 = arith.addi %mul3A_2, %add3A_227 : i32
      %add3A_252 = arith.constant 4 : i32
      %add3A_253 = arith.addi %add3A_251, %add3A_252 : i32
      %dma_start3A_254 = arith.constant 0 : i32
      %dma_start3A_255 = arith.constant 0 : i32
      %dma_start3A_256 = tpu.memref_slice %arg2[%add3A_253, %dma_start3A_254, %dma_start3A_255] : memref<4000x2x80xi32, #tpu.memory_space<hbm>> -> memref<1x2x80xi32, #tpu.memory_space<hbm>>
      %dma_start3A_257 = tpu.memref_squeeze %dma_start3A_256 : memref<1x2x80xi32, #tpu.memory_space<hbm>> -> memref<2x80xi32, #tpu.memory_space<hbm>>
      %dma_start3A_258 = arith.constant 0 : i32
      %dma_start3A_259 = arith.constant 0 : i32
      %dma_start3A_260 = tpu.memref_slice %arg2[%add3A_253, %dma_start3A_258, %dma_start3A_259] : memref<4000x2x80xi32, #tpu.memory_space<hbm>> -> memref<1x2x80xi32, #tpu.memory_space<hbm>>
      %dma_start3A_261 = tpu.memref_squeeze %dma_start3A_260 : memref<1x2x80xi32, #tpu.memory_space<hbm>> -> memref<2x80xi32, #tpu.memory_space<hbm>>
      tpu.enqueue_dma source(%dma_start3A_261 : memref<2x80xi32, #tpu.memory_space<hbm>>) target(%arg7 : memref<2x80xi32, #tpu.memory_space<vmem>>) target_semaphore(%arg15 : memref<!tpu.dma_semaphore, #tpu.memory_space<semaphore_mem>>)
      %mul3A_262 = arith.constant 4 : i32
      %mul3A_263 = arith.muli %scan3A_147, %mul3A_262 : i32
      %add3A_264 = arith.constant 3 : i32
      %add3A_265 = arith.addi %mul3A_263, %add3A_264 : i32
      %dma_wait3A_266 = arith.constant 0 : i32
      %dma_wait3A_267 = arith.constant 0 : i32
      %dma_wait3A_268 = tpu.memref_slice %arg9[%dma_wait3A_266, %dma_wait3A_267] : memref<2x80xi32, #tpu.memory_space<vmem>> -> memref<1x80xi32, #tpu.memory_space<vmem>>
      %dma_wait3A_269 = tpu.memref_squeeze %dma_wait3A_268 : memref<1x80xi32, #tpu.memory_space<vmem>> -> memref<80xi32, #tpu.memory_space<vmem>>
      %dma_wait3A_270 = arith.constant 0 : i32
      %dma_wait3A_271 = arith.constant 0 : i32
      %dma_wait3A_272 = tpu.memref_slice %arg3[%dma_wait3A_270, %dma_wait3A_271] : memref<10000x128xf32, #tpu.memory_space<hbm>> -> memref<10000x128xf32, #tpu.memory_space<hbm>>
      tpu.wait_indirect_dma semaphore(%arg13 : memref<!tpu.dma_semaphore, #tpu.memory_space<semaphore_mem>>) src(%dma_wait3A_272 : memref<10000x128xf32, #tpu.memory_space<hbm>>) dst(%arg11 : memref<80x128xf32, #tpu.memory_space<vmem>>)
      %run_scoped3A_273 = arith.constant 1 : i32
      "tpu.region"() ({
        %run_scoped3A_300 = tpu.sem_alloc : memref<!tpu.dma_semaphore, #tpu.memory_space<semaphore_mem>>
        %dma_start3A_301 = arith.constant 0 : i32
        %dma_start3A_302 = tpu.memref_slice %arg9[%run_scoped3A_273, %dma_start3A_301] : memref<2x80xi32, #tpu.memory_space<vmem>> -> memref<1x80xi32, #tpu.memory_space<vmem>>
        %dma_start3A_303 = tpu.memref_squeeze %dma_start3A_302 : memref<1x80xi32, #tpu.memory_space<vmem>> -> memref<80xi32, #tpu.memory_space<vmem>>
        %dma_start3A_304 = arith.constant 0 : i32
        %dma_start3A_305 = arith.constant 0 : i32
        %dma_start3A_306 = tpu.memref_slice %arg18[%dma_start3A_304, %dma_start3A_305] : memref<10240x128xf32, #tpu.memory_space<vmem_shared>> -> memref<10240x128xf32, #tpu.memory_space<vmem_shared>>
        tpu.enqueue_indirect_dma source(%arg11 : memref<80x128xf32, #tpu.memory_space<vmem>>) target(%dma_start3A_306 : memref<10240x128xf32, #tpu.memory_space<vmem_shared>>) offsets(%dma_start3A_303 : memref<80xi32, #tpu.memory_space<vmem>>) semaphore(%run_scoped3A_300 : memref<!tpu.dma_semaphore, #tpu.memory_space<semaphore_mem>>) {add = true}
        %dma_wait3A_307 = arith.constant 0 : i32
        %dma_wait3A_308 = tpu.memref_slice %arg9[%run_scoped3A_273, %dma_wait3A_307] : memref<2x80xi32, #tpu.memory_space<vmem>> -> memref<1x80xi32, #tpu.memory_space<vmem>>
        %dma_wait3A_309 = tpu.memref_squeeze %dma_wait3A_308 : memref<1x80xi32, #tpu.memory_space<vmem>> -> memref<80xi32, #tpu.memory_space<vmem>>
        %dma_wait3A_310 = arith.constant 0 : i32
        %dma_wait3A_311 = arith.constant 0 : i32
        %dma_wait3A_312 = tpu.memref_slice %arg18[%dma_wait3A_310, %dma_wait3A_311] : memref<10240x128xf32, #tpu.memory_space<vmem_shared>> -> memref<10240x128xf32, #tpu.memory_space<vmem_shared>>
        tpu.wait_indirect_dma semaphore(%run_scoped3A_300 : memref<!tpu.dma_semaphore, #tpu.memory_space<semaphore_mem>>) src(%arg11 : memref<80x128xf32, #tpu.memory_space<vmem>>) dst(%dma_wait3A_312 : memref<10240x128xf32, #tpu.memory_space<vmem_shared>>)
        tpu.yield
      }) : () -> ()
      %dma_wait3A_274 = arith.constant 0 : i32
      %dma_wait3A_275 = arith.constant 0 : i32
      %dma_wait3A_276 = tpu.memref_slice %arg2[%mul3A_2, %dma_wait3A_274, %dma_wait3A_275] : memref<4000x2x80xi32, #tpu.memory_space<hbm>> -> memref<1x2x80xi32, #tpu.memory_space<hbm>>
      %dma_wait3A_277 = tpu.memref_squeeze %dma_wait3A_276 : memref<1x2x80xi32, #tpu.memory_space<hbm>> -> memref<2x80xi32, #tpu.memory_space<hbm>>
      %dma_wait3A_278 = arith.constant 0 : i32
      %dma_wait3A_279 = arith.constant 0 : i32
      %dma_wait3A_280 = tpu.memref_slice %arg2[%mul3A_2, %dma_wait3A_278, %dma_wait3A_279] : memref<4000x2x80xi32, #tpu.memory_space<hbm>> -> memref<1x2x80xi32, #tpu.memory_space<hbm>>
      %dma_wait3A_281 = tpu.memref_squeeze %dma_wait3A_280 : memref<1x2x80xi32, #tpu.memory_space<hbm>> -> memref<2x80xi32, #tpu.memory_space<hbm>>
      tpu.wait_dma2 semaphore(%arg16 : memref<!tpu.dma_semaphore, #tpu.memory_space<semaphore_mem>>) src(%dma_wait3A_281 : memref<2x80xi32, #tpu.memory_space<hbm>>) dst(%arg8 : memref<2x80xi32, #tpu.memory_space<vmem>>)
      %dma_start3A_282 = arith.constant 0 : i32
      %dma_start3A_283 = arith.constant 0 : i32
      %dma_start3A_284 = tpu.memref_slice %arg8[%dma_start3A_282, %dma_start3A_283] : memref<2x80xi32, #tpu.memory_space<vmem>> -> memref<1x80xi32, #tpu.memory_space<vmem>>
      %dma_start3A_285 = tpu.memref_squeeze %dma_start3A_284 : memref<1x80xi32, #tpu.memory_space<vmem>> -> memref<80xi32, #tpu.memory_space<vmem>>
      %dma_start3A_286 = arith.constant 0 : i32
      %dma_start3A_287 = arith.constant 0 : i32
      %dma_start3A_288 = tpu.memref_slice %arg3[%dma_start3A_286, %dma_start3A_287] : memref<10000x128xf32, #tpu.memory_space<hbm>> -> memref<10000x128xf32, #tpu.memory_space<hbm>>
      tpu.enqueue_indirect_dma source(%dma_start3A_288 : memref<10000x128xf32, #tpu.memory_space<hbm>>) target(%arg11 : memref<80x128xf32, #tpu.memory_space<vmem>>) offsets(%dma_start3A_285 : memref<80xi32, #tpu.memory_space<vmem>>) semaphore(%arg13 : memref<!tpu.dma_semaphore, #tpu.memory_space<semaphore_mem>>)
      %add3A_289 = arith.addi %mul3A_2, %add3A_265 : i32
      %add3A_290 = arith.constant 4 : i32
      %add3A_291 = arith.addi %add3A_289, %add3A_290 : i32
      %dma_start3A_292 = arith.constant 0 : i32
      %dma_start3A_293 = arith.constant 0 : i32
      %dma_start3A_294 = tpu.memref_slice %arg2[%add3A_291, %dma_start3A_292, %dma_start3A_293] : memref<4000x2x80xi32, #tpu.memory_space<hbm>> -> memref<1x2x80xi32, #tpu.memory_space<hbm>>
      %dma_start3A_295 = tpu.memref_squeeze %dma_start3A_294 : memref<1x2x80xi32, #tpu.memory_space<hbm>> -> memref<2x80xi32, #tpu.memory_space<hbm>>
      %dma_start3A_296 = arith.constant 0 : i32
      %dma_start3A_297 = arith.constant 0 : i32
      %dma_start3A_298 = tpu.memref_slice %arg2[%add3A_291, %dma_start3A_296, %dma_start3A_297] : memref<4000x2x80xi32, #tpu.memory_space<hbm>> -> memref<1x2x80xi32, #tpu.memory_space<hbm>>
      %dma_start3A_299 = tpu.memref_squeeze %dma_start3A_298 : memref<1x2x80xi32, #tpu.memory_space<hbm>> -> memref<2x80xi32, #tpu.memory_space<hbm>>
      tpu.enqueue_dma source(%dma_start3A_299 : memref<2x80xi32, #tpu.memory_space<hbm>>) target(%arg9 : memref<2x80xi32, #tpu.memory_space<vmem>>) target_semaphore(%arg17 : memref<!tpu.dma_semaphore, #tpu.memory_space<semaphore_mem>>)
    }
    %scan3A_44 = arith.constant 30 : i32
    %dma_wait3A = arith.constant 0 : i32
    %dma_wait3A_45 = arith.constant 0 : i32
    %dma_wait3A_46 = tpu.memref_slice %arg6[%dma_wait3A, %dma_wait3A_45] : memref<2x80xi32, #tpu.memory_space<vmem>> -> memref<1x80xi32, #tpu.memory_space<vmem>>
    %dma_wait3A_47 = tpu.memref_squeeze %dma_wait3A_46 : memref<1x80xi32, #tpu.memory_space<vmem>> -> memref<80xi32, #tpu.memory_space<vmem>>
    %dma_wait3A_48 = arith.constant 0 : i32
    %dma_wait3A_49 = arith.constant 0 : i32
    %dma_wait3A_50 = tpu.memref_slice %arg3[%dma_wait3A_48, %dma_wait3A_49] : memref<10000x128xf32, #tpu.memory_space<hbm>> -> memref<10000x128xf32, #tpu.memory_space<hbm>>
    tpu.wait_indirect_dma semaphore(%arg12 : memref<!tpu.dma_semaphore, #tpu.memory_space<semaphore_mem>>) src(%dma_wait3A_50 : memref<10000x128xf32, #tpu.memory_space<hbm>>) dst(%arg10 : memref<80x128xf32, #tpu.memory_space<vmem>>)
    %run_scoped3A = arith.constant 1 : i32
    "tpu.region"() ({
      %run_scoped3A_147 = tpu.sem_alloc : memref<!tpu.dma_semaphore, #tpu.memory_space<semaphore_mem>>
      %dma_start3A_148 = arith.constant 0 : i32
      %dma_start3A_149 = tpu.memref_slice %arg6[%run_scoped3A, %dma_start3A_148] : memref<2x80xi32, #tpu.memory_space<vmem>> -> memref<1x80xi32, #tpu.memory_space<vmem>>
      %dma_start3A_150 = tpu.memref_squeeze %dma_start3A_149 : memref<1x80xi32, #tpu.memory_space<vmem>> -> memref<80xi32, #tpu.memory_space<vmem>>
      %dma_start3A_151 = arith.constant 0 : i32
      %dma_start3A_152 = arith.constant 0 : i32
      %dma_start3A_153 = tpu.memref_slice %arg18[%dma_start3A_151, %dma_start3A_152] : memref<10240x128xf32, #tpu.memory_space<vmem_shared>> -> memref<10240x128xf32, #tpu.memory_space<vmem_shared>>
      tpu.enqueue_indirect_dma source(%arg10 : memref<80x128xf32, #tpu.memory_space<vmem>>) target(%dma_start3A_153 : memref<10240x128xf32, #tpu.memory_space<vmem_shared>>) offsets(%dma_start3A_150 : memref<80xi32, #tpu.memory_space<vmem>>) semaphore(%run_scoped3A_147 : memref<!tpu.dma_semaphore, #tpu.memory_space<semaphore_mem>>) {add = true}
      %dma_wait3A_154 = arith.constant 0 : i32
      %dma_wait3A_155 = tpu.memref_slice %arg6[%run_scoped3A, %dma_wait3A_154] : memref<2x80xi32, #tpu.memory_space<vmem>> -> memref<1x80xi32, #tpu.memory_space<vmem>>
      %dma_wait3A_156 = tpu.memref_squeeze %dma_wait3A_155 : memref<1x80xi32, #tpu.memory_space<vmem>> -> memref<80xi32, #tpu.memory_space<vmem>>
      %dma_wait3A_157 = arith.constant 0 : i32
      %dma_wait3A_158 = arith.constant 0 : i32
      %dma_wait3A_159 = tpu.memref_slice %arg18[%dma_wait3A_157, %dma_wait3A_158] : memref<10240x128xf32, #tpu.memory_space<vmem_shared>> -> memref<10240x128xf32, #tpu.memory_space<vmem_shared>>
      tpu.wait_indirect_dma semaphore(%run_scoped3A_147 : memref<!tpu.dma_semaphore, #tpu.memory_space<semaphore_mem>>) src(%arg10 : memref<80x128xf32, #tpu.memory_space<vmem>>) dst(%dma_wait3A_159 : memref<10240x128xf32, #tpu.memory_space<vmem_shared>>)
      tpu.yield
    }) : () -> ()
    %dma_wait3A_51 = arith.constant 0 : i32
    %dma_wait3A_52 = arith.constant 0 : i32
    %dma_wait3A_53 = tpu.memref_slice %arg2[%mul3A_2, %dma_wait3A_51, %dma_wait3A_52] : memref<4000x2x80xi32, #tpu.memory_space<hbm>> -> memref<1x2x80xi32, #tpu.memory_space<hbm>>
    %dma_wait3A_54 = tpu.memref_squeeze %dma_wait3A_53 : memref<1x2x80xi32, #tpu.memory_space<hbm>> -> memref<2x80xi32, #tpu.memory_space<hbm>>
    %dma_wait3A_55 = arith.constant 0 : i32
    %dma_wait3A_56 = arith.constant 0 : i32
    %dma_wait3A_57 = tpu.memref_slice %arg2[%mul3A_2, %dma_wait3A_55, %dma_wait3A_56] : memref<4000x2x80xi32, #tpu.memory_space<hbm>> -> memref<1x2x80xi32, #tpu.memory_space<hbm>>
    %dma_wait3A_58 = tpu.memref_squeeze %dma_wait3A_57 : memref<1x2x80xi32, #tpu.memory_space<hbm>> -> memref<2x80xi32, #tpu.memory_space<hbm>>
    tpu.wait_dma2 semaphore(%arg15 : memref<!tpu.dma_semaphore, #tpu.memory_space<semaphore_mem>>) src(%dma_wait3A_58 : memref<2x80xi32, #tpu.memory_space<hbm>>) dst(%arg7 : memref<2x80xi32, #tpu.memory_space<vmem>>)
    %dma_start3A_59 = arith.constant 0 : i32
    %dma_start3A_60 = arith.constant 0 : i32
    %dma_start3A_61 = tpu.memref_slice %arg7[%dma_start3A_59, %dma_start3A_60] : memref<2x80xi32, #tpu.memory_space<vmem>> -> memref<1x80xi32, #tpu.memory_space<vmem>>
    %dma_start3A_62 = tpu.memref_squeeze %dma_start3A_61 : memref<1x80xi32, #tpu.memory_space<vmem>> -> memref<80xi32, #tpu.memory_space<vmem>>
    %dma_start3A_63 = arith.constant 0 : i32
    %dma_start3A_64 = arith.constant 0 : i32
    %dma_start3A_65 = tpu.memref_slice %arg3[%dma_start3A_63, %dma_start3A_64] : memref<10000x128xf32, #tpu.memory_space<hbm>> -> memref<10000x128xf32, #tpu.memory_space<hbm>>
    tpu.enqueue_indirect_dma source(%dma_start3A_65 : memref<10000x128xf32, #tpu.memory_space<hbm>>) target(%arg10 : memref<80x128xf32, #tpu.memory_space<vmem>>) offsets(%dma_start3A_62 : memref<80xi32, #tpu.memory_space<vmem>>) semaphore(%arg12 : memref<!tpu.dma_semaphore, #tpu.memory_space<semaphore_mem>>)
    %add3A_66 = arith.constant 125 : i32
    %add3A_67 = arith.addi %mul3A_2, %add3A_66 : i32
    %sub3A = arith.constant 1 : i32
    %sub3A_68 = arith.subi %add3A_67, %sub3A : i32
    %dma_start3A_69 = arith.constant 0 : i32
    %dma_start3A_70 = arith.constant 0 : i32
    %dma_start3A_71 = tpu.memref_slice %arg2[%sub3A_68, %dma_start3A_69, %dma_start3A_70] : memref<4000x2x80xi32, #tpu.memory_space<hbm>> -> memref<1x2x80xi32, #tpu.memory_space<hbm>>
    %dma_start3A_72 = tpu.memref_squeeze %dma_start3A_71 : memref<1x2x80xi32, #tpu.memory_space<hbm>> -> memref<2x80xi32, #tpu.memory_space<hbm>>
    %dma_start3A_73 = arith.constant 0 : i32
    %dma_start3A_74 = arith.constant 0 : i32
    %dma_start3A_75 = tpu.memref_slice %arg2[%sub3A_68, %dma_start3A_73, %dma_start3A_74] : memref<4000x2x80xi32, #tpu.memory_space<hbm>> -> memref<1x2x80xi32, #tpu.memory_space<hbm>>
    %dma_start3A_76 = tpu.memref_squeeze %dma_start3A_75 : memref<1x2x80xi32, #tpu.memory_space<hbm>> -> memref<2x80xi32, #tpu.memory_space<hbm>>
    tpu.enqueue_dma source(%dma_start3A_76 : memref<2x80xi32, #tpu.memory_space<hbm>>) target(%arg6 : memref<2x80xi32, #tpu.memory_space<vmem>>) target_semaphore(%arg14 : memref<!tpu.dma_semaphore, #tpu.memory_space<semaphore_mem>>)
    %dma_wait3A_77 = arith.constant 0 : i32
    %dma_wait3A_78 = arith.constant 0 : i32
    %dma_wait3A_79 = tpu.memref_slice %arg8[%dma_wait3A_77, %dma_wait3A_78] : memref<2x80xi32, #tpu.memory_space<vmem>> -> memref<1x80xi32, #tpu.memory_space<vmem>>
    %dma_wait3A_80 = tpu.memref_squeeze %dma_wait3A_79 : memref<1x80xi32, #tpu.memory_space<vmem>> -> memref<80xi32, #tpu.memory_space<vmem>>
    %dma_wait3A_81 = arith.constant 0 : i32
    %dma_wait3A_82 = arith.constant 0 : i32
    %dma_wait3A_83 = tpu.memref_slice %arg3[%dma_wait3A_81, %dma_wait3A_82] : memref<10000x128xf32, #tpu.memory_space<hbm>> -> memref<10000x128xf32, #tpu.memory_space<hbm>>
    tpu.wait_indirect_dma semaphore(%arg13 : memref<!tpu.dma_semaphore, #tpu.memory_space<semaphore_mem>>) src(%dma_wait3A_83 : memref<10000x128xf32, #tpu.memory_space<hbm>>) dst(%arg11 : memref<80x128xf32, #tpu.memory_space<vmem>>)
    %run_scoped3A_84 = arith.constant 1 : i32
    "tpu.region"() ({
      %run_scoped3A_147 = tpu.sem_alloc : memref<!tpu.dma_semaphore, #tpu.memory_space<semaphore_mem>>
      %dma_start3A_148 = arith.constant 0 : i32
      %dma_start3A_149 = tpu.memref_slice %arg8[%run_scoped3A_84, %dma_start3A_148] : memref<2x80xi32, #tpu.memory_space<vmem>> -> memref<1x80xi32, #tpu.memory_space<vmem>>
      %dma_start3A_150 = tpu.memref_squeeze %dma_start3A_149 : memref<1x80xi32, #tpu.memory_space<vmem>> -> memref<80xi32, #tpu.memory_space<vmem>>
      %dma_start3A_151 = arith.constant 0 : i32
      %dma_start3A_152 = arith.constant 0 : i32
      %dma_start3A_153 = tpu.memref_slice %arg18[%dma_start3A_151, %dma_start3A_152] : memref<10240x128xf32, #tpu.memory_space<vmem_shared>> -> memref<10240x128xf32, #tpu.memory_space<vmem_shared>>
      tpu.enqueue_indirect_dma source(%arg11 : memref<80x128xf32, #tpu.memory_space<vmem>>) target(%dma_start3A_153 : memref<10240x128xf32, #tpu.memory_space<vmem_shared>>) offsets(%dma_start3A_150 : memref<80xi32, #tpu.memory_space<vmem>>) semaphore(%run_scoped3A_147 : memref<!tpu.dma_semaphore, #tpu.memory_space<semaphore_mem>>) {add = true}
      %dma_wait3A_154 = arith.constant 0 : i32
      %dma_wait3A_155 = tpu.memref_slice %arg8[%run_scoped3A_84, %dma_wait3A_154] : memref<2x80xi32, #tpu.memory_space<vmem>> -> memref<1x80xi32, #tpu.memory_space<vmem>>
      %dma_wait3A_156 = tpu.memref_squeeze %dma_wait3A_155 : memref<1x80xi32, #tpu.memory_space<vmem>> -> memref<80xi32, #tpu.memory_space<vmem>>
      %dma_wait3A_157 = arith.constant 0 : i32
      %dma_wait3A_158 = arith.constant 0 : i32
      %dma_wait3A_159 = tpu.memref_slice %arg18[%dma_wait3A_157, %dma_wait3A_158] : memref<10240x128xf32, #tpu.memory_space<vmem_shared>> -> memref<10240x128xf32, #tpu.memory_space<vmem_shared>>
      tpu.wait_indirect_dma semaphore(%run_scoped3A_147 : memref<!tpu.dma_semaphore, #tpu.memory_space<semaphore_mem>>) src(%arg11 : memref<80x128xf32, #tpu.memory_space<vmem>>) dst(%dma_wait3A_159 : memref<10240x128xf32, #tpu.memory_space<vmem_shared>>)
      tpu.yield
    }) : () -> ()
    %dma_wait3A_85 = arith.constant 0 : i32
    %dma_wait3A_86 = arith.constant 0 : i32
    %dma_wait3A_87 = tpu.memref_slice %arg2[%mul3A_2, %dma_wait3A_85, %dma_wait3A_86] : memref<4000x2x80xi32, #tpu.memory_space<hbm>> -> memref<1x2x80xi32, #tpu.memory_space<hbm>>
    %dma_wait3A_88 = tpu.memref_squeeze %dma_wait3A_87 : memref<1x2x80xi32, #tpu.memory_space<hbm>> -> memref<2x80xi32, #tpu.memory_space<hbm>>
    %dma_wait3A_89 = arith.constant 0 : i32
    %dma_wait3A_90 = arith.constant 0 : i32
    %dma_wait3A_91 = tpu.memref_slice %arg2[%mul3A_2, %dma_wait3A_89, %dma_wait3A_90] : memref<4000x2x80xi32, #tpu.memory_space<hbm>> -> memref<1x2x80xi32, #tpu.memory_space<hbm>>
    %dma_wait3A_92 = tpu.memref_squeeze %dma_wait3A_91 : memref<1x2x80xi32, #tpu.memory_space<hbm>> -> memref<2x80xi32, #tpu.memory_space<hbm>>
    tpu.wait_dma2 semaphore(%arg17 : memref<!tpu.dma_semaphore, #tpu.memory_space<semaphore_mem>>) src(%dma_wait3A_92 : memref<2x80xi32, #tpu.memory_space<hbm>>) dst(%arg9 : memref<2x80xi32, #tpu.memory_space<vmem>>)
    %dma_start3A_93 = arith.constant 0 : i32
    %dma_start3A_94 = arith.constant 0 : i32
    %dma_start3A_95 = tpu.memref_slice %arg9[%dma_start3A_93, %dma_start3A_94] : memref<2x80xi32, #tpu.memory_space<vmem>> -> memref<1x80xi32, #tpu.memory_space<vmem>>
    %dma_start3A_96 = tpu.memref_squeeze %dma_start3A_95 : memref<1x80xi32, #tpu.memory_space<vmem>> -> memref<80xi32, #tpu.memory_space<vmem>>
    %dma_start3A_97 = arith.constant 0 : i32
    %dma_start3A_98 = arith.constant 0 : i32
    %dma_start3A_99 = tpu.memref_slice %arg3[%dma_start3A_97, %dma_start3A_98] : memref<10000x128xf32, #tpu.memory_space<hbm>> -> memref<10000x128xf32, #tpu.memory_space<hbm>>
    tpu.enqueue_indirect_dma source(%dma_start3A_99 : memref<10000x128xf32, #tpu.memory_space<hbm>>) target(%arg11 : memref<80x128xf32, #tpu.memory_space<vmem>>) offsets(%dma_start3A_96 : memref<80xi32, #tpu.memory_space<vmem>>) semaphore(%arg13 : memref<!tpu.dma_semaphore, #tpu.memory_space<semaphore_mem>>)
    %dma_wait3A_100 = arith.constant 0 : i32
    %dma_wait3A_101 = arith.constant 0 : i32
    %dma_wait3A_102 = tpu.memref_slice %arg7[%dma_wait3A_100, %dma_wait3A_101] : memref<2x80xi32, #tpu.memory_space<vmem>> -> memref<1x80xi32, #tpu.memory_space<vmem>>
    %dma_wait3A_103 = tpu.memref_squeeze %dma_wait3A_102 : memref<1x80xi32, #tpu.memory_space<vmem>> -> memref<80xi32, #tpu.memory_space<vmem>>
    %dma_wait3A_104 = arith.constant 0 : i32
    %dma_wait3A_105 = arith.constant 0 : i32
    %dma_wait3A_106 = tpu.memref_slice %arg3[%dma_wait3A_104, %dma_wait3A_105] : memref<10000x128xf32, #tpu.memory_space<hbm>> -> memref<10000x128xf32, #tpu.memory_space<hbm>>
    tpu.wait_indirect_dma semaphore(%arg12 : memref<!tpu.dma_semaphore, #tpu.memory_space<semaphore_mem>>) src(%dma_wait3A_106 : memref<10000x128xf32, #tpu.memory_space<hbm>>) dst(%arg10 : memref<80x128xf32, #tpu.memory_space<vmem>>)
    %run_scoped3A_107 = arith.constant 1 : i32
    "tpu.region"() ({
      %run_scoped3A_147 = tpu.sem_alloc : memref<!tpu.dma_semaphore, #tpu.memory_space<semaphore_mem>>
      %dma_start3A_148 = arith.constant 0 : i32
      %dma_start3A_149 = tpu.memref_slice %arg7[%run_scoped3A_107, %dma_start3A_148] : memref<2x80xi32, #tpu.memory_space<vmem>> -> memref<1x80xi32, #tpu.memory_space<vmem>>
      %dma_start3A_150 = tpu.memref_squeeze %dma_start3A_149 : memref<1x80xi32, #tpu.memory_space<vmem>> -> memref<80xi32, #tpu.memory_space<vmem>>
      %dma_start3A_151 = arith.constant 0 : i32
      %dma_start3A_152 = arith.constant 0 : i32
      %dma_start3A_153 = tpu.memref_slice %arg18[%dma_start3A_151, %dma_start3A_152] : memref<10240x128xf32, #tpu.memory_space<vmem_shared>> -> memref<10240x128xf32, #tpu.memory_space<vmem_shared>>
      tpu.enqueue_indirect_dma source(%arg10 : memref<80x128xf32, #tpu.memory_space<vmem>>) target(%dma_start3A_153 : memref<10240x128xf32, #tpu.memory_space<vmem_shared>>) offsets(%dma_start3A_150 : memref<80xi32, #tpu.memory_space<vmem>>) semaphore(%run_scoped3A_147 : memref<!tpu.dma_semaphore, #tpu.memory_space<semaphore_mem>>) {add = true}
      %dma_wait3A_154 = arith.constant 0 : i32
      %dma_wait3A_155 = tpu.memref_slice %arg7[%run_scoped3A_107, %dma_wait3A_154] : memref<2x80xi32, #tpu.memory_space<vmem>> -> memref<1x80xi32, #tpu.memory_space<vmem>>
      %dma_wait3A_156 = tpu.memref_squeeze %dma_wait3A_155 : memref<1x80xi32, #tpu.memory_space<vmem>> -> memref<80xi32, #tpu.memory_space<vmem>>
      %dma_wait3A_157 = arith.constant 0 : i32
      %dma_wait3A_158 = arith.constant 0 : i32
      %dma_wait3A_159 = tpu.memref_slice %arg18[%dma_wait3A_157, %dma_wait3A_158] : memref<10240x128xf32, #tpu.memory_space<vmem_shared>> -> memref<10240x128xf32, #tpu.memory_space<vmem_shared>>
      tpu.wait_indirect_dma semaphore(%run_scoped3A_147 : memref<!tpu.dma_semaphore, #tpu.memory_space<semaphore_mem>>) src(%arg10 : memref<80x128xf32, #tpu.memory_space<vmem>>) dst(%dma_wait3A_159 : memref<10240x128xf32, #tpu.memory_space<vmem_shared>>)
      tpu.yield
    }) : () -> ()
    %dma_wait3A_108 = arith.constant 0 : i32
    %dma_wait3A_109 = arith.constant 0 : i32
    %dma_wait3A_110 = tpu.memref_slice %arg2[%mul3A_2, %dma_wait3A_108, %dma_wait3A_109] : memref<4000x2x80xi32, #tpu.memory_space<hbm>> -> memref<1x2x80xi32, #tpu.memory_space<hbm>>
    %dma_wait3A_111 = tpu.memref_squeeze %dma_wait3A_110 : memref<1x2x80xi32, #tpu.memory_space<hbm>> -> memref<2x80xi32, #tpu.memory_space<hbm>>
    %dma_wait3A_112 = arith.constant 0 : i32
    %dma_wait3A_113 = arith.constant 0 : i32
    %dma_wait3A_114 = tpu.memref_slice %arg2[%mul3A_2, %dma_wait3A_112, %dma_wait3A_113] : memref<4000x2x80xi32, #tpu.memory_space<hbm>> -> memref<1x2x80xi32, #tpu.memory_space<hbm>>
    %dma_wait3A_115 = tpu.memref_squeeze %dma_wait3A_114 : memref<1x2x80xi32, #tpu.memory_space<hbm>> -> memref<2x80xi32, #tpu.memory_space<hbm>>
    tpu.wait_dma2 semaphore(%arg14 : memref<!tpu.dma_semaphore, #tpu.memory_space<semaphore_mem>>) src(%dma_wait3A_115 : memref<2x80xi32, #tpu.memory_space<hbm>>) dst(%arg6 : memref<2x80xi32, #tpu.memory_space<vmem>>)
    %dma_start3A_116 = arith.constant 0 : i32
    %dma_start3A_117 = arith.constant 0 : i32
    %dma_start3A_118 = tpu.memref_slice %arg6[%dma_start3A_116, %dma_start3A_117] : memref<2x80xi32, #tpu.memory_space<vmem>> -> memref<1x80xi32, #tpu.memory_space<vmem>>
    %dma_start3A_119 = tpu.memref_squeeze %dma_start3A_118 : memref<1x80xi32, #tpu.memory_space<vmem>> -> memref<80xi32, #tpu.memory_space<vmem>>
    %dma_start3A_120 = arith.constant 0 : i32
    %dma_start3A_121 = arith.constant 0 : i32
    %dma_start3A_122 = tpu.memref_slice %arg3[%dma_start3A_120, %dma_start3A_121] : memref<10000x128xf32, #tpu.memory_space<hbm>> -> memref<10000x128xf32, #tpu.memory_space<hbm>>
    tpu.enqueue_indirect_dma source(%dma_start3A_122 : memref<10000x128xf32, #tpu.memory_space<hbm>>) target(%arg10 : memref<80x128xf32, #tpu.memory_space<vmem>>) offsets(%dma_start3A_119 : memref<80xi32, #tpu.memory_space<vmem>>) semaphore(%arg12 : memref<!tpu.dma_semaphore, #tpu.memory_space<semaphore_mem>>)
    %dma_wait3A_123 = arith.constant 0 : i32
    %dma_wait3A_124 = arith.constant 0 : i32
    %dma_wait3A_125 = tpu.memref_slice %arg9[%dma_wait3A_123, %dma_wait3A_124] : memref<2x80xi32, #tpu.memory_space<vmem>> -> memref<1x80xi32, #tpu.memory_space<vmem>>
    %dma_wait3A_126 = tpu.memref_squeeze %dma_wait3A_125 : memref<1x80xi32, #tpu.memory_space<vmem>> -> memref<80xi32, #tpu.memory_space<vmem>>
    %dma_wait3A_127 = arith.constant 0 : i32
    %dma_wait3A_128 = arith.constant 0 : i32
    %dma_wait3A_129 = tpu.memref_slice %arg3[%dma_wait3A_127, %dma_wait3A_128] : memref<10000x128xf32, #tpu.memory_space<hbm>> -> memref<10000x128xf32, #tpu.memory_space<hbm>>
    tpu.wait_indirect_dma semaphore(%arg13 : memref<!tpu.dma_semaphore, #tpu.memory_space<semaphore_mem>>) src(%dma_wait3A_129 : memref<10000x128xf32, #tpu.memory_space<hbm>>) dst(%arg11 : memref<80x128xf32, #tpu.memory_space<vmem>>)
    %run_scoped3A_130 = arith.constant 1 : i32
    "tpu.region"() ({
      %run_scoped3A_147 = tpu.sem_alloc : memref<!tpu.dma_semaphore, #tpu.memory_space<semaphore_mem>>
      %dma_start3A_148 = arith.constant 0 : i32
      %dma_start3A_149 = tpu.memref_slice %arg9[%run_scoped3A_130, %dma_start3A_148] : memref<2x80xi32, #tpu.memory_space<vmem>> -> memref<1x80xi32, #tpu.memory_space<vmem>>
      %dma_start3A_150 = tpu.memref_squeeze %dma_start3A_149 : memref<1x80xi32, #tpu.memory_space<vmem>> -> memref<80xi32, #tpu.memory_space<vmem>>
      %dma_start3A_151 = arith.constant 0 : i32
      %dma_start3A_152 = arith.constant 0 : i32
      %dma_start3A_153 = tpu.memref_slice %arg18[%dma_start3A_151, %dma_start3A_152] : memref<10240x128xf32, #tpu.memory_space<vmem_shared>> -> memref<10240x128xf32, #tpu.memory_space<vmem_shared>>
      tpu.enqueue_indirect_dma source(%arg11 : memref<80x128xf32, #tpu.memory_space<vmem>>) target(%dma_start3A_153 : memref<10240x128xf32, #tpu.memory_space<vmem_shared>>) offsets(%dma_start3A_150 : memref<80xi32, #tpu.memory_space<vmem>>) semaphore(%run_scoped3A_147 : memref<!tpu.dma_semaphore, #tpu.memory_space<semaphore_mem>>) {add = true}
      %dma_wait3A_154 = arith.constant 0 : i32
      %dma_wait3A_155 = tpu.memref_slice %arg9[%run_scoped3A_130, %dma_wait3A_154] : memref<2x80xi32, #tpu.memory_space<vmem>> -> memref<1x80xi32, #tpu.memory_space<vmem>>
      %dma_wait3A_156 = tpu.memref_squeeze %dma_wait3A_155 : memref<1x80xi32, #tpu.memory_space<vmem>> -> memref<80xi32, #tpu.memory_space<vmem>>
      %dma_wait3A_157 = arith.constant 0 : i32
      %dma_wait3A_158 = arith.constant 0 : i32
      %dma_wait3A_159 = tpu.memref_slice %arg18[%dma_wait3A_157, %dma_wait3A_158] : memref<10240x128xf32, #tpu.memory_space<vmem_shared>> -> memref<10240x128xf32, #tpu.memory_space<vmem_shared>>
      tpu.wait_indirect_dma semaphore(%run_scoped3A_147 : memref<!tpu.dma_semaphore, #tpu.memory_space<semaphore_mem>>) src(%arg11 : memref<80x128xf32, #tpu.memory_space<vmem>>) dst(%dma_wait3A_159 : memref<10240x128xf32, #tpu.memory_space<vmem_shared>>)
      tpu.yield
    }) : () -> ()
    %dma_wait3A_131 = arith.constant 0 : i32
    %dma_wait3A_132 = arith.constant 0 : i32
    %dma_wait3A_133 = tpu.memref_slice %arg6[%dma_wait3A_131, %dma_wait3A_132] : memref<2x80xi32, #tpu.memory_space<vmem>> -> memref<1x80xi32, #tpu.memory_space<vmem>>
    %dma_wait3A_134 = tpu.memref_squeeze %dma_wait3A_133 : memref<1x80xi32, #tpu.memory_space<vmem>> -> memref<80xi32, #tpu.memory_space<vmem>>
    %dma_wait3A_135 = arith.constant 0 : i32
    %dma_wait3A_136 = arith.constant 0 : i32
    %dma_wait3A_137 = tpu.memref_slice %arg3[%dma_wait3A_135, %dma_wait3A_136] : memref<10000x128xf32, #tpu.memory_space<hbm>> -> memref<10000x128xf32, #tpu.memory_space<hbm>>
    tpu.wait_indirect_dma semaphore(%arg12 : memref<!tpu.dma_semaphore, #tpu.memory_space<semaphore_mem>>) src(%dma_wait3A_137 : memref<10000x128xf32, #tpu.memory_space<hbm>>) dst(%arg10 : memref<80x128xf32, #tpu.memory_space<vmem>>)
    %run_scoped3A_138 = arith.constant 1 : i32
    "tpu.region"() ({
      %run_scoped3A_147 = tpu.sem_alloc : memref<!tpu.dma_semaphore, #tpu.memory_space<semaphore_mem>>
      %dma_start3A_148 = arith.constant 0 : i32
      %dma_start3A_149 = tpu.memref_slice %arg6[%run_scoped3A_138, %dma_start3A_148] : memref<2x80xi32, #tpu.memory_space<vmem>> -> memref<1x80xi32, #tpu.memory_space<vmem>>
      %dma_start3A_150 = tpu.memref_squeeze %dma_start3A_149 : memref<1x80xi32, #tpu.memory_space<vmem>> -> memref<80xi32, #tpu.memory_space<vmem>>
      %dma_start3A_151 = arith.constant 0 : i32
      %dma_start3A_152 = arith.constant 0 : i32
      %dma_start3A_153 = tpu.memref_slice %arg18[%dma_start3A_151, %dma_start3A_152] : memref<10240x128xf32, #tpu.memory_space<vmem_shared>> -> memref<10240x128xf32, #tpu.memory_space<vmem_shared>>
      tpu.enqueue_indirect_dma source(%arg10 : memref<80x128xf32, #tpu.memory_space<vmem>>) target(%dma_start3A_153 : memref<10240x128xf32, #tpu.memory_space<vmem_shared>>) offsets(%dma_start3A_150 : memref<80xi32, #tpu.memory_space<vmem>>) semaphore(%run_scoped3A_147 : memref<!tpu.dma_semaphore, #tpu.memory_space<semaphore_mem>>) {add = true}
      %dma_wait3A_154 = arith.constant 0 : i32
      %dma_wait3A_155 = tpu.memref_slice %arg6[%run_scoped3A_138, %dma_wait3A_154] : memref<2x80xi32, #tpu.memory_space<vmem>> -> memref<1x80xi32, #tpu.memory_space<vmem>>
      %dma_wait3A_156 = tpu.memref_squeeze %dma_wait3A_155 : memref<1x80xi32, #tpu.memory_space<vmem>> -> memref<80xi32, #tpu.memory_space<vmem>>
      %dma_wait3A_157 = arith.constant 0 : i32
      %dma_wait3A_158 = arith.constant 0 : i32
      %dma_wait3A_159 = tpu.memref_slice %arg18[%dma_wait3A_157, %dma_wait3A_158] : memref<10240x128xf32, #tpu.memory_space<vmem_shared>> -> memref<10240x128xf32, #tpu.memory_space<vmem_shared>>
      tpu.wait_indirect_dma semaphore(%run_scoped3A_147 : memref<!tpu.dma_semaphore, #tpu.memory_space<semaphore_mem>>) src(%arg10 : memref<80x128xf32, #tpu.memory_space<vmem>>) dst(%dma_wait3A_159 : memref<10240x128xf32, #tpu.memory_space<vmem_shared>>)
      tpu.yield
    }) : () -> ()
    %barrier3A_139 = arith.constant 0 : index
    tpu.barrier barrier_id(%barrier3A_139)
    %mul3A_140 = arith.constant 640 : i32
    %mul3A_141 = arith.muli %arg1, %mul3A_140 : i32
    %mul3A_142 = arith.constant 10240 : i32
    %mul3A_143 = arith.muli %arg0, %mul3A_142 : i32
    %mul3A_144 = arith.constant 640 : i32
    %mul3A_145 = arith.muli %arg1, %mul3A_144 : i32
    %add3A_146 = arith.addi %mul3A_143, %mul3A_145 : i32
    "tpu.region"() ({
      %run_scoped3A_147 = tpu.sem_alloc : memref<!tpu.dma_semaphore, #tpu.memory_space<semaphore_mem>>
      %dma_start3A_148 = arith.constant 0 : i32
      %dma_start3A_149 = tpu.memref_slice %arg5[%add3A_146, %dma_start3A_148] : memref<20480x128xf32, #tpu.memory_space<hbm>> -> memref<640x128xf32, #tpu.memory_space<hbm>>
      %dma_start3A_150 = arith.constant 0 : i32
      %dma_start3A_151 = tpu.memref_slice %arg18[%mul3A_141, %dma_start3A_150] : memref<10240x128xf32, #tpu.memory_space<vmem_shared>> -> memref<640x128xf32, #tpu.memory_space<vmem_shared>>
      tpu.enqueue_dma source(%dma_start3A_151 : memref<640x128xf32, #tpu.memory_space<vmem_shared>>) target(%dma_start3A_149 : memref<640x128xf32, #tpu.memory_space<hbm>>) target_semaphore(%run_scoped3A_147 : memref<!tpu.dma_semaphore, #tpu.memory_space<semaphore_mem>>)
      %dma_wait3A_152 = arith.constant 0 : i32
      %dma_wait3A_153 = tpu.memref_slice %arg5[%add3A_146, %dma_wait3A_152] : memref<20480x128xf32, #tpu.memory_space<hbm>> -> memref<640x128xf32, #tpu.memory_space<hbm>>
      %dma_wait3A_154 = arith.constant 0 : i32
      %dma_wait3A_155 = tpu.memref_slice %arg18[%mul3A_141, %dma_wait3A_154] : memref<10240x128xf32, #tpu.memory_space<vmem_shared>> -> memref<640x128xf32, #tpu.memory_space<vmem_shared>>
      tpu.wait_dma2 semaphore(%run_scoped3A_147 : memref<!tpu.dma_semaphore, #tpu.memory_space<semaphore_mem>>) src(%dma_wait3A_155 : memref<640x128xf32, #tpu.memory_space<vmem_shared>>) dst(%dma_wait3A_153 : memref<640x128xf32, #tpu.memory_space<hbm>>)
      tpu.yield
    }) : () -> ()
    return
  }
}

module attributes {stable_mosaic.version = 14 : i64} {
  func.func @_mm_scale_body(%arg0: i32, %arg1: memref<2x1000x128xf32, #tpu.memory_space<vmem>>, %arg2: memref<1000x128xf32, #tpu.memory_space<vmem>>, %arg3: memref<128x128xf32, #tpu.memory_space<vmem>>, %arg4: memref<1000x128xf32, #tpu.memory_space<vmem>>) attributes {dimension_semantics = [#tpu.dimension_semantics<arbitrary>], iteration_bounds = array<i64: 10>, scalar_prefetch = 0 : i64, scratch_operands = 0 : i64, tpu.core_type = #tpu.core_type<tc>, window_params = [{transform_indices = @transform_0, window_bounds = array<i64: 2, 1000, 128>}, {transform_indices = @transform_1, window_bounds = array<i64: 1000, 128>}, {pipeline_mode = #tpu.pipeline_mode<synchronous>, transform_indices = @transform_2, window_bounds = array<i64: 128, 128>}, {transform_indices = @transform_3, window_bounds = array<i64: 1000, 128>}]} {
    %get3A = arith.constant 0 : index
    %get3A_0 = arith.constant 0 : index
    %get3A_1 = arith.constant 0 : index
    %get3A_2 = vector.load %arg1[%get3A, %get3A_0, %get3A_1] : memref<2x1000x128xf32, #tpu.memory_space<vmem>>, vector<1x1000x1xf32>
    %get3A_3 = vector.shape_cast %get3A_2 : vector<1x1000x1xf32> to vector<1000xf32>
    %add3A = arith.constant 1.000000e+00 : f32
    %add3A_4 = vector.broadcast %add3A : f32 to vector<1000xf32>
    %add3A_5 = arith.addf %add3A_4, %get3A_3 : vector<1000xf32>
    %get3A_6 = arith.constant 1 : index
    %get3A_7 = arith.constant 0 : index
    %get3A_8 = arith.constant 0 : index
    %get3A_9 = vector.load %arg1[%get3A_6, %get3A_7, %get3A_8] : memref<2x1000x128xf32, #tpu.memory_space<vmem>>, vector<1x1000x1xf32>
    %get3A_10 = vector.shape_cast %get3A_9 : vector<1x1000x1xf32> to vector<1000xf32>
    %add3A_11 = arith.addf %add3A_5, %get3A_10 : vector<1000xf32>
    %rsqrt3A = math.rsqrt %add3A_11 : vector<1000xf32>
    %get3A_12 = arith.constant 0 : index
    %get3A_13 = arith.constant 0 : index
    %get3A_14 = vector.load %arg2[%get3A_12, %get3A_13] : memref<1000x128xf32, #tpu.memory_space<vmem>>, vector<1000x128xf32>
    %get3A_15 = arith.constant 0 : index
    %get3A_16 = arith.constant 0 : index
    %get3A_17 = vector.load %arg3[%get3A_15, %get3A_16] : memref<128x128xf32, #tpu.memory_space<vmem>>, vector<128x128xf32>
    %dot_general3A = arith.constant dense<0.000000e+00> : vector<1000x128xf32>
    %dot_general3A_18 = tpu.matmul %get3A_14, %get3A_17, %dot_general3A {dimension_numbers = #tpu.dot_dimension_numbers<[1], [0], [0], [1], [0, 0, 1, 1], [], []>, transpose_lhs_hint = false} : vector<1000x128xf32>, vector<128x128xf32>, vector<1000x128xf32> -> vector<1000x128xf32>
    %broadcast_in_dim3A = vector.shape_cast %rsqrt3A : vector<1000xf32> to vector<1000x1xf32>
    %mul3A = vector.broadcast %broadcast_in_dim3A : vector<1000x1xf32> to vector<1000x128xf32>
    %mul3A_19 = arith.mulf %dot_general3A_18, %mul3A : vector<1000x128xf32>
    %swap3A = arith.constant 0 : index
    %swap3A_20 = arith.constant 0 : index
    %swap3A_21 = vector.load %arg4[%swap3A, %swap3A_20] : memref<1000x128xf32, #tpu.memory_space<vmem>>, vector<1000x128xf32>
    tpu.vector_store %arg4[%swap3A, %swap3A_20], %mul3A_19 {strides = array<i32>} : memref<1000x128xf32, #tpu.memory_space<vmem>>, vector<1000x128xf32>,
    return
  }
  func.func @transform_0(%arg0: i32) -> (i32, i32, i32) {
    %c0_i32 = arith.constant 0 : i32
    %c0_i32_0 = arith.constant 0 : i32
    %c0_i32_1 = arith.constant 0 : i32
    return %c0_i32, %arg0, %c0_i32_0 : i32, i32, i32
  }
  func.func @transform_1(%arg0: i32) -> (i32, i32) {
    %c0_i32 = arith.constant 0 : i32
    %c0_i32_0 = arith.constant 0 : i32
    return %arg0, %c0_i32 : i32, i32
  }
  func.func @transform_2(%arg0: i32) -> (i32, i32) {
    %c0_i32 = arith.constant 0 : i32
    %c0_i32_0 = arith.constant 0 : i32
    %c0_i32_1 = arith.constant 0 : i32
    return %c0_i32, %c0_i32_0 : i32, i32
  }
  func.func @transform_3(%arg0: i32) -> (i32, i32) {
    %c0_i32 = arith.constant 0 : i32
    %c0_i32_0 = arith.constant 0 : i32
    return %arg0, %c0_i32 : i32, i32
  }
}

module attributes {stable_mosaic.version = 14 : i64} {
  func.func @_mid_body(%arg0: i32, %arg1: memref<2x1000x128xf32, #tpu.memory_space<vmem>>, %arg2: memref<2x1000x128xf32, #tpu.memory_space<vmem>>, %arg3: memref<1000x128xf32, #tpu.memory_space<vmem>>, %arg4: memref<1x128xf32, #tpu.memory_space<vmem>>, %arg5: memref<128x128xf32, #tpu.memory_space<vmem>>, %arg6: memref<1000x128xf32, #tpu.memory_space<vmem>>) attributes {dimension_semantics = [#tpu.dimension_semantics<arbitrary>], iteration_bounds = array<i64: 10>, scalar_prefetch = 0 : i64, scratch_operands = 0 : i64, tpu.core_type = #tpu.core_type<tc>, window_params = [{transform_indices = @transform_0, window_bounds = array<i64: 2, 1000, 128>}, {transform_indices = @transform_1, window_bounds = array<i64: 2, 1000, 128>}, {transform_indices = @transform_2, window_bounds = array<i64: 1000, 128>}, {pipeline_mode = #tpu.pipeline_mode<synchronous>, transform_indices = @transform_3, window_bounds = array<i64: 1, 128>}, {pipeline_mode = #tpu.pipeline_mode<synchronous>, transform_indices = @transform_4, window_bounds = array<i64: 128, 128>}, {transform_indices = @transform_5, window_bounds = array<i64: 1000, 128>}]} {
    %get3A = arith.constant 0 : index
    %get3A_0 = arith.constant 0 : index
    %get3A_1 = arith.constant 0 : index
    %get3A_2 = vector.load %arg1[%get3A, %get3A_0, %get3A_1] : memref<2x1000x128xf32, #tpu.memory_space<vmem>>, vector<1x1000x1xf32>
    %get3A_3 = vector.shape_cast %get3A_2 : vector<1x1000x1xf32> to vector<1000xf32>
    %add3A = arith.constant 1.000000e+00 : f32
    %add3A_4 = vector.broadcast %add3A : f32 to vector<1000xf32>
    %add3A_5 = arith.addf %add3A_4, %get3A_3 : vector<1000xf32>
    %get3A_6 = arith.constant 1 : index
    %get3A_7 = arith.constant 0 : index
    %get3A_8 = arith.constant 0 : index
    %get3A_9 = vector.load %arg1[%get3A_6, %get3A_7, %get3A_8] : memref<2x1000x128xf32, #tpu.memory_space<vmem>>, vector<1x1000x1xf32>
    %get3A_10 = vector.shape_cast %get3A_9 : vector<1x1000x1xf32> to vector<1000xf32>
    %add3A_11 = arith.addf %add3A_5, %get3A_10 : vector<1000xf32>
    %rsqrt3A = math.rsqrt %add3A_11 : vector<1000xf32>
    %get3A_12 = arith.constant 0 : index
    %get3A_13 = arith.constant 0 : index
    %get3A_14 = arith.constant 0 : index
    %get3A_15 = vector.load %arg2[%get3A_12, %get3A_13, %get3A_14] : memref<2x1000x128xf32, #tpu.memory_space<vmem>>, vector<1x1000x128xf32>
    %get3A_16 = vector.shape_cast %get3A_15 : vector<1x1000x128xf32> to vector<1000x128xf32>
    %get3A_17 = arith.constant 1 : index
    %get3A_18 = arith.constant 0 : index
    %get3A_19 = arith.constant 0 : index
    %get3A_20 = vector.load %arg2[%get3A_17, %get3A_18, %get3A_19] : memref<2x1000x128xf32, #tpu.memory_space<vmem>>, vector<1x1000x128xf32>
    %get3A_21 = vector.shape_cast %get3A_20 : vector<1x1000x128xf32> to vector<1000x128xf32>
    %add3A_22 = arith.addf %get3A_16, %get3A_21 : vector<1000x128xf32>
    %get3A_23 = arith.constant 0 : index
    %get3A_24 = arith.constant 0 : index
    %get3A_25 = vector.load %arg3[%get3A_23, %get3A_24] : memref<1000x128xf32, #tpu.memory_space<vmem>>, vector<1000x128xf32>
    %add3A_26 = arith.addf %add3A_22, %get3A_25 : vector<1000x128xf32>
    %broadcast_in_dim3A = vector.shape_cast %rsqrt3A : vector<1000xf32> to vector<1000x1xf32>
    %mul3A = vector.broadcast %broadcast_in_dim3A : vector<1000x1xf32> to vector<1000x128xf32>
    %mul3A_27 = arith.mulf %add3A_26, %mul3A : vector<1000x128xf32>
    %get3A_28 = arith.constant 0 : index
    %get3A_29 = arith.constant 0 : index
    %get3A_30 = vector.load %arg4[%get3A_28, %get3A_29] : memref<1x128xf32, #tpu.memory_space<vmem>>, vector<1x128xf32>
    %add3A_31 = vector.broadcast %get3A_30 : vector<1x128xf32> to vector<1000x128xf32>
    %add3A_32 = arith.addf %mul3A_27, %add3A_31 : vector<1000x128xf32>
    %max3A = arith.constant 0.000000e+00 : f32
    %max3A_33 = vector.broadcast %max3A : f32 to vector<1000x128xf32>
    %max3A_34 = arith.maximumf %add3A_32, %max3A_33 : vector<1000x128xf32>
    %get3A_35 = arith.constant 0 : index
    %get3A_36 = arith.constant 0 : index
    %get3A_37 = vector.load %arg5[%get3A_35, %get3A_36] : memref<128x128xf32, #tpu.memory_space<vmem>>, vector<128x128xf32>
    %dot_general3A = arith.constant dense<0.000000e+00> : vector<1000x128xf32>
    %dot_general3A_38 = tpu.matmul %max3A_34, %get3A_37, %dot_general3A {dimension_numbers = #tpu.dot_dimension_numbers<[1], [0], [0], [1], [0, 0, 1, 1], [], []>, transpose_lhs_hint = false} : vector<1000x128xf32>, vector<128x128xf32>, vector<1000x128xf32> -> vector<1000x128xf32>
    %broadcast_in_dim3A_39 = vector.shape_cast %rsqrt3A : vector<1000xf32> to vector<1000x1xf32>
    %mul3A_40 = vector.broadcast %broadcast_in_dim3A_39 : vector<1000x1xf32> to vector<1000x128xf32>
    %mul3A_41 = arith.mulf %dot_general3A_38, %mul3A_40 : vector<1000x128xf32>
    %swap3A = arith.constant 0 : index
    %swap3A_42 = arith.constant 0 : index
    %swap3A_43 = vector.load %arg6[%swap3A, %swap3A_42] : memref<1000x128xf32, #tpu.memory_space<vmem>>, vector<1000x128xf32>
    tpu.vector_store %arg6[%swap3A, %swap3A_42], %mul3A_41 {strides = array<i32>} : memref<1000x128xf32, #tpu.memory_space<vmem>>, vector<1000x128xf32>,
    return
  }
  func.func @transform_0(%arg0: i32) -> (i32, i32, i32) {
    %c0_i32 = arith.constant 0 : i32
    %c0_i32_0 = arith.constant 0 : i32
    %c0_i32_1 = arith.constant 0 : i32
    return %c0_i32, %arg0, %c0_i32_0 : i32, i32, i32
  }
  func.func @transform_1(%arg0: i32) -> (i32, i32, i32) {
    %c0_i32 = arith.constant 0 : i32
    %c0_i32_0 = arith.constant 0 : i32
    %c0_i32_1 = arith.constant 0 : i32
    return %c0_i32, %arg0, %c0_i32_0 : i32, i32, i32
  }
  func.func @transform_2(%arg0: i32) -> (i32, i32) {
    %c0_i32 = arith.constant 0 : i32
    %c0_i32_0 = arith.constant 0 : i32
    return %arg0, %c0_i32 : i32, i32
  }
  func.func @transform_3(%arg0: i32) -> (i32, i32) {
    %c0_i32 = arith.constant 0 : i32
    %c0_i32_0 = arith.constant 0 : i32
    %c0_i32_1 = arith.constant 0 : i32
    return %c0_i32, %c0_i32_0 : i32, i32
  }
  func.func @transform_4(%arg0: i32) -> (i32, i32) {
    %c0_i32 = arith.constant 0 : i32
    %c0_i32_0 = arith.constant 0 : i32
    %c0_i32_1 = arith.constant 0 : i32
    return %c0_i32, %c0_i32_0 : i32, i32
  }
  func.func @transform_5(%arg0: i32) -> (i32, i32) {
    %c0_i32 = arith.constant 0 : i32
    %c0_i32_0 = arith.constant 0 : i32
    return %arg0, %c0_i32 : i32, i32
  }
}

module attributes {stable_mosaic.version = 14 : i64} {
  func.func @_out_body(%arg0: i32, %arg1: memref<2x1000x128xf32, #tpu.memory_space<vmem>>, %arg2: memref<2x1000x128xf32, #tpu.memory_space<vmem>>, %arg3: memref<1000x128xf32, #tpu.memory_space<vmem>>, %arg4: memref<1x128xf32, #tpu.memory_space<vmem>>, %arg5: memref<1000x128xf32, #tpu.memory_space<vmem>>) attributes {dimension_semantics = [#tpu.dimension_semantics<arbitrary>], iteration_bounds = array<i64: 10>, scalar_prefetch = 0 : i64, scratch_operands = 0 : i64, tpu.core_type = #tpu.core_type<tc>, window_params = [{transform_indices = @transform_0, window_bounds = array<i64: 2, 1000, 128>}, {transform_indices = @transform_1, window_bounds = array<i64: 2, 1000, 128>}, {transform_indices = @transform_2, window_bounds = array<i64: 1000, 128>}, {pipeline_mode = #tpu.pipeline_mode<synchronous>, transform_indices = @transform_3, window_bounds = array<i64: 1, 128>}, {transform_indices = @transform_4, window_bounds = array<i64: 1000, 128>}]} {
    %get3A = arith.constant 0 : index
    %get3A_0 = arith.constant 0 : index
    %get3A_1 = arith.constant 0 : index
    %get3A_2 = vector.load %arg1[%get3A, %get3A_0, %get3A_1] : memref<2x1000x128xf32, #tpu.memory_space<vmem>>, vector<1x1000x1xf32>
    %get3A_3 = vector.shape_cast %get3A_2 : vector<1x1000x1xf32> to vector<1000xf32>
    %add3A = arith.constant 1.000000e+00 : f32
    %add3A_4 = vector.broadcast %add3A : f32 to vector<1000xf32>
    %add3A_5 = arith.addf %add3A_4, %get3A_3 : vector<1000xf32>
    %get3A_6 = arith.constant 1 : index
    %get3A_7 = arith.constant 0 : index
    %get3A_8 = arith.constant 0 : index
    %get3A_9 = vector.load %arg1[%get3A_6, %get3A_7, %get3A_8] : memref<2x1000x128xf32, #tpu.memory_space<vmem>>, vector<1x1000x1xf32>
    %get3A_10 = vector.shape_cast %get3A_9 : vector<1x1000x1xf32> to vector<1000xf32>
    %add3A_11 = arith.addf %add3A_5, %get3A_10 : vector<1000xf32>
    %rsqrt3A = math.rsqrt %add3A_11 : vector<1000xf32>
    %get3A_12 = arith.constant 0 : index
    %get3A_13 = arith.constant 0 : index
    %get3A_14 = arith.constant 0 : index
    %get3A_15 = vector.load %arg2[%get3A_12, %get3A_13, %get3A_14] : memref<2x1000x128xf32, #tpu.memory_space<vmem>>, vector<1x1000x128xf32>
    %get3A_16 = vector.shape_cast %get3A_15 : vector<1x1000x128xf32> to vector<1000x128xf32>
    %get3A_17 = arith.constant 1 : index
    %get3A_18 = arith.constant 0 : index
    %get3A_19 = arith.constant 0 : index
    %get3A_20 = vector.load %arg2[%get3A_17, %get3A_18, %get3A_19] : memref<2x1000x128xf32, #tpu.memory_space<vmem>>, vector<1x1000x128xf32>
    %get3A_21 = vector.shape_cast %get3A_20 : vector<1x1000x128xf32> to vector<1000x128xf32>
    %add3A_22 = arith.addf %get3A_16, %get3A_21 : vector<1000x128xf32>
    %get3A_23 = arith.constant 0 : index
    %get3A_24 = arith.constant 0 : index
    %get3A_25 = vector.load %arg3[%get3A_23, %get3A_24] : memref<1000x128xf32, #tpu.memory_space<vmem>>, vector<1000x128xf32>
    %add3A_26 = arith.addf %add3A_22, %get3A_25 : vector<1000x128xf32>
    %broadcast_in_dim3A = vector.shape_cast %rsqrt3A : vector<1000xf32> to vector<1000x1xf32>
    %mul3A = vector.broadcast %broadcast_in_dim3A : vector<1000x1xf32> to vector<1000x128xf32>
    %mul3A_27 = arith.mulf %add3A_26, %mul3A : vector<1000x128xf32>
    %get3A_28 = arith.constant 0 : index
    %get3A_29 = arith.constant 0 : index
    %get3A_30 = vector.load %arg4[%get3A_28, %get3A_29] : memref<1x128xf32, #tpu.memory_space<vmem>>, vector<1x128xf32>
    %add3A_31 = vector.broadcast %get3A_30 : vector<1x128xf32> to vector<1000x128xf32>
    %add3A_32 = arith.addf %mul3A_27, %add3A_31 : vector<1000x128xf32>
    %max3A = arith.constant 0.000000e+00 : f32
    %max3A_33 = vector.broadcast %max3A : f32 to vector<1000x128xf32>
    %max3A_34 = arith.maximumf %add3A_32, %max3A_33 : vector<1000x128xf32>
    %swap3A = arith.constant 0 : index
    %swap3A_35 = arith.constant 0 : index
    %swap3A_36 = vector.load %arg5[%swap3A, %swap3A_35] : memref<1000x128xf32, #tpu.memory_space<vmem>>, vector<1000x128xf32>
    tpu.vector_store %arg5[%swap3A, %swap3A_35], %max3A_34 {strides = array<i32>} : memref<1000x128xf32, #tpu.memory_space<vmem>>, vector<1000x128xf32>,
    return
  }
  func.func @transform_0(%arg0: i32) -> (i32, i32, i32) {
    %c0_i32 = arith.constant 0 : i32
    %c0_i32_0 = arith.constant 0 : i32
    %c0_i32_1 = arith.constant 0 : i32
    return %c0_i32, %arg0, %c0_i32_0 : i32, i32, i32
  }
  func.func @transform_1(%arg0: i32) -> (i32, i32, i32) {
    %c0_i32 = arith.constant 0 : i32
    %c0_i32_0 = arith.constant 0 : i32
    %c0_i32_1 = arith.constant 0 : i32
    return %c0_i32, %arg0, %c0_i32_0 : i32, i32, i32
  }
  func.func @transform_2(%arg0: i32) -> (i32, i32) {
    %c0_i32 = arith.constant 0 : i32
    %c0_i32_0 = arith.constant 0 : i32
    return %arg0, %c0_i32 : i32, i32
  }
  func.func @transform_3(%arg0: i32) -> (i32, i32) {
    %c0_i32 = arith.constant 0 : i32
    %c0_i32_0 = arith.constant 0 : i32
    %c0_i32_1 = arith.constant 0 : i32
    return %c0_i32, %c0_i32_0 : i32, i32
  }
  func.func @transform_4(%arg0: i32) -> (i32, i32) {
    %c0_i32 = arith.constant 0 : i32
    %c0_i32_0 = arith.constant 0 : i32
    return %arg0, %c0_i32 : i32, i32
  }
}

</mosaic_0001>

<sc_bundles>
// kernel: kernel.11.cloned.1.call-start
scs
__scs_entry_jumppad:
0x0: {  	(pc) =	sbr.rel $0x88, $3  }
0x1: {  	(tag) =	ssettag $0x0;
	lr =	simm.s32 $0x1  }
0x2: {  	[smem:$0x3F9B] =	sst lr;
	_ =	strace $0xD0000000  }
0x3: {  	_ = 	snop  }
0x4: {  	_ = 	snop  }
0x5: {  	_ = 	snop  }
0x6: {  	_ = 	snop  }
0x7: {  	_ = 	snop  }
__scs_overlays_trampoline_lowered:
0x8: {  	[smem:$0x3FAA] =	sst s0  }
0x9: {  	[smem:$0x3FAB] =	sst s1  }
0xa: {  	[smem:$0x3FAC] =	sst s2  }
0xb: {  	[smem:$0x3FAD] =	sst s3  }
0xc: {  	[smem:$0x3FAE] =	sst s4  }
0xd: {  	[smem:$0x3FAF] =	sst s5  }
0xe: {  	[smem:$0x3FB0] =	sst s6  }
0xf: {  	[smem:$0x3FB1] =	sst s7  }
0x10: {  	[smem:$0x3FB2] =	sst s8  }
0x11: {  	[smem:$0x3FB3] =	sst s9;
	s0 =	simm.s32 @!p0 $0x0  }
0x12: {  	s1 =	sld [smem:$0x3F99];
	s0 =	simm.s32 @p0 $0x1  }
0x13: {  	[smem:$0x3FB4] =	sst s0;
	s0 =	simm.s32 @!p1 $0x0  }
0x14: {  	s2 =	sld [smem:$0x3F98];
	s0 =	simm.s32 @p1 $0x1  }
0x15: {  	[smem:$0x3FB5] =	sst s0;
	s0 =	simm.s32 @!p2 $0x0  }
0x16: {  	s3 =	sld [smem:$0x3FDB];
	s0 =	simm.s32 @p2 $0x1  }
0x17: {  	s4 =	simm.s32 $0x1BF5;
	[smem:$0x3FB7] =	sst s0  }
0x18: {  	s0 =	sld [smem:$0x3F9A];
	_ =	swait.ge [sflag:s4], $0x0  }
0x19: {  	s7 =	sld [smem:$0x3F9B]  }
0x1a: {  	s8 =	sadd.s32 $0xFFFFE003, lr  }
0x1b: {  	s9 =	sadd.s32 $0xFFFFFEF7, lr;
	s5 =	simm.s32 $0xFFFFFFFF;
	p2 =	slt.u32 s8, $0xFFFFF086  }
0x1c: {  	p1 =	slt.u32 s9, $0xF7A;
	s5 =	simm.s32 @!p2 $0x0  }
0x1d: {  	s5 =	simm.s32 @p1 $0x1;
	p0 =	seq.s32 s7, s2  }
0x1e: {  	s7 =	smul.u32 @!p0 $0xF7A, s2;
	p2 =	seq.s32 @!p0 s5, $0x0  }
0x1f: {  	s9 =	smul.u32 $0xF7A, s1;
	s8 =	simm.s32 @!p0 $0x1BF5;
	p2 =	por !p2, p0  }
0x20: {  	[sflag:s8] =	ssyncset.s32 @!p0 $0xFFFFF086;
	s6 =	sadd.s32 @!p0 s3, s7;
	s7 =	simm.s32 @!p0 $0x108  }
0x21: {  	s3 =	sadd.s32 s3, s9;
	s6 =	sadd.s32 @!p0 $0x88, s6;
	s7 =	simm.s32 @p2 $0x1082  }
0x22: {  	[simem:s7], [sflag:s8] =	dma.local @!p0 [hbm:s6], $0xF7A  }
0x23: {  	s9 =	sor.u32 $0xD0000000, s2;
	s6 =	simm.s32 $0x108;
	_ =	swait.ge @!p0 [sflag:s8], $0x0  }
0x24: {  	s3 =	sadd.s32 $0x88, s3;
	s6 =	simm.s32 @!p1 $0x1082;
	[sflag:s4] =	ssyncset.s32 $0xFFFFF086  }
0x25: {  	[simem:s6], [sflag:s4] =	dma.local [hbm:s3], $0xF7A  }
0x26: {  	[smem:$0x3F9B] =	sst s1;
	(tag) =	ssettag s2;
	_ =	strace s9  }
0x27: {  	s1 =	sld [smem:$0x3FAB]  }
0x28: {  	s2 =	sld [smem:$0x3FAC]  }
0x29: {  	s4 =	sld [smem:$0x3FAE]  }
0x2a: {  	p0 =	seq.s32 s5, $0x0;
	s5 =	sld [smem:$0x3FAF]  }
0x2b: {  	s6 =	sld [smem:$0x3FB0]  }
0x2c: {  	s7 =	sld [smem:$0x3FB1]  }
0x2d: {  	s3 =	simm.s32 $0x108;
	s8 =	sld [smem:$0x3FB2]  }
0x2e: {  	s3 =	simm.s32 @!p0 $0x1082;
	s9 =	sld [smem:$0x3FB3]  }
0x2f: {  	lr =	sadd.s32 s0, s3;
	s0 =	sld [smem:$0x3FAA]  }
0x30: {  	s3 =	sld [smem:$0x3FAD]  }
0x31: {  	[smem:$0x3FB6] =	sst s10  }
0x32: {  	s10 =	sld [smem:$0x3FB4];
	_ =	sdelay $0x3  }
0x33: {  	p0 =	seq.s32 s10, $0x1;
	s10 =	sld [smem:$0x3FB6];
	_ =	sdelay $0x3  }
0x34: {  	[smem:$0x3FB6] =	sst s10  }
0x35: {  	s10 =	sld [smem:$0x3FB5];
	_ =	sdelay $0x3  }
0x36: {  	p1 =	seq.s32 s10, $0x1;
	s10 =	sld [smem:$0x3FB6];
	_ =	sdelay $0x3  }
0x37: {  	[smem:$0x3FB6] =	sst s10  }
0x38: {  	s10 =	sld [smem:$0x3FB7]  }
0x39: {  	_ = 	snop;
	(pc) =	sbr.ind lr, $3  }
0x3a: {  	_ = 	snop  }
0x3b: {  	_ = 	snop  }
0x3c: {  	p2 =	seq.s32 s10, $0x1;
	s10 =	sld [smem:$0x3FB6]  }
0x3d: {  	_ =	shalt  }
0x3e: {  	_ =	shalt  }
0x3f: {  	_ =	shalt  }
0x40: {  	_ =	shalt  }
0x41: {  	_ =	shalt  }
0x42: {  	_ =	shalt  }
0x43: {  	_ =	shalt  }
0x44: {  	_ =	shalt  }
0x45: {  	_ =	shalt  }
0x46: {  	_ =	shalt  }
0x47: {  	_ =	shalt  }
0x48: {  	_ =	shalt  }
0x49: {  	_ =	shalt  }
0x4a: {  	_ =	shalt  }
0x4b: {  	_ =	shalt  }
0x4c: {  	_ =	shalt  }
0x4d: {  	_ =	shalt  }
0x4e: {  	_ =	shalt  }
0x4f: {  	_ =	shalt  }
0x50: {  	_ =	shalt  }
0x51: {  	_ =	shalt  }
0x52: {  	_ =	shalt  }
0x53: {  	_ =	shalt  }
0x54: {  	_ =	shalt  }
0x55: {  	_ =	shalt  }
0x56: {  	_ =	shalt  }
0x57: {  	_ =	shalt  }
0x58: {  	_ =	shalt  }
0x59: {  	_ =	shalt  }
0x5a: {  	_ =	shalt  }
0x5b: {  	_ =	shalt  }
0x5c: {  	_ =	shalt  }
0x5d: {  	_ =	shalt  }
0x5e: {  	_ =	shalt  }
0x5f: {  	_ =	shalt  }
0x60: {  	_ =	shalt  }
0x61: {  	_ =	shalt  }
0x62: {  	_ =	shalt  }
0x63: {  	_ =	shalt  }
0x64: {  	_ =	shalt  }
0x65: {  	_ =	shalt  }
0x66: {  	_ =	shalt  }
0x67: {  	_ =	shalt  }
0x68: {  	_ =	shalt  }
0x69: {  	_ =	shalt  }
0x6a: {  	_ =	shalt  }
0x6b: {  	_ =	shalt  }
0x6c: {  	_ =	shalt  }
0x6d: {  	_ =	shalt  }
0x6e: {  	_ =	shalt  }
0x6f: {  	_ =	shalt  }
0x70: {  	_ =	shalt  }
0x71: {  	_ =	shalt  }
0x72: {  	_ =	shalt  }
0x73: {  	_ =	shalt  }
0x74: {  	_ =	shalt  }
0x75: {  	_ =	shalt  }
0x76: {  	_ =	shalt  }
0x77: {  	_ =	shalt  }
0x78: {  	_ =	shalt  }
0x79: {  	_ =	shalt  }
0x7a: {  	_ =	shalt  }
0x7b: {  	_ =	shalt  }
0x7c: {  	_ =	shalt  }
0x7d: {  	_ =	shalt  }
0x7e: {  	_ =	shalt  }
0x7f: {  	_ =	shalt  }
0x80: {  	_ =	shalt  }
0x81: {  	_ =	shalt  }
0x82: {  	_ =	shalt  }
0x83: {  	_ =	shalt  }
0x84: {  	_ =	shalt  }
0x85: {  	_ =	shalt  }
0x86: {  	_ =	shalt  }
0x87: {  	_ =	shalt  }
.Lfunc_end0:
.L_simem_size_0:
called_computation.1_lowered:
.L_overlay_start_0:
0x88: {  	s2 =	sld [smem:$0x3FD9]  }
0x89: {  	s3 =	sld [smem:$0x3FFE];
	_ =	sdelay $0x1  }
0x8a: {  	s1 =	srdreg.scid  }
0x8b: {  	s0 =	sand.u32 $0x1, s1  }
0x8c: {  	s17 =	sshll.u32 s0, $0xA;
	s2 =	sadd.s32 s3, s2  }
0x8d: {  	s2 =	sadd.s32 s2, s17  }
0x8e: {  	[smem:$0x3FC2] =	sst s2  }
0x8f: {  	_ = 	snop  }
0x90: {  	s2 =	sld [smem:$0x3FD0];
	(tm) =	ssettm $0x1  }
0x91: {  	s18 =	sld [smem:$0x3FFB];
	_ =	sdelay $0x3  }
0x92: {  	_ =	strace s18  }
0x93: {  	s3 =	sld [smem:$0x3FFC];
	_ =	sdelay $0x3  }
0x94: {  	_ =	strace s3  }
0x95: {  	s3 =	sld [smem:$0x3FFD];
	_ =	sdelay $0x3  }
0x96: {  	_ =	strace s3  }
0x97: {  	_ =	strace $0x8FFFFFFF  }
0x98: {  	s19 =	sld [smem:$0x3FDB];
	_ =	sdelay $0x1  }
0x99: {  	s4 =	simm.s32 $_scs_section_size  }
0x9a: {  	s5 =	simm.s32 $_size__tile_overlayer_lowered;
	s6 =	simm.s32 $_tile_overlayer_lowered  }
0x9b: {  	s22 =	simm.s32 $0x1BFF;
	s21 =	sshll.u32 s6, $0x1;
	s3 =	sadd.s32 s4, s19  }
0x9c: {  	s7 =	simm.s32 $0x0;
	s20 =	sshll.u32 s5, $0x1;
	s5 =	sadd.s32 s21, s3  }
0x9d: {  	[timem:s7], [sflag:s22] =	dma.local [hbm:s5], s20  }
0x9e: {  	_ =	swait.ge [sflag:s22], s20  }
0x9f: {  	s4 =	ssub.s32 $0x0, s20;
	[sflag:s22] =	ssyncset.done $0x0  }
0xa0: {  	[sflag:s22] =	ssyncadd.s32 s4;
	_ =	sdelay $0x1  }
0xa1: {  	s23 =	simm.s32 $0x1B8B  }
0xa2: {  	_ =	swait.ge [sflag:s23], $0x1  }
0xa3: {  	[sflag:s23] =	ssyncset.done $0x0  }
0xa4: {  	s25 =	simm.s32 $0x1B8E;
	s24 =	sld [smem:$0x3FFE];
	[sflag:s23] =	ssyncadd.s32 $0xFFFFFFFF  }
0xa5: {  	s26 =	simm.s32 $execute0_lowered;
	[smem:$0x3FD2] =	sst s25  }
0xa6: {  	s5 =	sshll.u32 s26, $0x1;
	_ =	strace $0x80000049;
	[dreg:$0x1] =	wrdreg $0xFFFFFFFF  }
0xa7: {  	s28 =	simm.s32 $_size_execute0_lowered;
	s3 =	sadd.s32 s3, s5;
	[dreg:$0x0] =	wrdreg $0x0  }
0xa8: {  	s5 =	sshll.u32 s28, $0x1;
	[dreg:$0x2] =	wrdreg s3  }
0xa9: {  	[dreg:$0x3] =	wrdreg s5  }
0xaa: {  	[dreg:$0x4] =	wrdreg $0xC0  }
0xab: {  	_ =	task [dreg:s7], $0x5FFFF  }
0xac: {  	[dreg:$0x1] =	wrdreg $0xFFFFFFFF  }
0xad: {  	[dreg:$0x0] =	wrdreg $0x60  }
0xae: {  	[dreg:$0x2] =	wrdreg s24  }
0xaf: {  	[dreg:$0x3] =	wrdreg s2  }
0xb0: {  	[dreg:$0x4] =	wrdreg $0x54000  }
0xb1: {  	[dreg:$0x5] =	wrdreg $0x9  }
0xb2: {  	_ =	task.clear_ibuf [dreg:s7], $0x6FFFF;
	_ =	strace $0x90000049  }
0xb3: {  	s29 =	simm.s32 $0x9;
	_ =	strace $0x8000004B  }
0xb4: {  	_ =	swait.ge [sflag:s29], $0x1  }
0xb5: {  	[sflag:s29] =	ssyncadd.s32 $0xFFFFFFFF  }
0xb6: {  	_ =	strace $0x9000004B  }
0xb7: {  	_ =	sfence  }
0xb8: {  	s30 =	sld [smem:$0x0];
	_ =	sdelay $0x2  }
0xb9: {  	s31 =	sshll.u32 s1, $0xD;
	s1 =	sshrl.u32 s1, $0x2  }
0xba: {  	s3 =	sand.u32 $0x4000, s31;
	s1 =	sadd.s32 s1, s30  }
0xbb: {  	s0 =	sor.u32 s3, s0;
	s1 =	sshll.u32 s1, $0x11  }
0xbc: {  	s0 =	sor.u32 s1, s0  }
0xbd: {  	s0 =	sadd.s32 $0x8F2B, s0  }
0xbe: {  	[sflag:s0] =	ssyncadd.remote.s32 $0x1  }
0xbf: {  	_ =	sfence.sel $0xFFFF  }
0xc0: {  	[dreg:$0x0] =	wrdreg $0xFFFFFFFF;
	(pc) =	sbr.abs _section_cstart, $3  }
0xc1: {  	[dreg:$0x1] =	wrdreg $0xFFFFFFFF  }
0xc2: {  	_ =	task.clear_ibuf [dreg:s7], $0x2FFFF;
	_ =	strace $0x9FFFFFFF  }
0xc3: {  	(tm) =	ssettm $0x7FFFFFFF  }
tec
execute0_lowered:
.L_overlay_start_1:
0x0: {  	(tag) =	ssettag $0x1  }
0x1: {  	s0 =	rddreg [dreg:$0x0]  }
0x2: {  	s1 =	rddreg [dreg:$0x1]  }
0x3: {  	s2 =	rddreg [dreg:$0x2]  }
0x4: {  	s4 =	simm.s32 $0x0;
	s3 =	srdreg.scid;
	s12 =	stileid.u32  }
0x5: {  	s16 =	simm.s32 $0x7;
	s17 =	simm.s32 $0x200;
	s28 =	simm.s32 $0x280  }
0x6: {  	s29 =	simm.s32 $0x6;
	s30 =	simm.s32 $0x180;
	s31 =	simm.s32 $0x3  }
0x7: {  	[smem:$0x7FF] =	sst s4;
	s5 =	sadd.s32 $0x54C00, s0;
	s6 =	smul.u32 $0x2800, s12  }
0x8: {  	s3 =	sand.u32 $0x1, s3;
	s7 =	sadd.s32 $0x2400, s0;
	s10 =	smul.u32 $0x50000, s12  }
0x9: {  	s21 =	sshll.u32 s12, $0x6;
	s25 =	smul.u32 $0xFA0, s12;
	_ =	strace $0x8000004A  }
0xa: {  	[dreg:$0x4] =	wrdreg s7;
	s18 =	smul.u32 $0x28000, s3;
	s8 =	sshll.u32 s3, $0x4  }
0xb: {  	s9 =	ssub.s32 $0x2, s3;
	s3 =	smul.u32 $0xFA00, s3;
	s8 =	sor.u32 s12, s8  }
0xc: {  	s19 =	sshrl.u32 s9, $0x1;
	s20 =	sshrl.u32 s10, $0x2;
	s11 =	smul.u32 $0x7D00, s8  }
0xd: {  	s6 =	sadd.s32 s6, s18;
	s7 =	ssub.s32 s9, s19;
	s8 =	smul.u32 $0xFA0, s8  }
0xe: {  	s15 =	sadd.s32 s20, s2;
	s26 =	sadd.s32 s3, s5;
	s18 =	simm.s32 $0x100  }
0xf: {  	s19 =	simm.s32 $0x300;
	s20 =	simm.s32 $0x50;
	s3 =	simm.s32 $0x5  }
0x10: {  	s0 =	sadd.s32 s6, s0;
	s6 =	sor.u32 $0x1C07, s21;
	s13 =	smax.u32 s7, $0x1  }
0x11: {  	s14 =	sadd.s32 s25, s26;
	s15 =	sshrl.u32 s15, $0x3;
	s21 =	simm.s32 $0x400  }
0x12: {  	s25 =	simm.s32 $0x4;
	s26 =	simm.s32 $0x2;
	s22 =	sshrl.u32 s11, $0x3  }
0x13: {  	s8 =	sadd.s32 s5, s8;
	s12 =	sadd.s32 $0x4C00, s0;
	s0 =	simm.s32 $0x380  }
0x14: {  	s11 =	sadd.s32 s5, s22;
	[dreg:$0x5] =	wrdreg s8;
	s22 =	simm.s32 $0x2C00  }
0x15: {  	s5 =	simm.s32 $0x0;
	s23 =	sadd.s32 $0x20, s11;
	s24 =	sadd.s32 $0x40, s11  }
0x16: {  	s10 =	sadd.s32 $0x60, s11;
	s11 =	sadd.s32 $0xF80, s11;
	[dreg:$0x6] =	wrdreg s23  }
0x17: {  	[dreg:$0x7] =	wrdreg s24;
	s23 =	simm.s32 $0x1;
	s24 =	simm.s32 $0x80  }
.LBB2_1:
0x18: {  	s7 =	rddreg [dreg:$0x4]  }
0x19: {  	[spmem:s15], [sflag:s6] =	dma.local [hbm:s7], $0x2800  }
0x1a: {  	_ =	swait.ge [sflag:s16], $0x2800  }
0x1b: {  	[sflag:s16] =	ssyncset.done $0x0  }
0x1c: {  	[sflag:s16] =	ssyncadd.s32 $0xFFFFD800  }
0x1d: {  	[bflag:$0x0] =	sbarrier.arrive $0xFFFF  }
0x1e: {  	s8 =	rddreg [dreg:$0x5]  }
0x1f: {  	[tilespmem:s4], [sflag:$0x7] =	stream.linear.gather [hbm4b:s8+s4], $0x100, $0x38;
	[tilespmem:$0x19400] =	vst v63  }
0x20: {  	_ =	swait.ge [sflag:s16], $0x100  }
0x21: {  	[sflag:s16] =	ssyncset.done $0x0  }
0x22: {  	s9 =	rddreg [dreg:$0x6];
	[sflag:s16] =	ssyncadd.s32 $0xFFFFFF00  }
0x23: {  	[tilespmem:s17], [sflag:$0x7] =	stream.linear.gather [hbm4b:s9+s4], $0x100, $0x38;
	[tilespmem:$0x19400] =	vst v63  }
0x24: {  	_ =	swait.ge [sflag:s16], $0x100  }
0x25: {  	[sflag:s16] =	ssyncset.done $0x0  }
0x26: {  	s8 =	rddreg [dreg:$0x7];
	[sflag:s16] =	ssyncadd.s32 $0xFFFFFF00  }
0x27: {  	[tilespmem:s18], [sflag:$0x4] =	stream.linear.gather [hbm4b:s8+s4], $0x100, $0x38;
	[tilespmem:$0x19400] =	vst v63  }
0x28: {  	_ = 	snop  }
0x29: {  	[tilespmem:s19], [sflag:$0x6] =	stream.linear.gather [hbm4b:s10+s4], $0x100, $0x38;
	[tilespmem:$0x19400] =	vst v63  }
0x2a: {  	_ = 	snop  }
0x2b: {  	[tilespmem:s21], [sflag:$0x1] =	stream.indirect.gather [hbm4b:s1+s20], $0x80, s4, s20, $0xb8;
	[tilespmem:$0x19400] =	vst v63  }
0x2c: {  	_ = 	snop  }
0x2d: {  	[tilespmem:s22], [sflag:$0x2] =	stream.indirect.gather [hbm4b:s1+s20], $0x80, s17, s20, $0xb8;
	[tilespmem:$0x19400] =	vst v63  }
0x2e: {  	_ =	swait.ge [sflag:s23], $0x2800  }
0x2f: {  	[sflag:s23] =	ssyncset.done $0x0  }
0x30: {  	[sflag:s23] =	ssyncadd.s32 $0xFFFFD800  }
0x31: {  	[spmem:s2] =	stream.indirect.scatter.add.f32 [tilespmem:s21], [sflag:$0x7], $0x80, s24, s20, $0xb8;
	[tilespmem:$0x19400] =	vst v63  }
0x32: {  	_ =	swait.ge [sflag:s16], $0x2800  }
0x33: {  	[sflag:s16] =	ssyncset.done $0x0  }
0x34: {  	[sflag:s16] =	ssyncadd.s32 $0xFFFFD800  }
0x35: {  	_ =	swait.ge [sflag:s25], $0x100  }
0x36: {  	[sflag:s25] =	ssyncset.done $0x0  }
0x37: {  	s8 =	sadd.s32 $0x0, s14;
	[sflag:s25] =	ssyncadd.s32 $0xFFFFFF00  }
0x38: {  	[tilespmem:s21], [sflag:$0x1] =	stream.indirect.gather [hbm4b:s1+s20], $0x80, s18, s20, $0xb8;
	[tilespmem:$0x19400] =	vst v63  }
0x39: {  	s9 =	sadd.s32 $0x80, s8  }
0x3a: {  	[tilespmem:s4], [sflag:$0x3] =	stream.linear.gather [hbm4b:s9+s4], $0x100, $0x38;
	[tilespmem:$0x19400] =	vst v63  }
0x3b: {  	_ =	swait.ge [sflag:s26], $0x2800  }
0x3c: {  	[sflag:s26] =	ssyncset.done $0x0  }
0x3d: {  	[sflag:s26] =	ssyncadd.s32 $0xFFFFD800  }
0x3e: {  	[spmem:s2] =	stream.indirect.scatter.add.f32 [tilespmem:s22], [sflag:$0x7], $0x80, s28, s20, $0xb8;
	[tilespmem:$0x19400] =	vst v63  }
0x3f: {  	_ =	swait.ge [sflag:s16], $0x2800  }
0x40: {  	[sflag:s16] =	ssyncset.done $0x0  }
0x41: {  	[sflag:s16] =	ssyncadd.s32 $0xFFFFD800  }
0x42: {  	_ =	swait.ge [sflag:s29], $0x100  }
0x43: {  	[sflag:s29] =	ssyncset.done $0x0  }
0x44: {  	[sflag:s29] =	ssyncadd.s32 $0xFFFFFF00  }
0x45: {  	[tilespmem:s22], [sflag:$0x2] =	stream.indirect.gather [hbm4b:s1+s20], $0x80, s19, s20, $0xb8;
	[tilespmem:$0x19400] =	vst v63  }
0x46: {  	s9 =	sadd.s32 $0xA0, s8  }
0x47: {  	[tilespmem:s17], [sflag:$0x5] =	stream.linear.gather [hbm4b:s9+s4], $0x100, $0x38;
	[tilespmem:$0x19400] =	vst v63  }
0x48: {  	_ =	swait.ge [sflag:s23], $0x2800  }
0x49: {  	[sflag:s23] =	ssyncset.done $0x0  }
0x4a: {  	[sflag:s23] =	ssyncadd.s32 $0xFFFFD800  }
0x4b: {  	[spmem:s2] =	stream.indirect.scatter.add.f32 [tilespmem:s21], [sflag:$0x7], $0x80, s30, s20, $0xb8;
	[tilespmem:$0x19400] =	vst v63  }
0x4c: {  	_ =	swait.ge [sflag:s16], $0x2800  }
0x4d: {  	[sflag:s16] =	ssyncset.done $0x0  }
0x4e: {  	[sflag:s16] =	ssyncadd.s32 $0xFFFFD800  }
0x4f: {  	_ =	swait.ge [sflag:s31], $0x100  }
0x50: {  	[sflag:s31] =	ssyncset.done $0x0  }
0x51: {  	[sflag:s31] =	ssyncadd.s32 $0xFFFFFF00  }
0x52: {  	[tilespmem:s21], [sflag:$0x1] =	stream.indirect.gather [hbm4b:s1+s20], $0x80, s4, s20, $0xb8;
	[tilespmem:$0x19400] =	vst v63  }
0x53: {  	s9 =	sadd.s32 $0xC0, s8  }
0x54: {  	[tilespmem:s18], [sflag:$0x4] =	stream.linear.gather [hbm4b:s9+s4], $0x100, $0x38;
	[tilespmem:$0x19400] =	vst v63  }
0x55: {  	_ =	swait.ge [sflag:s26], $0x2800  }
0x56: {  	[sflag:s26] =	ssyncset.done $0x0  }
0x57: {  	[sflag:s26] =	ssyncadd.s32 $0xFFFFD800  }
0x58: {  	[spmem:s2] =	stream.indirect.scatter.add.f32 [tilespmem:s22], [sflag:$0x7], $0x80, s0, s20, $0xb8;
	[tilespmem:$0x19400] =	vst v63  }
0x59: {  	_ =	swait.ge [sflag:s16], $0x2800  }
0x5a: {  	[sflag:s16] =	ssyncset.done $0x0  }
0x5b: {  	[sflag:s16] =	ssyncadd.s32 $0xFFFFD800  }
0x5c: {  	_ =	swait.ge [sflag:s3], $0x100  }
0x5d: {  	[sflag:s3] =	ssyncset.done $0x0  }
0x5e: {  	s7 =	simm.s32 $0x80;
	s8 =	sadd.s32 $0xE0, s8;
	[sflag:s3] =	ssyncadd.s32 $0xFFFFFF00  }
0x5f: {  	[tilespmem:s22], [sflag:$0x2] =	stream.indirect.gather [hbm4b:s1+s20], $0x80, s17, s20, $0xb8;
	[tilespmem:$0x19400] =	vst v63  }
.LBB2_2:
0x60: {  	[tilespmem:s19], [sflag:$0x6] =	stream.linear.gather [hbm4b:s8+s4], $0x100, $0x38;
	[tilespmem:$0x19400] =	vst v63  }
0x61: {  	s8 =	smov.u32 s7  }
0x62: {  	p0 =	sne.s32 s7, $0xE80;
	s7 =	sadd.s32 $0x80, s7;
	_ =	swait.ge [sflag:s23], $0x2800  }
0x63: {  	[sflag:s23] =	ssyncset.done $0x0  }
0x64: {  	[sflag:s23] =	ssyncadd.s32 $0xFFFFD800  }
0x65: {  	[spmem:s2] =	stream.indirect.scatter.add.f32 [tilespmem:s21], [sflag:$0x7], $0x80, s24, s20, $0xb8;
	[tilespmem:$0x19400] =	vst v63  }
0x66: {  	_ =	swait.ge [sflag:s16], $0x2800  }
0x67: {  	[sflag:s16] =	ssyncset.done $0x0  }
0x68: {  	[sflag:s16] =	ssyncadd.s32 $0xFFFFD800  }
0x69: {  	_ =	swait.ge [sflag:s25], $0x100  }
0x6a: {  	[sflag:s25] =	ssyncset.done $0x0  }
0x6b: {  	s8 =	sadd.s32 s8, s14;
	[sflag:s25] =	ssyncadd.s32 $0xFFFFFF00  }
0x6c: {  	[tilespmem:s21], [sflag:$0x1] =	stream.indirect.gather [hbm4b:s1+s20], $0x80, s18, s20, $0xb8;
	[tilespmem:$0x19400] =	vst v63  }
0x6d: {  	s9 =	sadd.s32 $0x80, s8  }
0x6e: {  	[tilespmem:s4], [sflag:$0x3] =	stream.linear.gather [hbm4b:s9+s4], $0x100, $0x38;
	[tilespmem:$0x19400] =	vst v63  }
0x6f: {  	_ =	swait.ge [sflag:s26], $0x2800  }
0x70: {  	[sflag:s26] =	ssyncset.done $0x0  }
0x71: {  	[sflag:s26] =	ssyncadd.s32 $0xFFFFD800  }
0x72: {  	[spmem:s2] =	stream.indirect.scatter.add.f32 [tilespmem:s22], [sflag:$0x7], $0x80, s28, s20, $0xb8;
	[tilespmem:$0x19400] =	vst v63  }
0x73: {  	_ =	swait.ge [sflag:s16], $0x2800  }
0x74: {  	[sflag:s16] =	ssyncset.done $0x0  }
0x75: {  	[sflag:s16] =	ssyncadd.s32 $0xFFFFD800  }
0x76: {  	_ =	swait.ge [sflag:s29], $0x100  }
0x77: {  	[sflag:s29] =	ssyncset.done $0x0  }
0x78: {  	[sflag:s29] =	ssyncadd.s32 $0xFFFFFF00  }
0x79: {  	[tilespmem:s22], [sflag:$0x2] =	stream.indirect.gather [hbm4b:s1+s20], $0x80, s19, s20, $0xb8;
	[tilespmem:$0x19400] =	vst v63  }
0x7a: {  	s9 =	sadd.s32 $0xA0, s8  }
0x7b: {  	[tilespmem:s17], [sflag:$0x5] =	stream.linear.gather [hbm4b:s9+s4], $0x100, $0x38;
	[tilespmem:$0x19400] =	vst v63  }
0x7c: {  	_ =	swait.ge [sflag:s23], $0x2800  }
0x7d: {  	[sflag:s23] =	ssyncset.done $0x0  }
0x7e: {  	[sflag:s23] =	ssyncadd.s32 $0xFFFFD800  }
0x7f: {  	[spmem:s2] =	stream.indirect.scatter.add.f32 [tilespmem:s21], [sflag:$0x7], $0x80, s30, s20, $0xb8;
	[tilespmem:$0x19400] =	vst v63  }
0x80: {  	_ =	swait.ge [sflag:s16], $0x2800  }
0x81: {  	[sflag:s16] =	ssyncset.done $0x0  }
0x82: {  	[sflag:s16] =	ssyncadd.s32 $0xFFFFD800  }
0x83: {  	_ =	swait.ge [sflag:s31], $0x100  }
0x84: {  	[sflag:s31] =	ssyncset.done $0x0  }
0x85: {  	[sflag:s31] =	ssyncadd.s32 $0xFFFFFF00  }
0x86: {  	[tilespmem:s21], [sflag:$0x1] =	stream.indirect.gather [hbm4b:s1+s20], $0x80, s4, s20, $0xb8;
	[tilespmem:$0x19400] =	vst v63  }
0x87: {  	s9 =	sadd.s32 $0xC0, s8  }
0x88: {  	[tilespmem:s18], [sflag:$0x4] =	stream.linear.gather [hbm4b:s9+s4], $0x100, $0x38;
	[tilespmem:$0x19400] =	vst v63  }
0x89: {  	_ =	swait.ge [sflag:s26], $0x2800  }
0x8a: {  	[sflag:s26] =	ssyncset.done $0x0  }
0x8b: {  	[sflag:s26] =	ssyncadd.s32 $0xFFFFD800  }
0x8c: {  	[spmem:s2] =	stream.indirect.scatter.add.f32 [tilespmem:s22], [sflag:$0x7], $0x80, s0, s20, $0xb8;
	[tilespmem:$0x19400] =	vst v63  }
0x8d: {  	_ =	swait.ge [sflag:s16], $0x2800  }
0x8e: {  	[sflag:s16] =	ssyncset.done $0x0  }
0x8f: {  	[sflag:s16] =	ssyncadd.s32 $0xFFFFD800  }
.Ltmp0:
0x90: {  	_ =	swait.ge [sflag:s3], $0x100;
	(pc) =	sbr.rel @p0 .LBB2_2-.Ltmp0, $4  }
0x91: {  	[sflag:s3] =	ssyncset.done $0x0  }
0x92: {  	[sflag:s3] =	ssyncadd.s32 $0xFFFFFF00  }
0x93: {  	[tilespmem:s22], [sflag:$0x2] =	stream.indirect.gather [hbm4b:s1+s20], $0x80, s17, s20, $0xb8;
	[tilespmem:$0x19400] =	vst v63  }
0x94: {  	s8 =	sadd.s32 $0xE0, s8  }
0x95: {  	[tilespmem:s19], [sflag:$0x6] =	stream.linear.gather [hbm4b:s8+s4], $0x100, $0x38;
	[tilespmem:$0x19400] =	vst v63  }
0x96: {  	_ =	swait.ge [sflag:s23], $0x2800  }
0x97: {  	[sflag:s23] =	ssyncset.done $0x0  }
0x98: {  	[sflag:s23] =	ssyncadd.s32 $0xFFFFD800  }
0x99: {  	[spmem:s2] =	stream.indirect.scatter.add.f32 [tilespmem:s21], [sflag:$0x7], $0x80, s24, s20, $0xb8;
	[tilespmem:$0x19400] =	vst v63  }
0x9a: {  	_ =	swait.ge [sflag:s16], $0x2800  }
0x9b: {  	[sflag:s16] =	ssyncset.done $0x0  }
0x9c: {  	[sflag:s16] =	ssyncadd.s32 $0xFFFFD800  }
0x9d: {  	_ =	swait.ge [sflag:s25], $0x100  }
0x9e: {  	[sflag:s25] =	ssyncset.done $0x0  }
0x9f: {  	[sflag:s25] =	ssyncadd.s32 $0xFFFFFF00  }
0xa0: {  	[tilespmem:s21], [sflag:$0x1] =	stream.indirect.gather [hbm4b:s1+s20], $0x80, s18, s20, $0xb8;
	[tilespmem:$0x19400] =	vst v63  }
0xa1: {  	_ = 	snop  }
0xa2: {  	[tilespmem:s4], [sflag:$0x3] =	stream.linear.gather [hbm4b:s11+s4], $0x100, $0x38;
	[tilespmem:$0x19400] =	vst v63  }
0xa3: {  	_ =	swait.ge [sflag:s26], $0x2800  }
0xa4: {  	[sflag:s26] =	ssyncset.done $0x0  }
0xa5: {  	[sflag:s26] =	ssyncadd.s32 $0xFFFFD800  }
0xa6: {  	[spmem:s2] =	stream.indirect.scatter.add.f32 [tilespmem:s22], [sflag:$0x7], $0x80, s28, s20, $0xb8;
	[tilespmem:$0x19400] =	vst v63  }
0xa7: {  	_ =	swait.ge [sflag:s16], $0x2800  }
0xa8: {  	[sflag:s16] =	ssyncset.done $0x0  }
0xa9: {  	[sflag:s16] =	ssyncadd.s32 $0xFFFFD800  }
0xaa: {  	_ =	swait.ge [sflag:s29], $0x100  }
0xab: {  	[sflag:s29] =	ssyncset.done $0x0  }
0xac: {  	[sflag:s29] =	ssyncadd.s32 $0xFFFFFF00  }
0xad: {  	[tilespmem:s22], [sflag:$0x2] =	stream.indirect.gather [hbm4b:s1+s20], $0x80, s19, s20, $0xb8;
	[tilespmem:$0x19400] =	vst v63  }
0xae: {  	_ =	swait.ge [sflag:s23], $0x2800  }
0xaf: {  	[sflag:s23] =	ssyncset.done $0x0  }
0xb0: {  	[sflag:s23] =	ssyncadd.s32 $0xFFFFD800  }
0xb1: {  	[spmem:s2] =	stream.indirect.scatter.add.f32 [tilespmem:s21], [sflag:$0x7], $0x80, s30, s20, $0xb8;
	[tilespmem:$0x19400] =	vst v63  }
0xb2: {  	_ =	swait.ge [sflag:s16], $0x2800  }
0xb3: {  	[sflag:s16] =	ssyncset.done $0x0  }
0xb4: {  	[sflag:s16] =	ssyncadd.s32 $0xFFFFD800  }
0xb5: {  	_ =	swait.ge [sflag:s31], $0x100  }
0xb6: {  	[sflag:s31] =	ssyncset.done $0x0  }
0xb7: {  	[sflag:s31] =	ssyncadd.s32 $0xFFFFFF00  }
0xb8: {  	[tilespmem:s21], [sflag:$0x1] =	stream.indirect.gather [hbm4b:s1+s20], $0x80, s4, s20, $0xb8;
	[tilespmem:$0x19400] =	vst v63  }
0xb9: {  	_ =	swait.ge [sflag:s26], $0x2800  }
0xba: {  	[sflag:s26] =	ssyncset.done $0x0  }
0xbb: {  	[sflag:s26] =	ssyncadd.s32 $0xFFFFD800  }
0xbc: {  	[spmem:s2] =	stream.indirect.scatter.add.f32 [tilespmem:s22], [sflag:$0x7], $0x80, s0, s20, $0xb8;
	[tilespmem:$0x19400] =	vst v63  }
0xbd: {  	_ =	swait.ge [sflag:s16], $0x2800  }
0xbe: {  	[sflag:s16] =	ssyncset.done $0x0  }
0xbf: {  	[sflag:s16] =	ssyncadd.s32 $0xFFFFD800  }
0xc0: {  	_ =	swait.ge [sflag:s23], $0x2800  }
0xc1: {  	[sflag:s23] =	ssyncset.done $0x0  }
0xc2: {  	[sflag:s23] =	ssyncadd.s32 $0xFFFFD800  }
0xc3: {  	[spmem:s2] =	stream.indirect.scatter.add.f32 [tilespmem:s21], [sflag:$0x7], $0x80, s24, s20, $0xb8;
	[tilespmem:$0x19400] =	vst v63  }
0xc4: {  	_ =	swait.ge [sflag:s16], $0x2800  }
0xc5: {  	s5 =	sadd.s32 $0x1, s5;
	[sflag:s16] =	ssyncset.done $0x0  }
0xc6: {  	p0 =	sne.s32 s5, s13;
	[sflag:s16] =	ssyncadd.s32 $0xFFFFD800  }
.Ltmp1:
0xc7: {  	[bflag:$0x0] =	sbarrier.arrive $0xFFFF;
	(pc) =	sbr.rel @p0 .LBB2_1-.Ltmp1, $4  }
0xc8: {  	[hbm:s12], [sflag:s6] =	dma.local [spmem:s15], $0x2800  }
0xc9: {  	_ =	swait.ge [sflag:s16], $0x2800  }
0xca: {  	[sflag:s16] =	ssyncset.done $0x0  }
0xcb: {  	[sflag:s16] =	ssyncadd.s32 $0xFFFFD800  }
0xcc: {  	_ =	sfence.sel $0x180000  }
0xcd: {  	[bflag:$0x0] =	sbarrier.arrive $0xFFFF  }
0xce: {  	_ =	strace $0x9000004A  }
0xcf: {  	s0 =	stileid.u32;
	[bflag:$0x2] =	sbarrier.arrive $0xFFFF  }
0xd0: {  	p0 =	sne.s32 s0, $0x0;
	s0 =	rddreg [dreg:$0x3]  }
0xd1: {  	s0 =	sadd.s32 @!p0 $0x100000, s0  }
0xd2: {  	[sflag:s0] =	ssyncadd.tile.s32 @!p0 $0x1;
	_ =	shalt  }
.Lfunc_end2:
_tile_overlayer_lowered:
.L_overlay_start_2:
0xd3: {  	(tag) =	ssettag $0x2  }
0xd4: {  	s0 =	rddreg [dreg:$0x0];
	s2 =	stileid.u32  }
0xd5: {  	s1 =	rddreg [dreg:$0x1];
	p0 =	sne.s32 s2, $0x0  }
0xd6: {  	s3 =	rddreg [dreg:$0x2];
	[bflag:$0x3] =	sbarrier.arrive $0xFFFF;
	s2 =	simm.s32 @!p0 $0x1C07  }
0xd7: {  	[timem:s3], [sflag:s2] =	dma.local @!p0 [hbm:s0], s1  }
0xd8: {  	s0 =	simm.s32 @!p0 $0x7  }
0xd9: {  	_ =	swait.ge @!p0 [sflag:s0], s1  }
0xda: {  	s1 =	ssub.s32 @!p0 $0x0, s1;
	[sflag:s0] =	ssyncset.done @!p0 $0x0  }
0xdb: {  	[sflag:s0] =	ssyncadd.s32 @!p0 s1  }
0xdc: {  	[bflag:$0x3] =	sbarrier.arrive $0xFFFF  }
0xdd: {  	_ =	shalt  }

// kernel: kernel.14.cloned.1.call-start
scs
__scs_entry_jumppad:
0x0: {  	(pc) =	sbr.rel $0x88, $3  }
0x1: {  	(tag) =	ssettag $0x0;
	lr =	simm.s32 $0x1  }
0x2: {  	[smem:$0x3F9B] =	sst lr;
	_ =	strace $0xD0000000  }
0x3: {  	_ = 	snop  }
0x4: {  	_ = 	snop  }
0x5: {  	_ = 	snop  }
0x6: {  	_ = 	snop  }
0x7: {  	_ = 	snop  }
__scs_overlays_trampoline_lowered:
0x8: {  	[smem:$0x3FAA] =	sst s0  }
0x9: {  	[smem:$0x3FAB] =	sst s1  }
0xa: {  	[smem:$0x3FAC] =	sst s2  }
0xb: {  	[smem:$0x3FAD] =	sst s3  }
0xc: {  	[smem:$0x3FAE] =	sst s4  }
0xd: {  	[smem:$0x3FAF] =	sst s5  }
0xe: {  	[smem:$0x3FB0] =	sst s6  }
0xf: {  	[smem:$0x3FB1] =	sst s7  }
0x10: {  	[smem:$0x3FB2] =	sst s8  }
0x11: {  	[smem:$0x3FB3] =	sst s9;
	s0 =	simm.s32 @!p0 $0x0  }
0x12: {  	s1 =	sld [smem:$0x3F99];
	s0 =	simm.s32 @p0 $0x1  }
0x13: {  	[smem:$0x3FB4] =	sst s0;
	s0 =	simm.s32 @!p1 $0x0  }
0x14: {  	s2 =	sld [smem:$0x3F98];
	s0 =	simm.s32 @p1 $0x1  }
0x15: {  	[smem:$0x3FB5] =	sst s0;
	s0 =	simm.s32 @!p2 $0x0  }
0x16: {  	s3 =	sld [smem:$0x3FDB];
	s0 =	simm.s32 @p2 $0x1  }
0x17: {  	s4 =	simm.s32 $0x1BF5;
	[smem:$0x3FB7] =	sst s0  }
0x18: {  	s0 =	sld [smem:$0x3F9A];
	_ =	swait.ge [sflag:s4], $0x0  }
0x19: {  	s7 =	sld [smem:$0x3F9B]  }
0x1a: {  	s8 =	sadd.s32 $0xFFFFE003, lr  }
0x1b: {  	s9 =	sadd.s32 $0xFFFFFEF7, lr;
	s5 =	simm.s32 $0xFFFFFFFF;
	p2 =	slt.u32 s8, $0xFFFFF086  }
0x1c: {  	p1 =	slt.u32 s9, $0xF7A;
	s5 =	simm.s32 @!p2 $0x0  }
0x1d: {  	s5 =	simm.s32 @p1 $0x1;
	p0 =	seq.s32 s7, s2  }
0x1e: {  	s7 =	smul.u32 @!p0 $0xF7A, s2;
	p2 =	seq.s32 @!p0 s5, $0x0  }
0x1f: {  	s9 =	smul.u32 $0xF7A, s1;
	s8 =	simm.s32 @!p0 $0x1BF5;
	p2 =	por !p2, p0  }
0x20: {  	[sflag:s8] =	ssyncset.s32 @!p0 $0xFFFFF086;
	s6 =	sadd.s32 @!p0 s3, s7;
	s7 =	simm.s32 @!p0 $0x108  }
0x21: {  	s3 =	sadd.s32 s3, s9;
	s6 =	sadd.s32 @!p0 $0x88, s6;
	s7 =	simm.s32 @p2 $0x1082  }
0x22: {  	[simem:s7], [sflag:s8] =	dma.local @!p0 [hbm:s6], $0xF7A  }
0x23: {  	s9 =	sor.u32 $0xD0000000, s2;
	s6 =	simm.s32 $0x108;
	_ =	swait.ge @!p0 [sflag:s8], $0x0  }
0x24: {  	s3 =	sadd.s32 $0x88, s3;
	s6 =	simm.s32 @!p1 $0x1082;
	[sflag:s4] =	ssyncset.s32 $0xFFFFF086  }
0x25: {  	[simem:s6], [sflag:s4] =	dma.local [hbm:s3], $0xF7A  }
0x26: {  	[smem:$0x3F9B] =	sst s1;
	(tag) =	ssettag s2;
	_ =	strace s9  }
0x27: {  	s1 =	sld [smem:$0x3FAB]  }
0x28: {  	s2 =	sld [smem:$0x3FAC]  }
0x29: {  	s4 =	sld [smem:$0x3FAE]  }
0x2a: {  	p0 =	seq.s32 s5, $0x0;
	s5 =	sld [smem:$0x3FAF]  }
0x2b: {  	s6 =	sld [smem:$0x3FB0]  }
0x2c: {  	s7 =	sld [smem:$0x3FB1]  }
0x2d: {  	s3 =	simm.s32 $0x108;
	s8 =	sld [smem:$0x3FB2]  }
0x2e: {  	s3 =	simm.s32 @!p0 $0x1082;
	s9 =	sld [smem:$0x3FB3]  }
0x2f: {  	lr =	sadd.s32 s0, s3;
	s0 =	sld [smem:$0x3FAA]  }
0x30: {  	s3 =	sld [smem:$0x3FAD]  }
0x31: {  	[smem:$0x3FB6] =	sst s10  }
0x32: {  	s10 =	sld [smem:$0x3FB4];
	_ =	sdelay $0x3  }
0x33: {  	p0 =	seq.s32 s10, $0x1;
	s10 =	sld [smem:$0x3FB6];
	_ =	sdelay $0x3  }
0x34: {  	[smem:$0x3FB6] =	sst s10  }
0x35: {  	s10 =	sld [smem:$0x3FB5];
	_ =	sdelay $0x3  }
0x36: {  	p1 =	seq.s32 s10, $0x1;
	s10 =	sld [smem:$0x3FB6];
	_ =	sdelay $0x3  }
0x37: {  	[smem:$0x3FB6] =	sst s10  }
0x38: {  	s10 =	sld [smem:$0x3FB7]  }
0x39: {  	_ = 	snop;
	(pc) =	sbr.ind lr, $3  }
0x3a: {  	_ = 	snop  }
0x3b: {  	_ = 	snop  }
0x3c: {  	p2 =	seq.s32 s10, $0x1;
	s10 =	sld [smem:$0x3FB6]  }
0x3d: {  	_ =	shalt  }
0x3e: {  	_ =	shalt  }
0x3f: {  	_ =	shalt  }
0x40: {  	_ =	shalt  }
0x41: {  	_ =	shalt  }
0x42: {  	_ =	shalt  }
0x43: {  	_ =	shalt  }
0x44: {  	_ =	shalt  }
0x45: {  	_ =	shalt  }
0x46: {  	_ =	shalt  }
0x47: {  	_ =	shalt  }
0x48: {  	_ =	shalt  }
0x49: {  	_ =	shalt  }
0x4a: {  	_ =	shalt  }
0x4b: {  	_ =	shalt  }
0x4c: {  	_ =	shalt  }
0x4d: {  	_ =	shalt  }
0x4e: {  	_ =	shalt  }
0x4f: {  	_ =	shalt  }
0x50: {  	_ =	shalt  }
0x51: {  	_ =	shalt  }
0x52: {  	_ =	shalt  }
0x53: {  	_ =	shalt  }
0x54: {  	_ =	shalt  }
0x55: {  	_ =	shalt  }
0x56: {  	_ =	shalt  }
0x57: {  	_ =	shalt  }
0x58: {  	_ =	shalt  }
0x59: {  	_ =	shalt  }
0x5a: {  	_ =	shalt  }
0x5b: {  	_ =	shalt  }
0x5c: {  	_ =	shalt  }
0x5d: {  	_ =	shalt  }
0x5e: {  	_ =	shalt  }
0x5f: {  	_ =	shalt  }
0x60: {  	_ =	shalt  }
0x61: {  	_ =	shalt  }
0x62: {  	_ =	shalt  }
0x63: {  	_ =	shalt  }
0x64: {  	_ =	shalt  }
0x65: {  	_ =	shalt  }
0x66: {  	_ =	shalt  }
0x67: {  	_ =	shalt  }
0x68: {  	_ =	shalt  }
0x69: {  	_ =	shalt  }
0x6a: {  	_ =	shalt  }
0x6b: {  	_ =	shalt  }
0x6c: {  	_ =	shalt  }
0x6d: {  	_ =	shalt  }
0x6e: {  	_ =	shalt  }
0x6f: {  	_ =	shalt  }
0x70: {  	_ =	shalt  }
0x71: {  	_ =	shalt  }
0x72: {  	_ =	shalt  }
0x73: {  	_ =	shalt  }
0x74: {  	_ =	shalt  }
0x75: {  	_ =	shalt  }
0x76: {  	_ =	shalt  }
0x77: {  	_ =	shalt  }
0x78: {  	_ =	shalt  }
0x79: {  	_ =	shalt  }
0x7a: {  	_ =	shalt  }
0x7b: {  	_ =	shalt  }
0x7c: {  	_ =	shalt  }
0x7d: {  	_ =	shalt  }
0x7e: {  	_ =	shalt  }
0x7f: {  	_ =	shalt  }
0x80: {  	_ =	shalt  }
0x81: {  	_ =	shalt  }
0x82: {  	_ =	shalt  }
0x83: {  	_ =	shalt  }
0x84: {  	_ =	shalt  }
0x85: {  	_ =	shalt  }
0x86: {  	_ =	shalt  }
0x87: {  	_ =	shalt  }
.Lfunc_end0:
.L_simem_size_0:
called_computation.2_lowered:
.L_overlay_start_0:
0x88: {  	s2 =	sld [smem:$0x3FD9]  }
0x89: {  	s3 =	sld [smem:$0x3FFE];
	_ =	sdelay $0x1  }
0x8a: {  	s1 =	srdreg.scid  }
0x8b: {  	s0 =	sand.u32 $0x1, s1  }
0x8c: {  	s17 =	sshll.u32 s0, $0xA;
	s2 =	sadd.s32 s3, s2  }
0x8d: {  	s2 =	sadd.s32 s2, s17  }
0x8e: {  	[smem:$0x3FC2] =	sst s2  }
0x8f: {  	_ = 	snop  }
0x90: {  	s2 =	sld [smem:$0x3FD0];
	(tm) =	ssettm $0x1  }
0x91: {  	s18 =	sld [smem:$0x3FFB];
	_ =	sdelay $0x3  }
0x92: {  	_ =	strace s18  }
0x93: {  	s3 =	sld [smem:$0x3FFC];
	_ =	sdelay $0x3  }
0x94: {  	_ =	strace s3  }
0x95: {  	s3 =	sld [smem:$0x3FFD];
	_ =	sdelay $0x3  }
0x96: {  	_ =	strace s3  }
0x97: {  	_ =	strace $0x8FFFFFFF  }
0x98: {  	s19 =	sld [smem:$0x3FDB];
	_ =	sdelay $0x1  }
0x99: {  	s4 =	simm.s32 $_scs_section_size  }
0x9a: {  	s5 =	simm.s32 $_size__tile_overlayer_lowered;
	s6 =	simm.s32 $_tile_overlayer_lowered  }
0x9b: {  	s22 =	simm.s32 $0x1BFF;
	s21 =	sshll.u32 s6, $0x1;
	s3 =	sadd.s32 s4, s19  }
0x9c: {  	s7 =	simm.s32 $0x0;
	s20 =	sshll.u32 s5, $0x1;
	s5 =	sadd.s32 s21, s3  }
0x9d: {  	[timem:s7], [sflag:s22] =	dma.local [hbm:s5], s20  }
0x9e: {  	_ =	swait.ge [sflag:s22], s20  }
0x9f: {  	s4 =	ssub.s32 $0x0, s20;
	[sflag:s22] =	ssyncset.done $0x0  }
0xa0: {  	[sflag:s22] =	ssyncadd.s32 s4;
	_ =	sdelay $0x1  }
0xa1: {  	s23 =	simm.s32 $0x1B8B  }
0xa2: {  	_ =	swait.ge [sflag:s23], $0x1  }
0xa3: {  	[sflag:s23] =	ssyncset.done $0x0  }
0xa4: {  	s25 =	simm.s32 $0x1B8E;
	s24 =	sld [smem:$0x3FFE];
	[sflag:s23] =	ssyncadd.s32 $0xFFFFFFFF  }
0xa5: {  	s26 =	simm.s32 $execute0_lowered;
	[smem:$0x3FD2] =	sst s25  }
0xa6: {  	s5 =	sshll.u32 s26, $0x1;
	_ =	strace $0x8000004C;
	[dreg:$0x1] =	wrdreg $0xFFFFFFFF  }
0xa7: {  	s28 =	simm.s32 $_size_execute0_lowered;
	s3 =	sadd.s32 s3, s5;
	[dreg:$0x0] =	wrdreg $0x0  }
0xa8: {  	s5 =	sshll.u32 s28, $0x1;
	[dreg:$0x2] =	wrdreg s3  }
0xa9: {  	[dreg:$0x3] =	wrdreg s5  }
0xaa: {  	[dreg:$0x4] =	wrdreg $0xC0  }
0xab: {  	_ =	task [dreg:s7], $0x5FFFF  }
0xac: {  	[dreg:$0x1] =	wrdreg $0xFFFFFFFF  }
0xad: {  	[dreg:$0x0] =	wrdreg $0x60  }
0xae: {  	[dreg:$0x2] =	wrdreg s24  }
0xaf: {  	[dreg:$0x3] =	wrdreg s2  }
0xb0: {  	[dreg:$0x4] =	wrdreg $0x54000  }
0xb1: {  	[dreg:$0x5] =	wrdreg $0x9  }
0xb2: {  	_ =	task.clear_ibuf [dreg:s7], $0x6FFFF;
	_ =	strace $0x9000004C  }
0xb3: {  	s29 =	simm.s32 $0x9;
	_ =	strace $0x8000004E  }
0xb4: {  	_ =	swait.ge [sflag:s29], $0x1  }
0xb5: {  	[sflag:s29] =	ssyncadd.s32 $0xFFFFFFFF  }
0xb6: {  	_ =	strace $0x9000004E  }
0xb7: {  	_ =	sfence  }
0xb8: {  	s30 =	sld [smem:$0x0];
	_ =	sdelay $0x2  }
0xb9: {  	s31 =	sshll.u32 s1, $0xD;
	s1 =	sshrl.u32 s1, $0x2  }
0xba: {  	s3 =	sand.u32 $0x4000, s31;
	s1 =	sadd.s32 s1, s30  }
0xbb: {  	s0 =	sor.u32 s3, s0;
	s1 =	sshll.u32 s1, $0x11  }
0xbc: {  	s0 =	sor.u32 s1, s0  }
0xbd: {  	s0 =	sadd.s32 $0x8F2B, s0  }
0xbe: {  	[sflag:s0] =	ssyncadd.remote.s32 $0x1  }
0xbf: {  	_ =	sfence.sel $0xFFFF  }
0xc0: {  	[dreg:$0x0] =	wrdreg $0xFFFFFFFF;
	(pc) =	sbr.abs _section_cstart, $3  }
0xc1: {  	[dreg:$0x1] =	wrdreg $0xFFFFFFFF  }
0xc2: {  	_ =	task.clear_ibuf [dreg:s7], $0x2FFFF;
	_ =	strace $0x9FFFFFFF  }
0xc3: {  	(tm) =	ssettm $0x7FFFFFFF  }
tec
execute0_lowered:
.L_overlay_start_1:
0x0: {  	(tag) =	ssettag $0x1  }
0x1: {  	s0 =	rddreg [dreg:$0x0]  }
0x2: {  	s1 =	rddreg [dreg:$0x1]  }
0x3: {  	s2 =	rddreg [dreg:$0x2]  }
0x4: {  	s4 =	simm.s32 $0x0;
	s3 =	srdreg.scid;
	s12 =	stileid.u32  }
0x5: {  	s16 =	simm.s32 $0x7;
	s17 =	simm.s32 $0x200;
	s28 =	simm.s32 $0x280  }
0x6: {  	s29 =	simm.s32 $0x6;
	s30 =	simm.s32 $0x180;
	s31 =	simm.s32 $0x3  }
0x7: {  	[smem:$0x7FF] =	sst s4;
	s5 =	sadd.s32 $0x54C00, s0;
	s6 =	smul.u32 $0x2800, s12  }
0x8: {  	s3 =	sand.u32 $0x1, s3;
	s7 =	sadd.s32 $0x2400, s0;
	s10 =	smul.u32 $0x50000, s12  }
0x9: {  	s21 =	sshll.u32 s12, $0x6;
	s25 =	smul.u32 $0xFA0, s12;
	_ =	strace $0x8000004D  }
0xa: {  	[dreg:$0x4] =	wrdreg s7;
	s18 =	smul.u32 $0x28000, s3;
	s8 =	sshll.u32 s3, $0x4  }
0xb: {  	s9 =	ssub.s32 $0x2, s3;
	s3 =	smul.u32 $0xFA00, s3;
	s8 =	sor.u32 s12, s8  }
0xc: {  	s19 =	sshrl.u32 s9, $0x1;
	s20 =	sshrl.u32 s10, $0x2;
	s11 =	smul.u32 $0x7D00, s8  }
0xd: {  	s6 =	sadd.s32 s6, s18;
	s7 =	ssub.s32 s9, s19;
	s8 =	smul.u32 $0xFA0, s8  }
0xe: {  	s15 =	sadd.s32 s20, s2;
	s26 =	sadd.s32 s3, s5;
	s18 =	simm.s32 $0x100  }
0xf: {  	s19 =	simm.s32 $0x300;
	s20 =	simm.s32 $0x50;
	s3 =	simm.s32 $0x5  }
0x10: {  	s0 =	sadd.s32 s6, s0;
	s6 =	sor.u32 $0x1C07, s21;
	s13 =	smax.u32 s7, $0x1  }
0x11: {  	s14 =	sadd.s32 s25, s26;
	s15 =	sshrl.u32 s15, $0x3;
	s21 =	simm.s32 $0x400  }
0x12: {  	s25 =	simm.s32 $0x4;
	s26 =	simm.s32 $0x2;
	s22 =	sshrl.u32 s11, $0x3  }
0x13: {  	s8 =	sadd.s32 s5, s8;
	s12 =	sadd.s32 $0x4C00, s0;
	s0 =	simm.s32 $0x380  }
0x14: {  	s11 =	sadd.s32 s5, s22;
	[dreg:$0x5] =	wrdreg s8;
	s22 =	simm.s32 $0x2C00  }
0x15: {  	s5 =	simm.s32 $0x0;
	s23 =	sadd.s32 $0x20, s11;
	s24 =	sadd.s32 $0x40, s11  }
0x16: {  	s10 =	sadd.s32 $0x60, s11;
	s11 =	sadd.s32 $0xF80, s11;
	[dreg:$0x6] =	wrdreg s23  }
0x17: {  	[dreg:$0x7] =	wrdreg s24;
	s23 =	simm.s32 $0x1;
	s24 =	simm.s32 $0x80  }
.LBB2_1:
0x18: {  	s7 =	rddreg [dreg:$0x4]  }
0x19: {  	[spmem:s15], [sflag:s6] =	dma.local [hbm:s7], $0x2800  }
0x1a: {  	_ =	swait.ge [sflag:s16], $0x2800  }
0x1b: {  	[sflag:s16] =	ssyncset.done $0x0  }
0x1c: {  	[sflag:s16] =	ssyncadd.s32 $0xFFFFD800  }
0x1d: {  	[bflag:$0x0] =	sbarrier.arrive $0xFFFF  }
0x1e: {  	s8 =	rddreg [dreg:$0x5]  }
0x1f: {  	[tilespmem:s4], [sflag:$0x7] =	stream.linear.gather [hbm4b:s8+s4], $0x100, $0x38;
	[tilespmem:$0x19400] =	vst v63  }
0x20: {  	_ =	swait.ge [sflag:s16], $0x100  }
0x21: {  	[sflag:s16] =	ssyncset.done $0x0  }
0x22: {  	s9 =	rddreg [dreg:$0x6];
	[sflag:s16] =	ssyncadd.s32 $0xFFFFFF00  }
0x23: {  	[tilespmem:s17], [sflag:$0x7] =	stream.linear.gather [hbm4b:s9+s4], $0x100, $0x38;
	[tilespmem:$0x19400] =	vst v63  }
0x24: {  	_ =	swait.ge [sflag:s16], $0x100  }
0x25: {  	[sflag:s16] =	ssyncset.done $0x0  }
0x26: {  	s8 =	rddreg [dreg:$0x7];
	[sflag:s16] =	ssyncadd.s32 $0xFFFFFF00  }
0x27: {  	[tilespmem:s18], [sflag:$0x4] =	stream.linear.gather [hbm4b:s8+s4], $0x100, $0x38;
	[tilespmem:$0x19400] =	vst v63  }
0x28: {  	_ = 	snop  }
0x29: {  	[tilespmem:s19], [sflag:$0x6] =	stream.linear.gather [hbm4b:s10+s4], $0x100, $0x38;
	[tilespmem:$0x19400] =	vst v63  }
0x2a: {  	_ = 	snop  }
0x2b: {  	[tilespmem:s21], [sflag:$0x1] =	stream.indirect.gather [hbm4b:s1+s20], $0x80, s4, s20, $0xb8;
	[tilespmem:$0x19400] =	vst v63  }
0x2c: {  	_ = 	snop  }
0x2d: {  	[tilespmem:s22], [sflag:$0x2] =	stream.indirect.gather [hbm4b:s1+s20], $0x80, s17, s20, $0xb8;
	[tilespmem:$0x19400] =	vst v63  }
0x2e: {  	_ =	swait.ge [sflag:s23], $0x2800  }
0x2f: {  	[sflag:s23] =	ssyncset.done $0x0  }
0x30: {  	[sflag:s23] =	ssyncadd.s32 $0xFFFFD800  }
0x31: {  	[spmem:s2] =	stream.indirect.scatter.add.f32 [tilespmem:s21], [sflag:$0x7], $0x80, s24, s20, $0xb8;
	[tilespmem:$0x19400] =	vst v63  }
0x32: {  	_ =	swait.ge [sflag:s16], $0x2800  }
0x33: {  	[sflag:s16] =	ssyncset.done $0x0  }
0x34: {  	[sflag:s16] =	ssyncadd.s32 $0xFFFFD800  }
0x35: {  	_ =	swait.ge [sflag:s25], $0x100  }
0x36: {  	[sflag:s25] =	ssyncset.done $0x0  }
0x37: {  	s8 =	sadd.s32 $0x0, s14;
	[sflag:s25] =	ssyncadd.s32 $0xFFFFFF00  }
0x38: {  	[tilespmem:s21], [sflag:$0x1] =	stream.indirect.gather [hbm4b:s1+s20], $0x80, s18, s20, $0xb8;
	[tilespmem:$0x19400] =	vst v63  }
0x39: {  	s9 =	sadd.s32 $0x80, s8  }
0x3a: {  	[tilespmem:s4], [sflag:$0x3] =	stream.linear.gather [hbm4b:s9+s4], $0x100, $0x38;
	[tilespmem:$0x19400] =	vst v63  }
0x3b: {  	_ =	swait.ge [sflag:s26], $0x2800  }
0x3c: {  	[sflag:s26] =	ssyncset.done $0x0  }
0x3d: {  	[sflag:s26] =	ssyncadd.s32 $0xFFFFD800  }
0x3e: {  	[spmem:s2] =	stream.indirect.scatter.add.f32 [tilespmem:s22], [sflag:$0x7], $0x80, s28, s20, $0xb8;
	[tilespmem:$0x19400] =	vst v63  }
0x3f: {  	_ =	swait.ge [sflag:s16], $0x2800  }
0x40: {  	[sflag:s16] =	ssyncset.done $0x0  }
0x41: {  	[sflag:s16] =	ssyncadd.s32 $0xFFFFD800  }
0x42: {  	_ =	swait.ge [sflag:s29], $0x100  }
0x43: {  	[sflag:s29] =	ssyncset.done $0x0  }
0x44: {  	[sflag:s29] =	ssyncadd.s32 $0xFFFFFF00  }
0x45: {  	[tilespmem:s22], [sflag:$0x2] =	stream.indirect.gather [hbm4b:s1+s20], $0x80, s19, s20, $0xb8;
	[tilespmem:$0x19400] =	vst v63  }
0x46: {  	s9 =	sadd.s32 $0xA0, s8  }
0x47: {  	[tilespmem:s17], [sflag:$0x5] =	stream.linear.gather [hbm4b:s9+s4], $0x100, $0x38;
	[tilespmem:$0x19400] =	vst v63  }
0x48: {  	_ =	swait.ge [sflag:s23], $0x2800  }
0x49: {  	[sflag:s23] =	ssyncset.done $0x0  }
0x4a: {  	[sflag:s23] =	ssyncadd.s32 $0xFFFFD800  }
0x4b: {  	[spmem:s2] =	stream.indirect.scatter.add.f32 [tilespmem:s21], [sflag:$0x7], $0x80, s30, s20, $0xb8;
	[tilespmem:$0x19400] =	vst v63  }
0x4c: {  	_ =	swait.ge [sflag:s16], $0x2800  }
0x4d: {  	[sflag:s16] =	ssyncset.done $0x0  }
0x4e: {  	[sflag:s16] =	ssyncadd.s32 $0xFFFFD800  }
0x4f: {  	_ =	swait.ge [sflag:s31], $0x100  }
0x50: {  	[sflag:s31] =	ssyncset.done $0x0  }
0x51: {  	[sflag:s31] =	ssyncadd.s32 $0xFFFFFF00  }
0x52: {  	[tilespmem:s21], [sflag:$0x1] =	stream.indirect.gather [hbm4b:s1+s20], $0x80, s4, s20, $0xb8;
	[tilespmem:$0x19400] =	vst v63  }
0x53: {  	s9 =	sadd.s32 $0xC0, s8  }
0x54: {  	[tilespmem:s18], [sflag:$0x4] =	stream.linear.gather [hbm4b:s9+s4], $0x100, $0x38;
	[tilespmem:$0x19400] =	vst v63  }
0x55: {  	_ =	swait.ge [sflag:s26], $0x2800  }
0x56: {  	[sflag:s26] =	ssyncset.done $0x0  }
0x57: {  	[sflag:s26] =	ssyncadd.s32 $0xFFFFD800  }
0x58: {  	[spmem:s2] =	stream.indirect.scatter.add.f32 [tilespmem:s22], [sflag:$0x7], $0x80, s0, s20, $0xb8;
	[tilespmem:$0x19400] =	vst v63  }
0x59: {  	_ =	swait.ge [sflag:s16], $0x2800  }
0x5a: {  	[sflag:s16] =	ssyncset.done $0x0  }
0x5b: {  	[sflag:s16] =	ssyncadd.s32 $0xFFFFD800  }
0x5c: {  	_ =	swait.ge [sflag:s3], $0x100  }
0x5d: {  	[sflag:s3] =	ssyncset.done $0x0  }
0x5e: {  	s7 =	simm.s32 $0x80;
	s8 =	sadd.s32 $0xE0, s8;
	[sflag:s3] =	ssyncadd.s32 $0xFFFFFF00  }
0x5f: {  	[tilespmem:s22], [sflag:$0x2] =	stream.indirect.gather [hbm4b:s1+s20], $0x80, s17, s20, $0xb8;
	[tilespmem:$0x19400] =	vst v63  }
.LBB2_2:
0x60: {  	[tilespmem:s19], [sflag:$0x6] =	stream.linear.gather [hbm4b:s8+s4], $0x100, $0x38;
	[tilespmem:$0x19400] =	vst v63  }
0x61: {  	s8 =	smov.u32 s7  }
0x62: {  	p0 =	sne.s32 s7, $0xE80;
	s7 =	sadd.s32 $0x80, s7;
	_ =	swait.ge [sflag:s23], $0x2800  }
0x63: {  	[sflag:s23] =	ssyncset.done $0x0  }
0x64: {  	[sflag:s23] =	ssyncadd.s32 $0xFFFFD800  }
0x65: {  	[spmem:s2] =	stream.indirect.scatter.add.f32 [tilespmem:s21], [sflag:$0x7], $0x80, s24, s20, $0xb8;
	[tilespmem:$0x19400] =	vst v63  }
0x66: {  	_ =	swait.ge [sflag:s16], $0x2800  }
0x67: {  	[sflag:s16] =	ssyncset.done $0x0  }
0x68: {  	[sflag:s16] =	ssyncadd.s32 $0xFFFFD800  }
0x69: {  	_ =	swait.ge [sflag:s25], $0x100  }
0x6a: {  	[sflag:s25] =	ssyncset.done $0x0  }
0x6b: {  	s8 =	sadd.s32 s8, s14;
	[sflag:s25] =	ssyncadd.s32 $0xFFFFFF00  }
0x6c: {  	[tilespmem:s21], [sflag:$0x1] =	stream.indirect.gather [hbm4b:s1+s20], $0x80, s18, s20, $0xb8;
	[tilespmem:$0x19400] =	vst v63  }
0x6d: {  	s9 =	sadd.s32 $0x80, s8  }
0x6e: {  	[tilespmem:s4], [sflag:$0x3] =	stream.linear.gather [hbm4b:s9+s4], $0x100, $0x38;
	[tilespmem:$0x19400] =	vst v63  }
0x6f: {  	_ =	swait.ge [sflag:s26], $0x2800  }
0x70: {  	[sflag:s26] =	ssyncset.done $0x0  }
0x71: {  	[sflag:s26] =	ssyncadd.s32 $0xFFFFD800  }
0x72: {  	[spmem:s2] =	stream.indirect.scatter.add.f32 [tilespmem:s22], [sflag:$0x7], $0x80, s28, s20, $0xb8;
	[tilespmem:$0x19400] =	vst v63  }
0x73: {  	_ =	swait.ge [sflag:s16], $0x2800  }
0x74: {  	[sflag:s16] =	ssyncset.done $0x0  }
0x75: {  	[sflag:s16] =	ssyncadd.s32 $0xFFFFD800  }
0x76: {  	_ =	swait.ge [sflag:s29], $0x100  }
0x77: {  	[sflag:s29] =	ssyncset.done $0x0  }
0x78: {  	[sflag:s29] =	ssyncadd.s32 $0xFFFFFF00  }
0x79: {  	[tilespmem:s22], [sflag:$0x2] =	stream.indirect.gather [hbm4b:s1+s20], $0x80, s19, s20, $0xb8;
	[tilespmem:$0x19400] =	vst v63  }
0x7a: {  	s9 =	sadd.s32 $0xA0, s8  }
0x7b: {  	[tilespmem:s17], [sflag:$0x5] =	stream.linear.gather [hbm4b:s9+s4], $0x100, $0x38;
	[tilespmem:$0x19400] =	vst v63  }
0x7c: {  	_ =	swait.ge [sflag:s23], $0x2800  }
0x7d: {  	[sflag:s23] =	ssyncset.done $0x0  }
0x7e: {  	[sflag:s23] =	ssyncadd.s32 $0xFFFFD800  }
0x7f: {  	[spmem:s2] =	stream.indirect.scatter.add.f32 [tilespmem:s21], [sflag:$0x7], $0x80, s30, s20, $0xb8;
	[tilespmem:$0x19400] =	vst v63  }
0x80: {  	_ =	swait.ge [sflag:s16], $0x2800  }
0x81: {  	[sflag:s16] =	ssyncset.done $0x0  }
0x82: {  	[sflag:s16] =	ssyncadd.s32 $0xFFFFD800  }
0x83: {  	_ =	swait.ge [sflag:s31], $0x100  }
0x84: {  	[sflag:s31] =	ssyncset.done $0x0  }
0x85: {  	[sflag:s31] =	ssyncadd.s32 $0xFFFFFF00  }
0x86: {  	[tilespmem:s21], [sflag:$0x1] =	stream.indirect.gather [hbm4b:s1+s20], $0x80, s4, s20, $0xb8;
	[tilespmem:$0x19400] =	vst v63  }
0x87: {  	s9 =	sadd.s32 $0xC0, s8  }
0x88: {  	[tilespmem:s18], [sflag:$0x4] =	stream.linear.gather [hbm4b:s9+s4], $0x100, $0x38;
	[tilespmem:$0x19400] =	vst v63  }
0x89: {  	_ =	swait.ge [sflag:s26], $0x2800  }
0x8a: {  	[sflag:s26] =	ssyncset.done $0x0  }
0x8b: {  	[sflag:s26] =	ssyncadd.s32 $0xFFFFD800  }
0x8c: {  	[spmem:s2] =	stream.indirect.scatter.add.f32 [tilespmem:s22], [sflag:$0x7], $0x80, s0, s20, $0xb8;
	[tilespmem:$0x19400] =	vst v63  }
0x8d: {  	_ =	swait.ge [sflag:s16], $0x2800  }
0x8e: {  	[sflag:s16] =	ssyncset.done $0x0  }
0x8f: {  	[sflag:s16] =	ssyncadd.s32 $0xFFFFD800  }
.Ltmp0:
0x90: {  	_ =	swait.ge [sflag:s3], $0x100;
	(pc) =	sbr.rel @p0 .LBB2_2-.Ltmp0, $4  }
0x91: {  	[sflag:s3] =	ssyncset.done $0x0  }
0x92: {  	[sflag:s3] =	ssyncadd.s32 $0xFFFFFF00  }
0x93: {  	[tilespmem:s22], [sflag:$0x2] =	stream.indirect.gather [hbm4b:s1+s20], $0x80, s17, s20, $0xb8;
	[tilespmem:$0x19400] =	vst v63  }
0x94: {  	s8 =	sadd.s32 $0xE0, s8  }
0x95: {  	[tilespmem:s19], [sflag:$0x6] =	stream.linear.gather [hbm4b:s8+s4], $0x100, $0x38;
	[tilespmem:$0x19400] =	vst v63  }
0x96: {  	_ =	swait.ge [sflag:s23], $0x2800  }
0x97: {  	[sflag:s23] =	ssyncset.done $0x0  }
0x98: {  	[sflag:s23] =	ssyncadd.s32 $0xFFFFD800  }
0x99: {  	[spmem:s2] =	stream.indirect.scatter.add.f32 [tilespmem:s21], [sflag:$0x7], $0x80, s24, s20, $0xb8;
	[tilespmem:$0x19400] =	vst v63  }
0x9a: {  	_ =	swait.ge [sflag:s16], $0x2800  }
0x9b: {  	[sflag:s16] =	ssyncset.done $0x0  }
0x9c: {  	[sflag:s16] =	ssyncadd.s32 $0xFFFFD800  }
0x9d: {  	_ =	swait.ge [sflag:s25], $0x100  }
0x9e: {  	[sflag:s25] =	ssyncset.done $0x0  }
0x9f: {  	[sflag:s25] =	ssyncadd.s32 $0xFFFFFF00  }
0xa0: {  	[tilespmem:s21], [sflag:$0x1] =	stream.indirect.gather [hbm4b:s1+s20], $0x80, s18, s20, $0xb8;
	[tilespmem:$0x19400] =	vst v63  }
0xa1: {  	_ = 	snop  }
0xa2: {  	[tilespmem:s4], [sflag:$0x3] =	stream.linear.gather [hbm4b:s11+s4], $0x100, $0x38;
	[tilespmem:$0x19400] =	vst v63  }
0xa3: {  	_ =	swait.ge [sflag:s26], $0x2800  }
0xa4: {  	[sflag:s26] =	ssyncset.done $0x0  }
0xa5: {  	[sflag:s26] =	ssyncadd.s32 $0xFFFFD800  }
0xa6: {  	[spmem:s2] =	stream.indirect.scatter.add.f32 [tilespmem:s22], [sflag:$0x7], $0x80, s28, s20, $0xb8;
	[tilespmem:$0x19400] =	vst v63  }
0xa7: {  	_ =	swait.ge [sflag:s16], $0x2800  }
0xa8: {  	[sflag:s16] =	ssyncset.done $0x0  }
0xa9: {  	[sflag:s16] =	ssyncadd.s32 $0xFFFFD800  }
0xaa: {  	_ =	swait.ge [sflag:s29], $0x100  }
0xab: {  	[sflag:s29] =	ssyncset.done $0x0  }
0xac: {  	[sflag:s29] =	ssyncadd.s32 $0xFFFFFF00  }
0xad: {  	[tilespmem:s22], [sflag:$0x2] =	stream.indirect.gather [hbm4b:s1+s20], $0x80, s19, s20, $0xb8;
	[tilespmem:$0x19400] =	vst v63  }
0xae: {  	_ =	swait.ge [sflag:s23], $0x2800  }
0xaf: {  	[sflag:s23] =	ssyncset.done $0x0  }
0xb0: {  	[sflag:s23] =	ssyncadd.s32 $0xFFFFD800  }
0xb1: {  	[spmem:s2] =	stream.indirect.scatter.add.f32 [tilespmem:s21], [sflag:$0x7], $0x80, s30, s20, $0xb8;
	[tilespmem:$0x19400] =	vst v63  }
0xb2: {  	_ =	swait.ge [sflag:s16], $0x2800  }
0xb3: {  	[sflag:s16] =	ssyncset.done $0x0  }
0xb4: {  	[sflag:s16] =	ssyncadd.s32 $0xFFFFD800  }
0xb5: {  	_ =	swait.ge [sflag:s31], $0x100  }
0xb6: {  	[sflag:s31] =	ssyncset.done $0x0  }
0xb7: {  	[sflag:s31] =	ssyncadd.s32 $0xFFFFFF00  }
0xb8: {  	[tilespmem:s21], [sflag:$0x1] =	stream.indirect.gather [hbm4b:s1+s20], $0x80, s4, s20, $0xb8;
	[tilespmem:$0x19400] =	vst v63  }
0xb9: {  	_ =	swait.ge [sflag:s26], $0x2800  }
0xba: {  	[sflag:s26] =	ssyncset.done $0x0  }
0xbb: {  	[sflag:s26] =	ssyncadd.s32 $0xFFFFD800  }
0xbc: {  	[spmem:s2] =	stream.indirect.scatter.add.f32 [tilespmem:s22], [sflag:$0x7], $0x80, s0, s20, $0xb8;
	[tilespmem:$0x19400] =	vst v63  }
0xbd: {  	_ =	swait.ge [sflag:s16], $0x2800  }
0xbe: {  	[sflag:s16] =	ssyncset.done $0x0  }
0xbf: {  	[sflag:s16] =	ssyncadd.s32 $0xFFFFD800  }
0xc0: {  	_ =	swait.ge [sflag:s23], $0x2800  }
0xc1: {  	[sflag:s23] =	ssyncset.done $0x0  }
0xc2: {  	[sflag:s23] =	ssyncadd.s32 $0xFFFFD800  }
0xc3: {  	[spmem:s2] =	stream.indirect.scatter.add.f32 [tilespmem:s21], [sflag:$0x7], $0x80, s24, s20, $0xb8;
	[tilespmem:$0x19400] =	vst v63  }
0xc4: {  	_ =	swait.ge [sflag:s16], $0x2800  }
0xc5: {  	s5 =	sadd.s32 $0x1, s5;
	[sflag:s16] =	ssyncset.done $0x0  }
0xc6: {  	p0 =	sne.s32 s5, s13;
	[sflag:s16] =	ssyncadd.s32 $0xFFFFD800  }
.Ltmp1:
0xc7: {  	[bflag:$0x0] =	sbarrier.arrive $0xFFFF;
	(pc) =	sbr.rel @p0 .LBB2_1-.Ltmp1, $4  }
0xc8: {  	[hbm:s12], [sflag:s6] =	dma.local [spmem:s15], $0x2800  }
0xc9: {  	_ =	swait.ge [sflag:s16], $0x2800  }
0xca: {  	[sflag:s16] =	ssyncset.done $0x0  }
0xcb: {  	[sflag:s16] =	ssyncadd.s32 $0xFFFFD800  }
0xcc: {  	_ =	sfence.sel $0x180000  }
0xcd: {  	[bflag:$0x0] =	sbarrier.arrive $0xFFFF  }
0xce: {  	_ =	strace $0x9000004D  }
0xcf: {  	s0 =	stileid.u32;
	[bflag:$0x2] =	sbarrier.arrive $0xFFFF  }
0xd0: {  	p0 =	sne.s32 s0, $0x0;
	s0 =	rddreg [dreg:$0x3]  }
0xd1: {  	s0 =	sadd.s32 @!p0 $0x100000, s0  }
0xd2: {  	[sflag:s0] =	ssyncadd.tile.s32 @!p0 $0x1;
	_ =	shalt  }
.Lfunc_end2:
_tile_overlayer_lowered:
.L_overlay_start_2:
0xd3: {  	(tag) =	ssettag $0x2  }
0xd4: {  	s0 =	rddreg [dreg:$0x0];
	s2 =	stileid.u32  }
0xd5: {  	s1 =	rddreg [dreg:$0x1];
	p0 =	sne.s32 s2, $0x0  }
0xd6: {  	s3 =	rddreg [dreg:$0x2];
	[bflag:$0x3] =	sbarrier.arrive $0xFFFF;
	s2 =	simm.s32 @!p0 $0x1C07  }
0xd7: {  	[timem:s3], [sflag:s2] =	dma.local @!p0 [hbm:s0], s1  }
0xd8: {  	s0 =	simm.s32 @!p0 $0x7  }
0xd9: {  	_ =	swait.ge @!p0 [sflag:s0], s1  }
0xda: {  	s1 =	ssub.s32 @!p0 $0x0, s1;
	[sflag:s0] =	ssyncset.done @!p0 $0x0  }
0xdb: {  	[sflag:s0] =	ssyncadd.s32 @!p0 s1  }
0xdc: {  	[bflag:$0x3] =	sbarrier.arrive $0xFFFF  }
0xdd: {  	_ =	shalt  }

// kernel: kernel.8.cloned.1.call-start
scs
__scs_entry_jumppad:
0x0: {  	(pc) =	sbr.rel $0x88, $3  }
0x1: {  	(tag) =	ssettag $0x0;
	lr =	simm.s32 $0x1  }
0x2: {  	[smem:$0x3F9B] =	sst lr;
	_ =	strace $0xD0000000  }
0x3: {  	_ = 	snop  }
0x4: {  	_ = 	snop  }
0x5: {  	_ = 	snop  }
0x6: {  	_ = 	snop  }
0x7: {  	_ = 	snop  }
__scs_overlays_trampoline_lowered:
0x8: {  	[smem:$0x3FAA] =	sst s0  }
0x9: {  	[smem:$0x3FAB] =	sst s1  }
0xa: {  	[smem:$0x3FAC] =	sst s2  }
0xb: {  	[smem:$0x3FAD] =	sst s3  }
0xc: {  	[smem:$0x3FAE] =	sst s4  }
0xd: {  	[smem:$0x3FAF] =	sst s5  }
0xe: {  	[smem:$0x3FB0] =	sst s6  }
0xf: {  	[smem:$0x3FB1] =	sst s7  }
0x10: {  	[smem:$0x3FB2] =	sst s8  }
0x11: {  	[smem:$0x3FB3] =	sst s9;
	s0 =	simm.s32 @!p0 $0x0  }
0x12: {  	s1 =	sld [smem:$0x3F99];
	s0 =	simm.s32 @p0 $0x1  }
0x13: {  	[smem:$0x3FB4] =	sst s0;
	s0 =	simm.s32 @!p1 $0x0  }
0x14: {  	s2 =	sld [smem:$0x3F98];
	s0 =	simm.s32 @p1 $0x1  }
0x15: {  	[smem:$0x3FB5] =	sst s0;
	s0 =	simm.s32 @!p2 $0x0  }
0x16: {  	s3 =	sld [smem:$0x3FDB];
	s0 =	simm.s32 @p2 $0x1  }
0x17: {  	s4 =	simm.s32 $0x1BF5;
	[smem:$0x3FB7] =	sst s0  }
0x18: {  	s0 =	sld [smem:$0x3F9A];
	_ =	swait.ge [sflag:s4], $0x0  }
0x19: {  	s7 =	sld [smem:$0x3F9B]  }
0x1a: {  	s8 =	sadd.s32 $0xFFFFE003, lr  }
0x1b: {  	s9 =	sadd.s32 $0xFFFFFEF7, lr;
	s5 =	simm.s32 $0xFFFFFFFF;
	p2 =	slt.u32 s8, $0xFFFFF086  }
0x1c: {  	p1 =	slt.u32 s9, $0xF7A;
	s5 =	simm.s32 @!p2 $0x0  }
0x1d: {  	s5 =	simm.s32 @p1 $0x1;
	p0 =	seq.s32 s7, s2  }
0x1e: {  	s7 =	smul.u32 @!p0 $0xF7A, s2;
	p2 =	seq.s32 @!p0 s5, $0x0  }
0x1f: {  	s9 =	smul.u32 $0xF7A, s1;
	s8 =	simm.s32 @!p0 $0x1BF5;
	p2 =	por !p2, p0  }
0x20: {  	[sflag:s8] =	ssyncset.s32 @!p0 $0xFFFFF086;
	s6 =	sadd.s32 @!p0 s3, s7;
	s7 =	simm.s32 @!p0 $0x108  }
0x21: {  	s3 =	sadd.s32 s3, s9;
	s6 =	sadd.s32 @!p0 $0x88, s6;
	s7 =	simm.s32 @p2 $0x1082  }
0x22: {  	[simem:s7], [sflag:s8] =	dma.local @!p0 [hbm:s6], $0xF7A  }
0x23: {  	s9 =	sor.u32 $0xD0000000, s2;
	s6 =	simm.s32 $0x108;
	_ =	swait.ge @!p0 [sflag:s8], $0x0  }
0x24: {  	s3 =	sadd.s32 $0x88, s3;
	s6 =	simm.s32 @!p1 $0x1082;
	[sflag:s4] =	ssyncset.s32 $0xFFFFF086  }
0x25: {  	[simem:s6], [sflag:s4] =	dma.local [hbm:s3], $0xF7A  }
0x26: {  	[smem:$0x3F9B] =	sst s1;
	(tag) =	ssettag s2;
	_ =	strace s9  }
0x27: {  	s1 =	sld [smem:$0x3FAB]  }
0x28: {  	s2 =	sld [smem:$0x3FAC]  }
0x29: {  	s4 =	sld [smem:$0x3FAE]  }
0x2a: {  	p0 =	seq.s32 s5, $0x0;
	s5 =	sld [smem:$0x3FAF]  }
0x2b: {  	s6 =	sld [smem:$0x3FB0]  }
0x2c: {  	s7 =	sld [smem:$0x3FB1]  }
0x2d: {  	s3 =	simm.s32 $0x108;
	s8 =	sld [smem:$0x3FB2]  }
0x2e: {  	s3 =	simm.s32 @!p0 $0x1082;
	s9 =	sld [smem:$0x3FB3]  }
0x2f: {  	lr =	sadd.s32 s0, s3;
	s0 =	sld [smem:$0x3FAA]  }
0x30: {  	s3 =	sld [smem:$0x3FAD]  }
0x31: {  	[smem:$0x3FB6] =	sst s10  }
0x32: {  	s10 =	sld [smem:$0x3FB4];
	_ =	sdelay $0x3  }
0x33: {  	p0 =	seq.s32 s10, $0x1;
	s10 =	sld [smem:$0x3FB6];
	_ =	sdelay $0x3  }
0x34: {  	[smem:$0x3FB6] =	sst s10  }
0x35: {  	s10 =	sld [smem:$0x3FB5];
	_ =	sdelay $0x3  }
0x36: {  	p1 =	seq.s32 s10, $0x1;
	s10 =	sld [smem:$0x3FB6];
	_ =	sdelay $0x3  }
0x37: {  	[smem:$0x3FB6] =	sst s10  }
0x38: {  	s10 =	sld [smem:$0x3FB7]  }
0x39: {  	_ = 	snop;
	(pc) =	sbr.ind lr, $3  }
0x3a: {  	_ = 	snop  }
0x3b: {  	_ = 	snop  }
0x3c: {  	p2 =	seq.s32 s10, $0x1;
	s10 =	sld [smem:$0x3FB6]  }
0x3d: {  	_ =	shalt  }
0x3e: {  	_ =	shalt  }
0x3f: {  	_ =	shalt  }
0x40: {  	_ =	shalt  }
0x41: {  	_ =	shalt  }
0x42: {  	_ =	shalt  }
0x43: {  	_ =	shalt  }
0x44: {  	_ =	shalt  }
0x45: {  	_ =	shalt  }
0x46: {  	_ =	shalt  }
0x47: {  	_ =	shalt  }
0x48: {  	_ =	shalt  }
0x49: {  	_ =	shalt  }
0x4a: {  	_ =	shalt  }
0x4b: {  	_ =	shalt  }
0x4c: {  	_ =	shalt  }
0x4d: {  	_ =	shalt  }
0x4e: {  	_ =	shalt  }
0x4f: {  	_ =	shalt  }
0x50: {  	_ =	shalt  }
0x51: {  	_ =	shalt  }
0x52: {  	_ =	shalt  }
0x53: {  	_ =	shalt  }
0x54: {  	_ =	shalt  }
0x55: {  	_ =	shalt  }
0x56: {  	_ =	shalt  }
0x57: {  	_ =	shalt  }
0x58: {  	_ =	shalt  }
0x59: {  	_ =	shalt  }
0x5a: {  	_ =	shalt  }
0x5b: {  	_ =	shalt  }
0x5c: {  	_ =	shalt  }
0x5d: {  	_ =	shalt  }
0x5e: {  	_ =	shalt  }
0x5f: {  	_ =	shalt  }
0x60: {  	_ =	shalt  }
0x61: {  	_ =	shalt  }
0x62: {  	_ =	shalt  }
0x63: {  	_ =	shalt  }
0x64: {  	_ =	shalt  }
0x65: {  	_ =	shalt  }
0x66: {  	_ =	shalt  }
0x67: {  	_ =	shalt  }
0x68: {  	_ =	shalt  }
0x69: {  	_ =	shalt  }
0x6a: {  	_ =	shalt  }
0x6b: {  	_ =	shalt  }
0x6c: {  	_ =	shalt  }
0x6d: {  	_ =	shalt  }
0x6e: {  	_ =	shalt  }
0x6f: {  	_ =	shalt  }
0x70: {  	_ =	shalt  }
0x71: {  	_ =	shalt  }
0x72: {  	_ =	shalt  }
0x73: {  	_ =	shalt  }
0x74: {  	_ =	shalt  }
0x75: {  	_ =	shalt  }
0x76: {  	_ =	shalt  }
0x77: {  	_ =	shalt  }
0x78: {  	_ =	shalt  }
0x79: {  	_ =	shalt  }
0x7a: {  	_ =	shalt  }
0x7b: {  	_ =	shalt  }
0x7c: {  	_ =	shalt  }
0x7d: {  	_ =	shalt  }
0x7e: {  	_ =	shalt  }
0x7f: {  	_ =	shalt  }
0x80: {  	_ =	shalt  }
0x81: {  	_ =	shalt  }
0x82: {  	_ =	shalt  }
0x83: {  	_ =	shalt  }
0x84: {  	_ =	shalt  }
0x85: {  	_ =	shalt  }
0x86: {  	_ =	shalt  }
0x87: {  	_ =	shalt  }
.Lfunc_end0:
.L_simem_size_0:
called_computation_lowered:
.L_overlay_start_0:
0x88: {  	s2 =	sld [smem:$0x3FD9]  }
0x89: {  	s3 =	sld [smem:$0x3FFE];
	_ =	sdelay $0x1  }
0x8a: {  	s1 =	srdreg.scid  }
0x8b: {  	s0 =	sand.u32 $0x1, s1  }
0x8c: {  	s17 =	sshll.u32 s0, $0xA;
	s2 =	sadd.s32 s3, s2  }
0x8d: {  	s2 =	sadd.s32 s2, s17  }
0x8e: {  	[smem:$0x3FC2] =	sst s2  }
0x8f: {  	_ = 	snop  }
0x90: {  	s2 =	sld [smem:$0x3FD0];
	(tm) =	ssettm $0x1  }
0x91: {  	s18 =	sld [smem:$0x3FFB];
	_ =	sdelay $0x3  }
0x92: {  	_ =	strace s18  }
0x93: {  	s3 =	sld [smem:$0x3FFC];
	_ =	sdelay $0x3  }
0x94: {  	_ =	strace s3  }
0x95: {  	s3 =	sld [smem:$0x3FFD];
	_ =	sdelay $0x3  }
0x96: {  	_ =	strace s3  }
0x97: {  	_ =	strace $0x8FFFFFFF  }
0x98: {  	s19 =	sld [smem:$0x3FDB];
	_ =	sdelay $0x1  }
0x99: {  	s4 =	simm.s32 $_scs_section_size  }
0x9a: {  	s5 =	simm.s32 $_size__tile_overlayer_lowered;
	s6 =	simm.s32 $_tile_overlayer_lowered  }
0x9b: {  	s22 =	simm.s32 $0x1BFF;
	s21 =	sshll.u32 s6, $0x1;
	s3 =	sadd.s32 s4, s19  }
0x9c: {  	s7 =	simm.s32 $0x0;
	s20 =	sshll.u32 s5, $0x1;
	s5 =	sadd.s32 s21, s3  }
0x9d: {  	[timem:s7], [sflag:s22] =	dma.local [hbm:s5], s20  }
0x9e: {  	_ =	swait.ge [sflag:s22], s20  }
0x9f: {  	s4 =	ssub.s32 $0x0, s20;
	[sflag:s22] =	ssyncset.done $0x0  }
0xa0: {  	[sflag:s22] =	ssyncadd.s32 s4;
	_ =	sdelay $0x1  }
0xa1: {  	s23 =	simm.s32 $0x1B8B  }
0xa2: {  	_ =	swait.ge [sflag:s23], $0x1  }
0xa3: {  	[sflag:s23] =	ssyncset.done $0x0  }
0xa4: {  	s25 =	simm.s32 $0x1B8E;
	s24 =	sld [smem:$0x3FFE];
	[sflag:s23] =	ssyncadd.s32 $0xFFFFFFFF  }
0xa5: {  	s26 =	simm.s32 $execute0_lowered;
	[smem:$0x3FD2] =	sst s25  }
0xa6: {  	s5 =	sshll.u32 s26, $0x1;
	_ =	strace $0x80000046;
	[dreg:$0x1] =	wrdreg $0xFFFFFFFF  }
0xa7: {  	s28 =	simm.s32 $_size_execute0_lowered;
	s3 =	sadd.s32 s3, s5;
	[dreg:$0x0] =	wrdreg $0x0  }
0xa8: {  	s5 =	sshll.u32 s28, $0x1;
	[dreg:$0x2] =	wrdreg s3  }
0xa9: {  	[dreg:$0x3] =	wrdreg s5  }
0xaa: {  	[dreg:$0x4] =	wrdreg $0xC0  }
0xab: {  	_ =	task [dreg:s7], $0x5FFFF  }
0xac: {  	[dreg:$0x1] =	wrdreg $0xFFFFFFFF  }
0xad: {  	[dreg:$0x0] =	wrdreg $0x60  }
0xae: {  	[dreg:$0x2] =	wrdreg s2  }
0xaf: {  	[dreg:$0x3] =	wrdreg s24  }
0xb0: {  	[dreg:$0x4] =	wrdreg $0x2A800  }
0xb1: {  	[dreg:$0x5] =	wrdreg $0x9  }
0xb2: {  	_ =	task.clear_ibuf [dreg:s7], $0x6FFFF;
	_ =	strace $0x90000046  }
0xb3: {  	s29 =	simm.s32 $0x9;
	_ =	strace $0x80000048  }
0xb4: {  	_ =	swait.ge [sflag:s29], $0x1  }
0xb5: {  	[sflag:s29] =	ssyncadd.s32 $0xFFFFFFFF  }
0xb6: {  	_ =	strace $0x90000048  }
0xb7: {  	_ =	sfence  }
0xb8: {  	s30 =	sld [smem:$0x0];
	_ =	sdelay $0x2  }
0xb9: {  	s31 =	sshll.u32 s1, $0xD;
	s1 =	sshrl.u32 s1, $0x2  }
0xba: {  	s3 =	sand.u32 $0x4000, s31;
	s1 =	sadd.s32 s1, s30  }
0xbb: {  	s0 =	sor.u32 s3, s0;
	s1 =	sshll.u32 s1, $0x11  }
0xbc: {  	s0 =	sor.u32 s1, s0  }
0xbd: {  	s0 =	sadd.s32 $0x8F2B, s0  }
0xbe: {  	[sflag:s0] =	ssyncadd.remote.s32 $0x1  }
0xbf: {  	_ =	sfence.sel $0xFFFF  }
0xc0: {  	[dreg:$0x0] =	wrdreg $0xFFFFFFFF;
	(pc) =	sbr.abs _section_cstart, $3  }
0xc1: {  	[dreg:$0x1] =	wrdreg $0xFFFFFFFF  }
0xc2: {  	_ =	task.clear_ibuf [dreg:s7], $0x2FFFF;
	_ =	strace $0x9FFFFFFF  }
0xc3: {  	(tm) =	ssettm $0x7FFFFFFF  }
tec
execute0_lowered:
.L_overlay_start_1:
0x0: {  	(tag) =	ssettag $0x1  }
0x1: {  	s0 =	rddreg [dreg:$0x0]  }
0x2: {  	s1 =	rddreg [dreg:$0x1]  }
0x3: {  	s2 =	rddreg [dreg:$0x2];
	s4 =	srdreg.scid  }
0x4: {  	s3 =	simm.s32 $0x0;
	s18 =	stileid.u32;
	s19 =	simm.s32 $0x6  }
0x5: {  	s28 =	simm.s32 $0x1;
	s29 =	simm.s32 $0x2;
	s30 =	simm.s32 $0x3  }
0x6: {  	s31 =	simm.s32 $0x4;
	s4 =	sand.u32 $0x1, s4;
	s5 =	smul.u32 $0x2800, s18  }
0x7: {  	[smem:$0x7FF] =	sst s3;
	s8 =	sadd.s32 $0x1E00, s1;
	s9 =	smul.u32 $0x50000, s18  }
0x8: {  	s20 =	sadd.s32 $0x2400, s1;
	s10 =	smul.u32 $0x7D, s18;
	s26 =	sshll.u32 s18, $0x6  }
0x9: {  	s6 =	sshll.u32 s4, $0x4;
	_ =	strace $0x80000047;
	[dreg:$0x4] =	wrdreg s8  }
0xa: {  	s7 =	smul.u32 $0x28000, s4;
	[dreg:$0x5] =	wrdreg s20;
	s22 =	ssub.s32 $0x2, s4  }
0xb: {  	s4 =	smul.u32 $0x7D0, s4;
	s20 =	sor.u32 $0x1C06, s26;
	s26 =	simm.s32 $0x200  }
0xc: {  	s6 =	sor.u32 s18, s6;
	s23 =	sshrl.u32 s22, $0x1;
	s9 =	sshrl.u32 s9, $0x2  }
0xd: {  	s18 =	simm.s32 $0x280;
	s21 =	smul.u32 $0x3E80, s6;
	s5 =	sadd.s32 s5, s7  }
0xe: {  	s6 =	smul.u32 $0x280, s6;
	s4 =	sadd.s32 s10, s4;
	s1 =	sadd.s32 s5, s1  }
0xf: {  	s5 =	ssub.s32 s22, s23;
	s4 =	sshll.u32 s4, $0x4;
	s22 =	simm.s32 $0x50  }
0x10: {  	s23 =	simm.s32 $0x80;
	s24 =	sand.u32 $0x7FC00, s21;
	s6 =	sand.u32 $0x380, s6  }
0x11: {  	s25 =	sshrl.u32 s21, $0x3;
	s21 =	sadd.s32 s9, s2;
	s12 =	smax.u32 s5, $0x1  }
0x12: {  	s6 =	sor.u32 s6, s24;
	s11 =	sadd.s32 s0, s25;
	s21 =	sshrl.u32 s21, $0x3  }
0x13: {  	s24 =	simm.s32 $0x100;
	s25 =	simm.s32 $0x180;
	s6 =	sshrl.u32 s6, $0x3  }
0x14: {  	s7 =	sadd.s32 $0x10, s11;
	s8 =	sadd.s32 $0x20, s11;
	s9 =	sadd.s32 $0x30, s11  }
0x15: {  	s10 =	sadd.s32 $0x40, s11;
	s11 =	sadd.s32 $0x4C00, s1;
	s6 =	sadd.s32 s0, s6  }
0x16: {  	s1 =	simm.s32 $0x0;
	s0 =	sadd.s32 s4, s0;
	[dreg:$0x6] =	wrdreg s6  }
0x17: {  	s13 =	sadd.s32 $0x90, s0;
	s14 =	sadd.s32 $0x80, s0;
	s15 =	sadd.s32 $0x70, s0  }
0x18: {  	s16 =	sadd.s32 $0x60, s0;
	s17 =	sadd.s32 $0x50, s0;
	s0 =	simm.s32 $0x5  }
.LBB2_1:
0x19: {  	s4 =	rddreg [dreg:$0x4]  }
0x1a: {  	[tilespmem:s18], [sflag:$0x6] =	stream.linear.gather [hbm4b:s4+s3], $0x2800, $0x38;
	[tilespmem:$0x16A80] =	vst v63  }
0x1b: {  	_ =	swait.ge [sflag:s19], $0x2800  }
0x1c: {  	[sflag:s19] =	ssyncset.done $0x0  }
0x1d: {  	s6 =	rddreg [dreg:$0x5];
	[sflag:s19] =	ssyncadd.s32 $0xFFFFD800  }
0x1e: {  	[spmem:s21], [sflag:s20] =	dma.local [hbm:s6], $0x2800  }
0x1f: {  	_ =	swait.ge [sflag:s19], $0x2800  }
0x20: {  	[sflag:s19] =	ssyncset.done $0x0  }
0x21: {  	[sflag:s19] =	ssyncadd.s32 $0xFFFFD800  }
0x22: {  	[bflag:$0x0] =	sbarrier.arrive $0xFFFF  }
0x23: {  	s5 =	rddreg [dreg:$0x6]  }
0x24: {  	[tilespmem:s3], [sflag:$0x6] =	stream.linear.gather [hbm4b:s5+s3], $0x80, $0x38;
	[tilespmem:$0x16A80] =	vst v63  }
0x25: {  	_ =	swait.ge [sflag:s19], $0x80  }
0x26: {  	[sflag:s19] =	ssyncset.done $0x0  }
0x27: {  	[sflag:s19] =	ssyncadd.s32 $0xFFFFFF80  }
0x28: {  	[spmem:s2] =	stream.indirect.scatter.add.f32 [tilespmem:s18], [sflag:$0x1], $0x80, s3, s22, $0xb8;
	[tilespmem:$0x16A80] =	vst v63  }
0x29: {  	_ = 	snop  }
0x2a: {  	[tilespmem:s23], [sflag:$0x6] =	stream.linear.gather [hbm4b:s7+s3], $0x80, $0x38;
	[tilespmem:$0x16A80] =	vst v63  }
0x2b: {  	_ =	swait.ge [sflag:s19], $0x80  }
0x2c: {  	[sflag:s19] =	ssyncset.done $0x0  }
0x2d: {  	[sflag:s19] =	ssyncadd.s32 $0xFFFFFF80  }
0x2e: {  	[spmem:s2] =	stream.indirect.scatter.add.f32 [tilespmem:s18], [sflag:$0x2], $0x80, s23, s22, $0xb8;
	[tilespmem:$0x16A80] =	vst v63  }
0x2f: {  	_ = 	snop  }
0x30: {  	[tilespmem:s24], [sflag:$0x6] =	stream.linear.gather [hbm4b:s8+s3], $0x80, $0x38;
	[tilespmem:$0x16A80] =	vst v63  }
0x31: {  	_ =	swait.ge [sflag:s19], $0x80  }
0x32: {  	[sflag:s19] =	ssyncset.done $0x0  }
0x33: {  	[sflag:s19] =	ssyncadd.s32 $0xFFFFFF80  }
0x34: {  	[spmem:s2] =	stream.indirect.scatter.add.f32 [tilespmem:s18], [sflag:$0x3], $0x80, s24, s22, $0xb8;
	[tilespmem:$0x16A80] =	vst v63  }
0x35: {  	_ = 	snop  }
0x36: {  	[tilespmem:s25], [sflag:$0x6] =	stream.linear.gather [hbm4b:s9+s3], $0x80, $0x38;
	[tilespmem:$0x16A80] =	vst v63  }
0x37: {  	_ =	swait.ge [sflag:s19], $0x80  }
0x38: {  	[sflag:s19] =	ssyncset.done $0x0  }
0x39: {  	[sflag:s19] =	ssyncadd.s32 $0xFFFFFF80  }
0x3a: {  	[spmem:s2] =	stream.indirect.scatter.add.f32 [tilespmem:s18], [sflag:$0x4], $0x80, s25, s22, $0xb8;
	[tilespmem:$0x16A80] =	vst v63  }
0x3b: {  	_ = 	snop  }
0x3c: {  	[tilespmem:s26], [sflag:$0x6] =	stream.linear.gather [hbm4b:s10+s3], $0x80, $0x38;
	[tilespmem:$0x16A80] =	vst v63  }
0x3d: {  	_ =	swait.ge [sflag:s19], $0x80  }
0x3e: {  	[sflag:s19] =	ssyncset.done $0x0  }
0x3f: {  	[sflag:s19] =	ssyncadd.s32 $0xFFFFFF80  }
0x40: {  	[spmem:s2] =	stream.indirect.scatter.add.f32 [tilespmem:s18], [sflag:$0x5], $0x80, s26, s22, $0xb8;
	[tilespmem:$0x16A80] =	vst v63  }
0x41: {  	_ =	swait.ge [sflag:s28], $0x2800  }
0x42: {  	[sflag:s28] =	ssyncset.done $0x0  }
0x43: {  	s6 =	sadd.s32 $0x0, s17;
	[sflag:s28] =	ssyncadd.s32 $0xFFFFD800  }
0x44: {  	[tilespmem:s3], [sflag:$0x6] =	stream.linear.gather [hbm4b:s6+s3], $0x80, $0x38;
	[tilespmem:$0x16A80] =	vst v63  }
0x45: {  	_ =	swait.ge [sflag:s19], $0x80  }
0x46: {  	[sflag:s19] =	ssyncset.done $0x0  }
0x47: {  	[sflag:s19] =	ssyncadd.s32 $0xFFFFFF80  }
0x48: {  	[spmem:s2] =	stream.indirect.scatter.add.f32 [tilespmem:s18], [sflag:$0x1], $0x80, s3, s22, $0xb8;
	[tilespmem:$0x16A80] =	vst v63  }
0x49: {  	_ =	swait.ge [sflag:s29], $0x2800  }
0x4a: {  	[sflag:s29] =	ssyncset.done $0x0  }
0x4b: {  	s5 =	sadd.s32 $0x0, s16;
	[sflag:s29] =	ssyncadd.s32 $0xFFFFD800  }
0x4c: {  	[tilespmem:s23], [sflag:$0x6] =	stream.linear.gather [hbm4b:s5+s3], $0x80, $0x38;
	[tilespmem:$0x16A80] =	vst v63  }
0x4d: {  	_ =	swait.ge [sflag:s19], $0x80  }
0x4e: {  	[sflag:s19] =	ssyncset.done $0x0  }
0x4f: {  	[sflag:s19] =	ssyncadd.s32 $0xFFFFFF80  }
0x50: {  	[spmem:s2] =	stream.indirect.scatter.add.f32 [tilespmem:s18], [sflag:$0x2], $0x80, s23, s22, $0xb8;
	[tilespmem:$0x16A80] =	vst v63  }
0x51: {  	_ =	swait.ge [sflag:s30], $0x2800  }
0x52: {  	[sflag:s30] =	ssyncset.done $0x0  }
0x53: {  	s6 =	sadd.s32 $0x0, s15;
	[sflag:s30] =	ssyncadd.s32 $0xFFFFD800  }
0x54: {  	[tilespmem:s24], [sflag:$0x6] =	stream.linear.gather [hbm4b:s6+s3], $0x80, $0x38;
	[tilespmem:$0x16A80] =	vst v63  }
0x55: {  	_ =	swait.ge [sflag:s19], $0x80  }
0x56: {  	[sflag:s19] =	ssyncset.done $0x0  }
0x57: {  	[sflag:s19] =	ssyncadd.s32 $0xFFFFFF80  }
0x58: {  	[spmem:s2] =	stream.indirect.scatter.add.f32 [tilespmem:s18], [sflag:$0x3], $0x80, s24, s22, $0xb8;
	[tilespmem:$0x16A80] =	vst v63  }
0x59: {  	_ =	swait.ge [sflag:s31], $0x2800  }
0x5a: {  	[sflag:s31] =	ssyncset.done $0x0  }
0x5b: {  	s5 =	sadd.s32 $0x0, s14;
	[sflag:s31] =	ssyncadd.s32 $0xFFFFD800  }
0x5c: {  	[tilespmem:s25], [sflag:$0x6] =	stream.linear.gather [hbm4b:s5+s3], $0x80, $0x38;
	[tilespmem:$0x16A80] =	vst v63  }
0x5d: {  	_ =	swait.ge [sflag:s19], $0x80  }
0x5e: {  	[sflag:s19] =	ssyncset.done $0x0  }
0x5f: {  	[sflag:s19] =	ssyncadd.s32 $0xFFFFFF80  }
0x60: {  	[spmem:s2] =	stream.indirect.scatter.add.f32 [tilespmem:s18], [sflag:$0x4], $0x80, s25, s22, $0xb8;
	[tilespmem:$0x16A80] =	vst v63  }
0x61: {  	_ =	swait.ge [sflag:s0], $0x2800  }
0x62: {  	[sflag:s0] =	ssyncset.done $0x0  }
0x63: {  	s6 =	sadd.s32 $0x0, s13;
	[sflag:s0] =	ssyncadd.s32 $0xFFFFD800  }
0x64: {  	[tilespmem:s26], [sflag:$0x6] =	stream.linear.gather [hbm4b:s6+s3], $0x80, $0x38;
	[tilespmem:$0x16A80] =	vst v63  }
0x65: {  	_ =	swait.ge [sflag:s19], $0x80  }
0x66: {  	[sflag:s19] =	ssyncset.done $0x0  }
0x67: {  	s4 =	simm.s32 $0x50;
	[sflag:s19] =	ssyncadd.s32 $0xFFFFFF80  }
.LBB2_2:
0x68: {  	[spmem:s2] =	stream.indirect.scatter.add.f32 [tilespmem:s18], [sflag:$0x5], $0x80, s26, s22, $0xb8;
	[tilespmem:$0x16A80] =	vst v63  }
0x69: {  	s5 =	smov.u32 s4  }
0x6a: {  	p0 =	sne.s32 s4, $0x730;
	s4 =	sadd.s32 $0x50, s4;
	_ =	swait.ge [sflag:s28], $0x2800  }
0x6b: {  	[sflag:s28] =	ssyncset.done $0x0  }
0x6c: {  	s6 =	sadd.s32 s5, s17;
	[sflag:s28] =	ssyncadd.s32 $0xFFFFD800  }
0x6d: {  	[tilespmem:s3], [sflag:$0x6] =	stream.linear.gather [hbm4b:s6+s3], $0x80, $0x38;
	[tilespmem:$0x16A80] =	vst v63  }
0x6e: {  	_ =	swait.ge [sflag:s19], $0x80  }
0x6f: {  	[sflag:s19] =	ssyncset.done $0x0  }
0x70: {  	[sflag:s19] =	ssyncadd.s32 $0xFFFFFF80  }
0x71: {  	[spmem:s2] =	stream.indirect.scatter.add.f32 [tilespmem:s18], [sflag:$0x1], $0x80, s3, s22, $0xb8;
	[tilespmem:$0x16A80] =	vst v63  }
0x72: {  	_ =	swait.ge [sflag:s29], $0x2800  }
0x73: {  	[sflag:s29] =	ssyncset.done $0x0  }
0x74: {  	s6 =	sadd.s32 s5, s16;
	[sflag:s29] =	ssyncadd.s32 $0xFFFFD800  }
0x75: {  	[tilespmem:s23], [sflag:$0x6] =	stream.linear.gather [hbm4b:s6+s3], $0x80, $0x38;
	[tilespmem:$0x16A80] =	vst v63  }
0x76: {  	_ =	swait.ge [sflag:s19], $0x80  }
0x77: {  	[sflag:s19] =	ssyncset.done $0x0  }
0x78: {  	[sflag:s19] =	ssyncadd.s32 $0xFFFFFF80  }
0x79: {  	[spmem:s2] =	stream.indirect.scatter.add.f32 [tilespmem:s18], [sflag:$0x2], $0x80, s23, s22, $0xb8;
	[tilespmem:$0x16A80] =	vst v63  }
0x7a: {  	_ =	swait.ge [sflag:s30], $0x2800  }
0x7b: {  	[sflag:s30] =	ssyncset.done $0x0  }
0x7c: {  	s6 =	sadd.s32 s5, s15;
	[sflag:s30] =	ssyncadd.s32 $0xFFFFD800  }
0x7d: {  	[tilespmem:s24], [sflag:$0x6] =	stream.linear.gather [hbm4b:s6+s3], $0x80, $0x38;
	[tilespmem:$0x16A80] =	vst v63  }
0x7e: {  	_ =	swait.ge [sflag:s19], $0x80  }
0x7f: {  	[sflag:s19] =	ssyncset.done $0x0  }
0x80: {  	[sflag:s19] =	ssyncadd.s32 $0xFFFFFF80  }
0x81: {  	[spmem:s2] =	stream.indirect.scatter.add.f32 [tilespmem:s18], [sflag:$0x3], $0x80, s24, s22, $0xb8;
	[tilespmem:$0x16A80] =	vst v63  }
0x82: {  	_ =	swait.ge [sflag:s31], $0x2800  }
0x83: {  	[sflag:s31] =	ssyncset.done $0x0  }
0x84: {  	s6 =	sadd.s32 s5, s14;
	[sflag:s31] =	ssyncadd.s32 $0xFFFFD800  }
0x85: {  	[tilespmem:s25], [sflag:$0x6] =	stream.linear.gather [hbm4b:s6+s3], $0x80, $0x38;
	[tilespmem:$0x16A80] =	vst v63  }
0x86: {  	_ =	swait.ge [sflag:s19], $0x80  }
0x87: {  	[sflag:s19] =	ssyncset.done $0x0  }
0x88: {  	[sflag:s19] =	ssyncadd.s32 $0xFFFFFF80  }
0x89: {  	[spmem:s2] =	stream.indirect.scatter.add.f32 [tilespmem:s18], [sflag:$0x4], $0x80, s25, s22, $0xb8;
	[tilespmem:$0x16A80] =	vst v63  }
0x8a: {  	_ =	swait.ge [sflag:s0], $0x2800  }
0x8b: {  	[sflag:s0] =	ssyncset.done $0x0  }
.Ltmp0:
0x8c: {  	s5 =	sadd.s32 s5, s13;
	[sflag:s0] =	ssyncadd.s32 $0xFFFFD800;
	(pc) =	sbr.rel @p0 .LBB2_2-.Ltmp0, $4  }
0x8d: {  	[tilespmem:s26], [sflag:$0x6] =	stream.linear.gather [hbm4b:s5+s3], $0x80, $0x38;
	[tilespmem:$0x16A80] =	vst v63  }
0x8e: {  	_ =	swait.ge [sflag:s19], $0x80  }
0x8f: {  	[sflag:s19] =	ssyncset.done $0x0  }
0x90: {  	[sflag:s19] =	ssyncadd.s32 $0xFFFFFF80  }
0x91: {  	[spmem:s2] =	stream.indirect.scatter.add.f32 [tilespmem:s18], [sflag:$0x5], $0x80, s26, s22, $0xb8;
	[tilespmem:$0x16A80] =	vst v63  }
0x92: {  	_ =	swait.ge [sflag:s28], $0x2800  }
0x93: {  	[sflag:s28] =	ssyncset.done $0x0  }
0x94: {  	[sflag:s28] =	ssyncadd.s32 $0xFFFFD800  }
0x95: {  	_ =	swait.ge [sflag:s29], $0x2800  }
0x96: {  	[sflag:s29] =	ssyncset.done $0x0  }
0x97: {  	[sflag:s29] =	ssyncadd.s32 $0xFFFFD800  }
0x98: {  	_ =	swait.ge [sflag:s30], $0x2800  }
0x99: {  	[sflag:s30] =	ssyncset.done $0x0  }
0x9a: {  	[sflag:s30] =	ssyncadd.s32 $0xFFFFD800  }
0x9b: {  	_ =	swait.ge [sflag:s31], $0x2800  }
0x9c: {  	[sflag:s31] =	ssyncset.done $0x0  }
0x9d: {  	[sflag:s31] =	ssyncadd.s32 $0xFFFFD800  }
0x9e: {  	_ =	swait.ge [sflag:s0], $0x2800  }
0x9f: {  	s1 =	sadd.s32 $0x1, s1;
	[sflag:s0] =	ssyncset.done $0x0  }
0xa0: {  	p0 =	sne.s32 s1, s12;
	[sflag:s0] =	ssyncadd.s32 $0xFFFFD800  }
.Ltmp1:
0xa1: {  	[bflag:$0x0] =	sbarrier.arrive $0xFFFF;
	(pc) =	sbr.rel @p0 .LBB2_1-.Ltmp1, $4  }
0xa2: {  	[hbm:s11], [sflag:s20] =	dma.local [spmem:s21], $0x2800  }
0xa3: {  	_ =	swait.ge [sflag:s19], $0x2800  }
0xa4: {  	[sflag:s19] =	ssyncset.done $0x0  }
0xa5: {  	[sflag:s19] =	ssyncadd.s32 $0xFFFFD800  }
0xa6: {  	_ =	sfence.sel $0x180000  }
0xa7: {  	[bflag:$0x0] =	sbarrier.arrive $0xFFFF  }
0xa8: {  	_ =	strace $0x90000047  }
0xa9: {  	s0 =	stileid.u32;
	[bflag:$0x2] =	sbarrier.arrive $0xFFFF  }
0xaa: {  	p0 =	sne.s32 s0, $0x0;
	s0 =	rddreg [dreg:$0x3]  }
0xab: {  	s0 =	sadd.s32 @!p0 $0x100000, s0  }
0xac: {  	[sflag:s0] =	ssyncadd.tile.s32 @!p0 $0x1;
	_ =	shalt  }
.Lfunc_end2:
_tile_overlayer_lowered:
.L_overlay_start_2:
0xad: {  	(tag) =	ssettag $0x2  }
0xae: {  	s0 =	rddreg [dreg:$0x0];
	s2 =	stileid.u32  }
0xaf: {  	s1 =	rddreg [dreg:$0x1];
	p0 =	sne.s32 s2, $0x0  }
0xb0: {  	s3 =	rddreg [dreg:$0x2];
	[bflag:$0x3] =	sbarrier.arrive $0xFFFF;
	s2 =	simm.s32 @!p0 $0x1C06  }
0xb1: {  	[timem:s3], [sflag:s2] =	dma.local @!p0 [hbm:s0], s1  }
0xb2: {  	s0 =	simm.s32 @!p0 $0x6  }
0xb3: {  	_ =	swait.ge @!p0 [sflag:s0], s1  }
0xb4: {  	s1 =	ssub.s32 @!p0 $0x0, s1;
	[sflag:s0] =	ssyncset.done @!p0 $0x0  }
0xb5: {  	[sflag:s0] =	ssyncadd.s32 @!p0 s1  }
0xb6: {  	[bflag:$0x3] =	sbarrier.arrive $0xFFFF  }
0xb7: {  	_ =	shalt  }

</sc_bundles>
